<compile_context>
chip_gen: v7x
topology: tpu7x:2x2x1
jax: 0.10.2.dev20260603
libtpu: 0.0.44.dev20260713+nightly
codegen_flags: <defaults>
</compile_context>

<pallas_src>
import functools

import jax
import jax.numpy as jnp
from jax import lax
from jax.experimental import pallas as pl
from jax.experimental.pallas import tpu as pltpu
from jax.experimental.pallas import tpu_sc as plsc

N = 10000
NP = 10240
E = 320000
D = 128
NC = 2
NS = 16
NW = NC * NS
EPW = 10240
EP = NW * EPW
CH = 128
NCH = EPW // CH
RPW = NP // NS
HW = 16

_mesh = plsc.VectorSubcoreMesh(
    core_axis_name="c", subcore_axis_name="s", num_cores=NC, num_subcores=NS
)


def _hist_body(src_hbm, dst_hbm, zeros_hbm, out_hbm,
               acc, six, dix, pat_s, pat_d, isem):
    c = lax.axis_index("c")
    s = lax.axis_index("s")
    wid = c * NS + s
    one16 = jnp.ones((16,), jnp.float32)
    zero16 = jnp.zeros((16,), jnp.float32)

    def fill(i, carry):
        pat_s[i, pl.ds(0, 16)] = one16
        pat_d[i, pl.ds(0, 16)] = zero16
        pat_s[i, pl.ds(16, 16)] = zero16
        pat_d[i, pl.ds(16, 16)] = one16
        for j in range(2, 8):
            pat_s[i, pl.ds(j * 16, 16)] = zero16
            pat_d[i, pl.ds(j * 16, 16)] = zero16
        return carry

    lax.fori_loop(0, CH, fill, 0)

    ebase = wid * EPW

    def fire_idx(j, slot):
        pltpu.async_copy(src_hbm.at[pl.ds(ebase + j * CH, CH)], six[slot], isem[slot])
        pltpu.async_copy(dst_hbm.at[pl.ds(ebase + j * CH, CH)], dix[slot], isem[slot])

    def wait_idx(slot):
        pltpu.make_async_copy(src_hbm.at[pl.ds(ebase, CH)], six[slot], isem[slot]).wait()
        pltpu.make_async_copy(dst_hbm.at[pl.ds(ebase, CH)], dix[slot], isem[slot]).wait()

    fire_idx(0, 0)
    pltpu.sync_copy(zeros_hbm.at[pl.ds(s * RPW, RPW)], acc.at[pl.ds(s * RPW, RPW)])
    plsc.subcore_barrier()

    def body(k, carry):
        for p in range(2):
            j = 2 * k + p

            @pl.when(j < NCH - 1)
            def _():
                fire_idx(j + 1, (p + 1) % 2)

            wait_idx(p)
            pltpu.sync_copy(pat_s, acc.at[six[p]], add=True)
            pltpu.sync_copy(pat_d, acc.at[dix[p]], add=True)
        return carry

    lax.fori_loop(0, NCH // 2, body, 0)
    plsc.subcore_barrier()
    pltpu.sync_copy(acc.at[pl.ds(s * RPW, RPW)],
                    out_hbm.at[pl.ds(c * NP + s * RPW, RPW)])


_hist = pl.kernel(
    _hist_body,
    out_type=jax.ShapeDtypeStruct((2 * NP, D), jnp.float32),
    mesh=_mesh,
    scratch_types=[
        pltpu.VMEM_SHARED((NP, D), jnp.float32),
        [pltpu.VMEM((CH,), jnp.int32)] * 2,
        [pltpu.VMEM((CH,), jnp.int32)] * 2,
        pltpu.VMEM((CH, D), jnp.float32),
        pltpu.VMEM((CH, D), jnp.float32),
        [pltpu.SemaphoreType.DMA] * 2,
    ],
)


def _agg_body(h_hbm, src_hbm, dst_hbm, zeros_hbm, out_hbm,
              acc, six, dix, rows, isem, rsem):
    c = lax.axis_index("c")
    s = lax.axis_index("s")
    wid = c * NS + s
    pltpu.sync_copy(zeros_hbm.at[pl.ds(s * RPW, RPW)], acc.at[pl.ds(s * RPW, RPW)])

    ebase = wid * EPW

    def fire_idx(j, slot):
        pltpu.async_copy(src_hbm.at[pl.ds(ebase + j * CH, CH)], six[slot], isem[slot])
        pltpu.async_copy(dst_hbm.at[pl.ds(ebase + j * CH, CH)], dix[slot], isem[slot])

    def wait_idx(slot):
        pltpu.make_async_copy(src_hbm.at[pl.ds(ebase, CH)], six[slot], isem[slot]).wait()
        pltpu.make_async_copy(dst_hbm.at[pl.ds(ebase, CH)], dix[slot], isem[slot]).wait()

    fire_idx(0, 0)
    fire_idx(1, 1)
    wait_idx(0)
    pltpu.async_copy(h_hbm.at[six[0]], rows[0], rsem[0])
    plsc.subcore_barrier()

    def body(t, carry):
        for p in range(4):
            k = 4 * t + p
            s1, s2 = (p + 1) % 4, (p + 2) % 4
            r0, r1 = p % 2, (p + 1) % 2

            @pl.when(k < NCH - 1)
            def _():
                wait_idx(s1)
                pltpu.async_copy(h_hbm.at[six[s1]], rows[r1], rsem[r1])

            pltpu.make_async_copy(h_hbm.at[six[p]], rows[r0], rsem[r0]).wait()

            @pl.when(k < NCH - 2)
            def _():
                fire_idx(k + 2, s2)

            pltpu.sync_copy(rows[r0], acc.at[dix[p]], add=True)
        return carry

    lax.fori_loop(0, NCH // 4, body, 0)
    plsc.subcore_barrier()
    pltpu.sync_copy(acc.at[pl.ds(s * RPW, RPW)],
                    out_hbm.at[pl.ds(c * NP + s * RPW, RPW)])


_agg = pl.kernel(
    _agg_body,
    out_type=jax.ShapeDtypeStruct((2 * NP, D), jnp.float32),
    mesh=_mesh,
    scratch_types=[
        pltpu.VMEM_SHARED((NP, D), jnp.float32),
        [pltpu.VMEM((CH,), jnp.int32)] * 4,
        [pltpu.VMEM((CH,), jnp.int32)] * 4,
        [pltpu.VMEM((CH, D), jnp.float32)] * 2,
        [pltpu.SemaphoreType.DMA] * 4,
        [pltpu.SemaphoreType.DMA] * 2,
    ],
)


BR = 1280
_GRID = NP // BR


SRC_COL = 0
DST_COL = 16


def _norm_from(h0, h1, col):
    deg = h0[:, col:col + 1] + h1[:, col:col + 1]
    return lax.rsqrt(jnp.maximum(deg, 1.0))


def _scale_body(x_ref, h0, h1, o_ref):
    o_ref[...] = x_ref[...] * _norm_from(h0[...], h1[...], SRC_COL)


def _layer1_body(a0, a1, h0, h1, w_ref, b_ref, o_ref):
    agg = (a0[...] + a1[...]) * _norm_from(h0[...], h1[...], DST_COL)
    h = jnp.dot(agg, w_ref[...], preferred_element_type=jnp.float32) + b_ref[...]
    h = jnp.maximum(h, 0.0)
    o_ref[...] = h * _norm_from(h0[...], h1[...], SRC_COL)


def _layer2_body(a0, a1, h0, h1, w_ref, b_ref, wf_ref, bf_ref, o_ref):
    agg = (a0[...] + a1[...]) * _norm_from(h0[...], h1[...], DST_COL)
    h = jnp.dot(agg, w_ref[...], preferred_element_type=jnp.float32) + b_ref[...]
    o_ref[...] = (
        jnp.dot(h, wf_ref[...], preferred_element_type=jnp.float32) + bf_ref[...]
    )


def _hist_spec(core):
    off = core * (NP // BR)
    return pl.BlockSpec((BR, D), lambda i, o=off: (o + i, 0))


def _acc_spec(core):
    off = core * (NP // BR)
    return pl.BlockSpec((BR, D), lambda i, o=off: (o + i, 0))


_row_spec = pl.BlockSpec((BR, D), lambda i: (i, 0))


_scale = pl.pallas_call(
    _scale_body,
    grid=(_GRID,),
    in_specs=[_row_spec, _hist_spec(0), _hist_spec(1)],
    out_specs=_row_spec,
    out_shape=jax.ShapeDtypeStruct((NP, D), jnp.float32),
)

_layer1 = pl.pallas_call(
    _layer1_body,
    grid=(_GRID,),
    in_specs=[
        _acc_spec(0), _acc_spec(1),
        _hist_spec(0), _hist_spec(1),
        pl.BlockSpec((D, D), lambda i: (0, 0)),
        pl.BlockSpec((1, D), lambda i: (0, 0)),
    ],
    out_specs=_row_spec,
    out_shape=jax.ShapeDtypeStruct((NP, D), jnp.float32),
)

_layer2 = pl.pallas_call(
    _layer2_body,
    grid=(_GRID,),
    in_specs=[
        _acc_spec(0), _acc_spec(1),
        _hist_spec(0), _hist_spec(1),
        pl.BlockSpec((D, D), lambda i: (0, 0)),
        pl.BlockSpec((1, D), lambda i: (0, 0)),
        pl.BlockSpec((D, 1), lambda i: (0, 0)),
        pl.BlockSpec((1, 1), lambda i: (0, 0)),
    ],
    out_specs=pl.BlockSpec((BR, 1), lambda i: (i, 0)),
    out_shape=jax.ShapeDtypeStruct((NP, 1), jnp.float32),
)


def kernel(x, edge_index, W1, b1, W2, b2, Wfc, bfc):
    src = edge_index[0].astype(jnp.int32)
    dst = edge_index[1].astype(jnp.int32)
    pad = N + jnp.arange(EP - E, dtype=jnp.int32) % (NP - N)
    src = jnp.concatenate([src, pad])
    dst = jnp.concatenate([dst, pad])
    xp = jnp.pad(x.astype(jnp.float32), ((0, NP - N), (0, 0)))

    zeros = jnp.zeros((NP, D), jnp.float32)

    hist = _hist(src, dst, zeros)
    h0 = _scale(xp, hist, hist)

    acc1 = _agg(h0, src, dst, zeros)
    h1 = _layer1(acc1, acc1, hist, hist,
                 W1, b1.reshape(1, D))

    acc2 = _agg(h1, src, dst, zeros)
    out = _layer2(acc2, acc2, hist, hist,
                  W2, b2.reshape(1, D), Wfc, bfc.reshape(1, 1))
    return out[:N]

# --- scband reference (transcript-rebuilt; emitter-appended) ---
"""Pipeline reference for scband-gcn-binary-56487409877510 (READ-ONLY COPY).

The authoritative reference and input builder live on the scoring server;
editing this copy changes nothing except your own understanding.
"""

import jax, jax.numpy as jnp
import numpy as np

N_NODES = 10000
N_EDGES = 320000
NFEAT = 128
NHID = 128
NCLASS = 1


def setup_inputs(seed: int = 0) -> dict:
    key = jax.random.key(seed)
    k_x, k_e, k_w1, k_b1, k_w2, k_b2, k_wf, k_bf = jax.random.split(key, 8)
    x = jax.random.normal(k_x, (N_NODES, NFEAT), dtype=jnp.float32)
    edge_index = jax.random.randint(k_e, (2, N_EDGES), 0, N_NODES, dtype=jnp.int64)
    # Xavier-ish init for learned params (GraphConv weights, biases, final Linear)
    W1 = jax.random.normal(k_w1, (NFEAT, NHID), dtype=jnp.float32) / np.sqrt(NFEAT)
    b1 = jnp.zeros((NHID,), dtype=jnp.float32)
    W2 = jax.random.normal(k_w2, (NHID, NHID), dtype=jnp.float32) / np.sqrt(NHID)
    b2 = jnp.zeros((NHID,), dtype=jnp.float32)
    Wfc = jax.random.normal(k_wf, (NHID, NCLASS), dtype=jnp.float32) / np.sqrt(NHID)
    bfc = jnp.zeros((NCLASS,), dtype=jnp.float32)
    return {"x": x, "edge_index": edge_index, "W1": W1, "b1": b1, "W2": W2, "b2": b2, "Wfc": Wfc, "bfc": bfc}


def _graph_conv(x, src, dst, norm_src, norm_dst, W, b):
    # DGL GraphConv with norm='both': D_dst^{-1/2} A D_src^{-1/2} X W + b
    h = x * norm_src[:, None]
    m = jnp.take(h, src, axis=0)                     # gather messages by source node
    agg = jax.ops.segment_sum(m, dst, num_segments=N_NODES)  # scatter-add by dest node
    agg = agg * norm_dst[:, None]
    return agg @ W + b


def reference(x, edge_index, W1, b1, W2, b2, Wfc, bfc):
    src = edge_index[0]
    dst = edge_index[1]
    ones = jnp.ones((src.shape[0],), dtype=jnp.float32)
    deg_out = jax.ops.segment_sum(ones, src, num_segments=N_NODES)
    deg_in = jax.ops.segment_sum(ones, dst, num_segments=N_NODES)
    norm_src = jnp.power(jnp.maximum(deg_out, 1.0), -0.5)
    norm_dst = jnp.power(jnp.maximum(deg_in, 1.0), -0.5)
    # GCN_Body: gc1 -> relu -> (dropout=identity in eval) -> gc2
    h = _graph_conv(x, src, dst, norm_src, norm_dst, W1, b1)
    h = jax.nn.relu(h)
    h = _graph_conv(h, src, dst, norm_src, norm_dst, W2, b2)
    # final fc head
    out = h @ Wfc + bfc
    return out

if __name__ == "__main__":
    import jax
    _d = setup_inputs()
    print(jax.jit(kernel)(*tuple(_d.values())))

</pallas_src>

<mosaic_0001>
#map = affine_map<(d0, d1) -> (0)>
#map1 = affine_map<(d0, d1) -> (0, 0)>
module attributes {stable_mosaic.version = 14 : i64} {
  func.func @_hist_body(%arg0: i32, %arg1: i32, %arg2: memref<327680xi32, #tpu.memory_space<hbm>>, %arg3: memref<327680xi32, #tpu.memory_space<hbm>>, %arg4: memref<10240x128xf32, #tpu.memory_space<hbm>>, %arg5: memref<20480x128xf32, #tpu.memory_space<hbm>>, %arg6: memref<10240x128xf32, #tpu.memory_space<vmem_shared>>, %arg7: memref<128xi32, #tpu.memory_space<vmem>>, %arg8: memref<128xi32, #tpu.memory_space<vmem>>, %arg9: memref<128xi32, #tpu.memory_space<vmem>>, %arg10: memref<128xi32, #tpu.memory_space<vmem>>, %arg11: memref<128x128xf32, #tpu.memory_space<vmem>>, %arg12: memref<128x128xf32, #tpu.memory_space<vmem>>, %arg13: memref<!tpu.dma_semaphore, #tpu.memory_space<semaphore_mem>>, %arg14: memref<!tpu.dma_semaphore, #tpu.memory_space<semaphore_mem>>) attributes {dimension_semantics = [#tpu.dimension_semantics<core_parallel>, #tpu.dimension_semantics<subcore_parallel>], iteration_bounds = array<i64: 2, 16>, scalar_prefetch = 0 : i64, scratch_operands = 9 : i64, tpu.core_type = #tpu.core_type<sc_vector_subcore>, window_params = [{transform_indices = #map}, {transform_indices = #map}, {transform_indices = #map1}, {transform_indices = #map1}]} {
    %mul3A = arith.constant 16 : i32
    %mul3A_0 = arith.muli %arg0, %mul3A : i32
    %add3A = arith.addi %mul3A_0, %arg1 : i32
    %broadcast_in_dim3A = arith.constant 1.000000e+00 : f32
    %broadcast_in_dim3A_1 = vector.broadcast %broadcast_in_dim3A : f32 to vector<16xf32>
    %broadcast_in_dim3A_2 = arith.constant 0.000000e+00 : f32
    %broadcast_in_dim3A_3 = vector.broadcast %broadcast_in_dim3A_2 : f32 to vector<16xf32>
    %scan3A = arith.constant 0 : i32
    %scan3A_4 = arith.constant 0 : i32
    %scan3A_5 = arith.constant 128 : i32
    %scan3A_6 = arith.addi %scan3A_4, %scan3A_5 : i32
    %scan3A_7 = arith.constant 1 : i32
    scf.for %scan3A_36 = %scan3A_4 to %scan3A_6 step %scan3A_7  : i32 {
      %swap3A = arith.index_cast %scan3A_36 : i32 to index
      %swap3A_37 = arith.constant 0 : index
      %swap3A_38 = tpu.vector_load %arg11[%swap3A, %swap3A_37] {strides = array<i32>} : memref<128x128xf32, #tpu.memory_space<vmem>>, vector<1x16xf32>,
      %swap3A_39 = vector.shape_cast %swap3A_38 : vector<1x16xf32> to vector<16xf32>
      %swap3A_40 = vector.shape_cast %broadcast_in_dim3A_1 : vector<16xf32> to vector<1x16xf32>
      tpu.vector_store %arg11[%swap3A, %swap3A_37], %swap3A_40 {strides = array<i32>} : memref<128x128xf32, #tpu.memory_space<vmem>>, vector<1x16xf32>,
      %swap3A_41 = arith.index_cast %scan3A_36 : i32 to index
      %swap3A_42 = arith.constant 0 : index
      %swap3A_43 = tpu.vector_load %arg12[%swap3A_41, %swap3A_42] {strides = array<i32>} : memref<128x128xf32, #tpu.memory_space<vmem>>, vector<1x16xf32>,
      %swap3A_44 = vector.shape_cast %swap3A_43 : vector<1x16xf32> to vector<16xf32>
      %swap3A_45 = vector.shape_cast %broadcast_in_dim3A_3 : vector<16xf32> to vector<1x16xf32>
      tpu.vector_store %arg12[%swap3A_41, %swap3A_42], %swap3A_45 {strides = array<i32>} : memref<128x128xf32, #tpu.memory_space<vmem>>, vector<1x16xf32>,
      %swap3A_46 = arith.index_cast %scan3A_36 : i32 to index
      %swap3A_47 = arith.constant 16 : index
      %swap3A_48 = tpu.vector_load %arg11[%swap3A_46, %swap3A_47] {strides = array<i32>} : memref<128x128xf32, #tpu.memory_space<vmem>>, vector<1x16xf32>,
      %swap3A_49 = vector.shape_cast %swap3A_48 : vector<1x16xf32> to vector<16xf32>
      %swap3A_50 = vector.shape_cast %broadcast_in_dim3A_3 : vector<16xf32> to vector<1x16xf32>
      tpu.vector_store %arg11[%swap3A_46, %swap3A_47], %swap3A_50 {strides = array<i32>} : memref<128x128xf32, #tpu.memory_space<vmem>>, vector<1x16xf32>,
      %swap3A_51 = arith.index_cast %scan3A_36 : i32 to index
      %swap3A_52 = arith.constant 16 : index
      %swap3A_53 = tpu.vector_load %arg12[%swap3A_51, %swap3A_52] {strides = array<i32>} : memref<128x128xf32, #tpu.memory_space<vmem>>, vector<1x16xf32>,
      %swap3A_54 = vector.shape_cast %swap3A_53 : vector<1x16xf32> to vector<16xf32>
      %swap3A_55 = vector.shape_cast %broadcast_in_dim3A_1 : vector<16xf32> to vector<1x16xf32>
      tpu.vector_store %arg12[%swap3A_51, %swap3A_52], %swap3A_55 {strides = array<i32>} : memref<128x128xf32, #tpu.memory_space<vmem>>, vector<1x16xf32>,
      %swap3A_56 = arith.index_cast %scan3A_36 : i32 to index
      %swap3A_57 = arith.constant 32 : index
      %swap3A_58 = tpu.vector_load %arg11[%swap3A_56, %swap3A_57] {strides = array<i32>} : memref<128x128xf32, #tpu.memory_space<vmem>>, vector<1x16xf32>,
      %swap3A_59 = vector.shape_cast %swap3A_58 : vector<1x16xf32> to vector<16xf32>
      %swap3A_60 = vector.shape_cast %broadcast_in_dim3A_3 : vector<16xf32> to vector<1x16xf32>
      tpu.vector_store %arg11[%swap3A_56, %swap3A_57], %swap3A_60 {strides = array<i32>} : memref<128x128xf32, #tpu.memory_space<vmem>>, vector<1x16xf32>,
      %swap3A_61 = arith.index_cast %scan3A_36 : i32 to index
      %swap3A_62 = arith.constant 32 : index
      %swap3A_63 = tpu.vector_load %arg12[%swap3A_61, %swap3A_62] {strides = array<i32>} : memref<128x128xf32, #tpu.memory_space<vmem>>, vector<1x16xf32>,
      %swap3A_64 = vector.shape_cast %swap3A_63 : vector<1x16xf32> to vector<16xf32>
      %swap3A_65 = vector.shape_cast %broadcast_in_dim3A_3 : vector<16xf32> to vector<1x16xf32>
      tpu.vector_store %arg12[%swap3A_61, %swap3A_62], %swap3A_65 {strides = array<i32>} : memref<128x128xf32, #tpu.memory_space<vmem>>, vector<1x16xf32>,
      %swap3A_66 = arith.index_cast %scan3A_36 : i32 to index
      %swap3A_67 = arith.constant 48 : index
      %swap3A_68 = tpu.vector_load %arg11[%swap3A_66, %swap3A_67] {strides = array<i32>} : memref<128x128xf32, #tpu.memory_space<vmem>>, vector<1x16xf32>,
      %swap3A_69 = vector.shape_cast %swap3A_68 : vector<1x16xf32> to vector<16xf32>
      %swap3A_70 = vector.shape_cast %broadcast_in_dim3A_3 : vector<16xf32> to vector<1x16xf32>
      tpu.vector_store %arg11[%swap3A_66, %swap3A_67], %swap3A_70 {strides = array<i32>} : memref<128x128xf32, #tpu.memory_space<vmem>>, vector<1x16xf32>,
      %swap3A_71 = arith.index_cast %scan3A_36 : i32 to index
      %swap3A_72 = arith.constant 48 : index
      %swap3A_73 = tpu.vector_load %arg12[%swap3A_71, %swap3A_72] {strides = array<i32>} : memref<128x128xf32, #tpu.memory_space<vmem>>, vector<1x16xf32>,
      %swap3A_74 = vector.shape_cast %swap3A_73 : vector<1x16xf32> to vector<16xf32>
      %swap3A_75 = vector.shape_cast %broadcast_in_dim3A_3 : vector<16xf32> to vector<1x16xf32>
      tpu.vector_store %arg12[%swap3A_71, %swap3A_72], %swap3A_75 {strides = array<i32>} : memref<128x128xf32, #tpu.memory_space<vmem>>, vector<1x16xf32>,
      %swap3A_76 = arith.index_cast %scan3A_36 : i32 to index
      %swap3A_77 = arith.constant 64 : index
      %swap3A_78 = tpu.vector_load %arg11[%swap3A_76, %swap3A_77] {strides = array<i32>} : memref<128x128xf32, #tpu.memory_space<vmem>>, vector<1x16xf32>,
      %swap3A_79 = vector.shape_cast %swap3A_78 : vector<1x16xf32> to vector<16xf32>
      %swap3A_80 = vector.shape_cast %broadcast_in_dim3A_3 : vector<16xf32> to vector<1x16xf32>
      tpu.vector_store %arg11[%swap3A_76, %swap3A_77], %swap3A_80 {strides = array<i32>} : memref<128x128xf32, #tpu.memory_space<vmem>>, vector<1x16xf32>,
      %swap3A_81 = arith.index_cast %scan3A_36 : i32 to index
      %swap3A_82 = arith.constant 64 : index
      %swap3A_83 = tpu.vector_load %arg12[%swap3A_81, %swap3A_82] {strides = array<i32>} : memref<128x128xf32, #tpu.memory_space<vmem>>, vector<1x16xf32>,
      %swap3A_84 = vector.shape_cast %swap3A_83 : vector<1x16xf32> to vector<16xf32>
      %swap3A_85 = vector.shape_cast %broadcast_in_dim3A_3 : vector<16xf32> to vector<1x16xf32>
      tpu.vector_store %arg12[%swap3A_81, %swap3A_82], %swap3A_85 {strides = array<i32>} : memref<128x128xf32, #tpu.memory_space<vmem>>, vector<1x16xf32>,
      %swap3A_86 = arith.index_cast %scan3A_36 : i32 to index
      %swap3A_87 = arith.constant 80 : index
      %swap3A_88 = tpu.vector_load %arg11[%swap3A_86, %swap3A_87] {strides = array<i32>} : memref<128x128xf32, #tpu.memory_space<vmem>>, vector<1x16xf32>,
      %swap3A_89 = vector.shape_cast %swap3A_88 : vector<1x16xf32> to vector<16xf32>
      %swap3A_90 = vector.shape_cast %broadcast_in_dim3A_3 : vector<16xf32> to vector<1x16xf32>
      tpu.vector_store %arg11[%swap3A_86, %swap3A_87], %swap3A_90 {strides = array<i32>} : memref<128x128xf32, #tpu.memory_space<vmem>>, vector<1x16xf32>,
      %swap3A_91 = arith.index_cast %scan3A_36 : i32 to index
      %swap3A_92 = arith.constant 80 : index
      %swap3A_93 = tpu.vector_load %arg12[%swap3A_91, %swap3A_92] {strides = array<i32>} : memref<128x128xf32, #tpu.memory_space<vmem>>, vector<1x16xf32>,
      %swap3A_94 = vector.shape_cast %swap3A_93 : vector<1x16xf32> to vector<16xf32>
      %swap3A_95 = vector.shape_cast %broadcast_in_dim3A_3 : vector<16xf32> to vector<1x16xf32>
      tpu.vector_store %arg12[%swap3A_91, %swap3A_92], %swap3A_95 {strides = array<i32>} : memref<128x128xf32, #tpu.memory_space<vmem>>, vector<1x16xf32>,
      %swap3A_96 = arith.index_cast %scan3A_36 : i32 to index
      %swap3A_97 = arith.constant 96 : index
      %swap3A_98 = tpu.vector_load %arg11[%swap3A_96, %swap3A_97] {strides = array<i32>} : memref<128x128xf32, #tpu.memory_space<vmem>>, vector<1x16xf32>,
      %swap3A_99 = vector.shape_cast %swap3A_98 : vector<1x16xf32> to vector<16xf32>
      %swap3A_100 = vector.shape_cast %broadcast_in_dim3A_3 : vector<16xf32> to vector<1x16xf32>
      tpu.vector_store %arg11[%swap3A_96, %swap3A_97], %swap3A_100 {strides = array<i32>} : memref<128x128xf32, #tpu.memory_space<vmem>>, vector<1x16xf32>,
      %swap3A_101 = arith.index_cast %scan3A_36 : i32 to index
      %swap3A_102 = arith.constant 96 : index
      %swap3A_103 = tpu.vector_load %arg12[%swap3A_101, %swap3A_102] {strides = array<i32>} : memref<128x128xf32, #tpu.memory_space<vmem>>, vector<1x16xf32>,
      %swap3A_104 = vector.shape_cast %swap3A_103 : vector<1x16xf32> to vector<16xf32>
      %swap3A_105 = vector.shape_cast %broadcast_in_dim3A_3 : vector<16xf32> to vector<1x16xf32>
      tpu.vector_store %arg12[%swap3A_101, %swap3A_102], %swap3A_105 {strides = array<i32>} : memref<128x128xf32, #tpu.memory_space<vmem>>, vector<1x16xf32>,
      %swap3A_106 = arith.index_cast %scan3A_36 : i32 to index
      %swap3A_107 = arith.constant 112 : index
      %swap3A_108 = tpu.vector_load %arg11[%swap3A_106, %swap3A_107] {strides = array<i32>} : memref<128x128xf32, #tpu.memory_space<vmem>>, vector<1x16xf32>,
      %swap3A_109 = vector.shape_cast %swap3A_108 : vector<1x16xf32> to vector<16xf32>
      %swap3A_110 = vector.shape_cast %broadcast_in_dim3A_3 : vector<16xf32> to vector<1x16xf32>
      tpu.vector_store %arg11[%swap3A_106, %swap3A_107], %swap3A_110 {strides = array<i32>} : memref<128x128xf32, #tpu.memory_space<vmem>>, vector<1x16xf32>,
      %swap3A_111 = arith.index_cast %scan3A_36 : i32 to index
      %swap3A_112 = arith.constant 112 : index
      %swap3A_113 = tpu.vector_load %arg12[%swap3A_111, %swap3A_112] {strides = array<i32>} : memref<128x128xf32, #tpu.memory_space<vmem>>, vector<1x16xf32>,
      %swap3A_114 = vector.shape_cast %swap3A_113 : vector<1x16xf32> to vector<16xf32>
      %swap3A_115 = vector.shape_cast %broadcast_in_dim3A_3 : vector<16xf32> to vector<1x16xf32>
      tpu.vector_store %arg12[%swap3A_111, %swap3A_112], %swap3A_115 {strides = array<i32>} : memref<128x128xf32, #tpu.memory_space<vmem>>, vector<1x16xf32>,
    }
    %scan3A_8 = arith.constant 128 : i32
    %mul3A_9 = arith.constant 10240 : i32
    %mul3A_10 = arith.muli %add3A, %mul3A_9 : i32
    %add3A_11 = arith.constant 0 : i32
    %add3A_12 = arith.addi %mul3A_10, %add3A_11 : i32
    %dma_start3A = tpu.memref_slice %arg2[%add3A_12] : memref<327680xi32, #tpu.memory_space<hbm>> -> memref<128xi32, #tpu.memory_space<hbm>>
    %dma_start3A_13 = tpu.memref_slice %arg2[%add3A_12] : memref<327680xi32, #tpu.memory_space<hbm>> -> memref<128xi32, #tpu.memory_space<hbm>>
    tpu.enqueue_dma source(%dma_start3A_13 : memref<128xi32, #tpu.memory_space<hbm>>) target(%arg7 : memref<128xi32, #tpu.memory_space<vmem>>) target_semaphore(%arg13 : memref<!tpu.dma_semaphore, #tpu.memory_space<semaphore_mem>>)
    %add3A_14 = arith.constant 0 : i32
    %add3A_15 = arith.addi %mul3A_10, %add3A_14 : i32
    %dma_start3A_16 = tpu.memref_slice %arg3[%add3A_15] : memref<327680xi32, #tpu.memory_space<hbm>> -> memref<128xi32, #tpu.memory_space<hbm>>
    %dma_start3A_17 = tpu.memref_slice %arg3[%add3A_15] : memref<327680xi32, #tpu.memory_space<hbm>> -> memref<128xi32, #tpu.memory_space<hbm>>
    tpu.enqueue_dma source(%dma_start3A_17 : memref<128xi32, #tpu.memory_space<hbm>>) target(%arg9 : memref<128xi32, #tpu.memory_space<vmem>>) target_semaphore(%arg13 : memref<!tpu.dma_semaphore, #tpu.memory_space<semaphore_mem>>)
    %mul3A_18 = arith.constant 640 : i32
    %mul3A_19 = arith.muli %arg1, %mul3A_18 : i32
    %mul3A_20 = arith.constant 640 : i32
    %mul3A_21 = arith.muli %arg1, %mul3A_20 : i32
    "tpu.region"() ({
      %run_scoped3A = tpu.sem_alloc : memref<!tpu.dma_semaphore, #tpu.memory_space<semaphore_mem>>
      %dma_start3A_36 = arith.constant 0 : i32
      %dma_start3A_37 = tpu.memref_slice %arg6[%mul3A_21, %dma_start3A_36] : memref<10240x128xf32, #tpu.memory_space<vmem_shared>> -> memref<640x128xf32, #tpu.memory_space<vmem_shared>>
      %dma_start3A_38 = arith.constant 0 : i32
      %dma_start3A_39 = tpu.memref_slice %arg4[%mul3A_19, %dma_start3A_38] : memref<10240x128xf32, #tpu.memory_space<hbm>> -> memref<640x128xf32, #tpu.memory_space<hbm>>
      tpu.enqueue_dma source(%dma_start3A_39 : memref<640x128xf32, #tpu.memory_space<hbm>>) target(%dma_start3A_37 : memref<640x128xf32, #tpu.memory_space<vmem_shared>>) target_semaphore(%run_scoped3A : memref<!tpu.dma_semaphore, #tpu.memory_space<semaphore_mem>>)
      %dma_wait3A = arith.constant 0 : i32
      %dma_wait3A_40 = tpu.memref_slice %arg6[%mul3A_21, %dma_wait3A] : memref<10240x128xf32, #tpu.memory_space<vmem_shared>> -> memref<640x128xf32, #tpu.memory_space<vmem_shared>>
      %dma_wait3A_41 = arith.constant 0 : i32
      %dma_wait3A_42 = tpu.memref_slice %arg4[%mul3A_19, %dma_wait3A_41] : memref<10240x128xf32, #tpu.memory_space<hbm>> -> memref<640x128xf32, #tpu.memory_space<hbm>>
      tpu.wait_dma2 semaphore(%run_scoped3A : memref<!tpu.dma_semaphore, #tpu.memory_space<semaphore_mem>>) src(%dma_wait3A_42 : memref<640x128xf32, #tpu.memory_space<hbm>>) dst(%dma_wait3A_40 : memref<640x128xf32, #tpu.memory_space<vmem_shared>>)
      tpu.yield
    }) : () -> ()
    %barrier3A = arith.constant 0 : index
    tpu.barrier barrier_id(%barrier3A)
    %scan3A_22 = arith.constant 0 : i32
    %scan3A_23 = arith.constant 0 : i32
    %scan3A_24 = arith.constant 40 : i32
    %scan3A_25 = arith.addi %scan3A_23, %scan3A_24 : i32
    %scan3A_26 = arith.constant 1 : i32
    scf.for %scan3A_36 = %scan3A_23 to %scan3A_25 step %scan3A_26  : i32 {
      %mul3A_37 = arith.constant 2 : i32
      %mul3A_38 = arith.muli %mul3A_37, %scan3A_36 : i32
      %add3A_39 = arith.constant 0 : i32
      %add3A_40 = arith.addi %mul3A_38, %add3A_39 : i32
      %lt3A = arith.constant 79 : i32
      %lt3A_41 = arith.cmpi slt, %add3A_40, %lt3A : i32
      %convert_element_type3A = arith.extui %lt3A_41 : i1 to i32
      %cond3A = arith.constant 0 : i32
      %cond3A_42 = arith.cmpi ne, %convert_element_type3A, %cond3A : i32
      scf.if %cond3A_42 {
        %add3A_59 = arith.constant 1 : i32
        %add3A_60 = arith.addi %add3A_40, %add3A_59 : i32
        %mul3A_61 = arith.constant 128 : i32
        %mul3A_62 = arith.muli %add3A_60, %mul3A_61 : i32
        %add3A_63 = arith.addi %mul3A_10, %mul3A_62 : i32
        %dma_start3A_64 = tpu.memref_slice %arg2[%add3A_63] : memref<327680xi32, #tpu.memory_space<hbm>> -> memref<128xi32, #tpu.memory_space<hbm>>
        %dma_start3A_65 = tpu.memref_slice %arg2[%add3A_63] : memref<327680xi32, #tpu.memory_space<hbm>> -> memref<128xi32, #tpu.memory_space<hbm>>
        tpu.enqueue_dma source(%dma_start3A_65 : memref<128xi32, #tpu.memory_space<hbm>>) target(%arg8 : memref<128xi32, #tpu.memory_space<vmem>>) target_semaphore(%arg14 : memref<!tpu.dma_semaphore, #tpu.memory_space<semaphore_mem>>)
        %mul3A_66 = arith.constant 128 : i32
        %mul3A_67 = arith.muli %add3A_60, %mul3A_66 : i32
        %add3A_68 = arith.addi %mul3A_10, %mul3A_67 : i32
        %dma_start3A_69 = tpu.memref_slice %arg3[%add3A_68] : memref<327680xi32, #tpu.memory_space<hbm>> -> memref<128xi32, #tpu.memory_space<hbm>>
        %dma_start3A_70 = tpu.memref_slice %arg3[%add3A_68] : memref<327680xi32, #tpu.memory_space<hbm>> -> memref<128xi32, #tpu.memory_space<hbm>>
        tpu.enqueue_dma source(%dma_start3A_70 : memref<128xi32, #tpu.memory_space<hbm>>) target(%arg10 : memref<128xi32, #tpu.memory_space<vmem>>) target_semaphore(%arg14 : memref<!tpu.dma_semaphore, #tpu.memory_space<semaphore_mem>>)
      } else {
      }
      %dma_wait3A = tpu.memref_slice %arg2[%mul3A_10] : memref<327680xi32, #tpu.memory_space<hbm>> -> memref<128xi32, #tpu.memory_space<hbm>>
      %dma_wait3A_43 = tpu.memref_slice %arg2[%mul3A_10] : memref<327680xi32, #tpu.memory_space<hbm>> -> memref<128xi32, #tpu.memory_space<hbm>>
      tpu.wait_dma2 semaphore(%arg13 : memref<!tpu.dma_semaphore, #tpu.memory_space<semaphore_mem>>) src(%dma_wait3A_43 : memref<128xi32, #tpu.memory_space<hbm>>) dst(%arg7 : memref<128xi32, #tpu.memory_space<vmem>>)
      %dma_wait3A_44 = tpu.memref_slice %arg3[%mul3A_10] : memref<327680xi32, #tpu.memory_space<hbm>> -> memref<128xi32, #tpu.memory_space<hbm>>
      %dma_wait3A_45 = tpu.memref_slice %arg3[%mul3A_10] : memref<327680xi32, #tpu.memory_space<hbm>> -> memref<128xi32, #tpu.memory_space<hbm>>
      tpu.wait_dma2 semaphore(%arg13 : memref<!tpu.dma_semaphore, #tpu.memory_space<semaphore_mem>>) src(%dma_wait3A_45 : memref<128xi32, #tpu.memory_space<hbm>>) dst(%arg9 : memref<128xi32, #tpu.memory_space<vmem>>)
      "tpu.region"() ({
        %run_scoped3A = tpu.sem_alloc : memref<!tpu.dma_semaphore, #tpu.memory_space<semaphore_mem>>
        %dma_start3A_59 = arith.constant 0 : i32
        %dma_start3A_60 = arith.constant 0 : i32
        %dma_start3A_61 = tpu.memref_slice %arg6[%dma_start3A_59, %dma_start3A_60] : memref<10240x128xf32, #tpu.memory_space<vmem_shared>> -> memref<10240x128xf32, #tpu.memory_space<vmem_shared>>
        tpu.enqueue_indirect_dma source(%arg11 : memref<128x128xf32, #tpu.memory_space<vmem>>) target(%dma_start3A_61 : memref<10240x128xf32, #tpu.memory_space<vmem_shared>>) offsets(%arg7 : memref<128xi32, #tpu.memory_space<vmem>>) semaphore(%run_scoped3A : memref<!tpu.dma_semaphore, #tpu.memory_space<semaphore_mem>>) {add = true}
        %dma_wait3A_62 = arith.constant 0 : i32
        %dma_wait3A_63 = arith.constant 0 : i32
        %dma_wait3A_64 = tpu.memref_slice %arg6[%dma_wait3A_62, %dma_wait3A_63] : memref<10240x128xf32, #tpu.memory_space<vmem_shared>> -> memref<10240x128xf32, #tpu.memory_space<vmem_shared>>
        tpu.wait_indirect_dma semaphore(%run_scoped3A : memref<!tpu.dma_semaphore, #tpu.memory_space<semaphore_mem>>) src(%arg11 : memref<128x128xf32, #tpu.memory_space<vmem>>) dst(%dma_wait3A_64 : memref<10240x128xf32, #tpu.memory_space<vmem_shared>>)
        tpu.yield
      }) : () -> ()
      "tpu.region"() ({
        %run_scoped3A = tpu.sem_alloc : memref<!tpu.dma_semaphore, #tpu.memory_space<semaphore_mem>>
        %dma_start3A_59 = arith.constant 0 : i32
        %dma_start3A_60 = arith.constant 0 : i32
        %dma_start3A_61 = tpu.memref_slice %arg6[%dma_start3A_59, %dma_start3A_60] : memref<10240x128xf32, #tpu.memory_space<vmem_shared>> -> memref<10240x128xf32, #tpu.memory_space<vmem_shared>>
        tpu.enqueue_indirect_dma source(%arg12 : memref<128x128xf32, #tpu.memory_space<vmem>>) target(%dma_start3A_61 : memref<10240x128xf32, #tpu.memory_space<vmem_shared>>) offsets(%arg9 : memref<128xi32, #tpu.memory_space<vmem>>) semaphore(%run_scoped3A : memref<!tpu.dma_semaphore, #tpu.memory_space<semaphore_mem>>) {add = true}
        %dma_wait3A_62 = arith.constant 0 : i32
        %dma_wait3A_63 = arith.constant 0 : i32
        %dma_wait3A_64 = tpu.memref_slice %arg6[%dma_wait3A_62, %dma_wait3A_63] : memref<10240x128xf32, #tpu.memory_space<vmem_shared>> -> memref<10240x128xf32, #tpu.memory_space<vmem_shared>>
        tpu.wait_indirect_dma semaphore(%run_scoped3A : memref<!tpu.dma_semaphore, #tpu.memory_space<semaphore_mem>>) src(%arg12 : memref<128x128xf32, #tpu.memory_space<vmem>>) dst(%dma_wait3A_64 : memref<10240x128xf32, #tpu.memory_space<vmem_shared>>)
        tpu.yield
      }) : () -> ()
      %mul3A_46 = arith.constant 2 : i32
      %mul3A_47 = arith.muli %mul3A_46, %scan3A_36 : i32
      %add3A_48 = arith.constant 1 : i32
      %add3A_49 = arith.addi %mul3A_47, %add3A_48 : i32
      %lt3A_50 = arith.constant 79 : i32
      %lt3A_51 = arith.cmpi slt, %add3A_49, %lt3A_50 : i32
      %convert_element_type3A_52 = arith.extui %lt3A_51 : i1 to i32
      %cond3A_53 = arith.constant 0 : i32
      %cond3A_54 = arith.cmpi ne, %convert_element_type3A_52, %cond3A_53 : i32
      scf.if %cond3A_54 {
        %add3A_59 = arith.constant 1 : i32
        %add3A_60 = arith.addi %add3A_49, %add3A_59 : i32
        %mul3A_61 = arith.constant 128 : i32
        %mul3A_62 = arith.muli %add3A_60, %mul3A_61 : i32
        %add3A_63 = arith.addi %mul3A_10, %mul3A_62 : i32
        %dma_start3A_64 = tpu.memref_slice %arg2[%add3A_63] : memref<327680xi32, #tpu.memory_space<hbm>> -> memref<128xi32, #tpu.memory_space<hbm>>
        %dma_start3A_65 = tpu.memref_slice %arg2[%add3A_63] : memref<327680xi32, #tpu.memory_space<hbm>> -> memref<128xi32, #tpu.memory_space<hbm>>
        tpu.enqueue_dma source(%dma_start3A_65 : memref<128xi32, #tpu.memory_space<hbm>>) target(%arg7 : memref<128xi32, #tpu.memory_space<vmem>>) target_semaphore(%arg13 : memref<!tpu.dma_semaphore, #tpu.memory_space<semaphore_mem>>)
        %mul3A_66 = arith.constant 128 : i32
        %mul3A_67 = arith.muli %add3A_60, %mul3A_66 : i32
        %add3A_68 = arith.addi %mul3A_10, %mul3A_67 : i32
        %dma_start3A_69 = tpu.memref_slice %arg3[%add3A_68] : memref<327680xi32, #tpu.memory_space<hbm>> -> memref<128xi32, #tpu.memory_space<hbm>>
        %dma_start3A_70 = tpu.memref_slice %arg3[%add3A_68] : memref<327680xi32, #tpu.memory_space<hbm>> -> memref<128xi32, #tpu.memory_space<hbm>>
        tpu.enqueue_dma source(%dma_start3A_70 : memref<128xi32, #tpu.memory_space<hbm>>) target(%arg9 : memref<128xi32, #tpu.memory_space<vmem>>) target_semaphore(%arg13 : memref<!tpu.dma_semaphore, #tpu.memory_space<semaphore_mem>>)
      } else {
      }
      %dma_wait3A_55 = tpu.memref_slice %arg2[%mul3A_10] : memref<327680xi32, #tpu.memory_space<hbm>> -> memref<128xi32, #tpu.memory_space<hbm>>
      %dma_wait3A_56 = tpu.memref_slice %arg2[%mul3A_10] : memref<327680xi32, #tpu.memory_space<hbm>> -> memref<128xi32, #tpu.memory_space<hbm>>
      tpu.wait_dma2 semaphore(%arg14 : memref<!tpu.dma_semaphore, #tpu.memory_space<semaphore_mem>>) src(%dma_wait3A_56 : memref<128xi32, #tpu.memory_space<hbm>>) dst(%arg8 : memref<128xi32, #tpu.memory_space<vmem>>)
      %dma_wait3A_57 = tpu.memref_slice %arg3[%mul3A_10] : memref<327680xi32, #tpu.memory_space<hbm>> -> memref<128xi32, #tpu.memory_space<hbm>>
      %dma_wait3A_58 = tpu.memref_slice %arg3[%mul3A_10] : memref<327680xi32, #tpu.memory_space<hbm>> -> memref<128xi32, #tpu.memory_space<hbm>>
      tpu.wait_dma2 semaphore(%arg14 : memref<!tpu.dma_semaphore, #tpu.memory_space<semaphore_mem>>) src(%dma_wait3A_58 : memref<128xi32, #tpu.memory_space<hbm>>) dst(%arg10 : memref<128xi32, #tpu.memory_space<vmem>>)
      "tpu.region"() ({
        %run_scoped3A = tpu.sem_alloc : memref<!tpu.dma_semaphore, #tpu.memory_space<semaphore_mem>>
        %dma_start3A_59 = arith.constant 0 : i32
        %dma_start3A_60 = arith.constant 0 : i32
        %dma_start3A_61 = tpu.memref_slice %arg6[%dma_start3A_59, %dma_start3A_60] : memref<10240x128xf32, #tpu.memory_space<vmem_shared>> -> memref<10240x128xf32, #tpu.memory_space<vmem_shared>>
        tpu.enqueue_indirect_dma source(%arg11 : memref<128x128xf32, #tpu.memory_space<vmem>>) target(%dma_start3A_61 : memref<10240x128xf32, #tpu.memory_space<vmem_shared>>) offsets(%arg8 : memref<128xi32, #tpu.memory_space<vmem>>) semaphore(%run_scoped3A : memref<!tpu.dma_semaphore, #tpu.memory_space<semaphore_mem>>) {add = true}
        %dma_wait3A_62 = arith.constant 0 : i32
        %dma_wait3A_63 = arith.constant 0 : i32
        %dma_wait3A_64 = tpu.memref_slice %arg6[%dma_wait3A_62, %dma_wait3A_63] : memref<10240x128xf32, #tpu.memory_space<vmem_shared>> -> memref<10240x128xf32, #tpu.memory_space<vmem_shared>>
        tpu.wait_indirect_dma semaphore(%run_scoped3A : memref<!tpu.dma_semaphore, #tpu.memory_space<semaphore_mem>>) src(%arg11 : memref<128x128xf32, #tpu.memory_space<vmem>>) dst(%dma_wait3A_64 : memref<10240x128xf32, #tpu.memory_space<vmem_shared>>)
        tpu.yield
      }) : () -> ()
      "tpu.region"() ({
        %run_scoped3A = tpu.sem_alloc : memref<!tpu.dma_semaphore, #tpu.memory_space<semaphore_mem>>
        %dma_start3A_59 = arith.constant 0 : i32
        %dma_start3A_60 = arith.constant 0 : i32
        %dma_start3A_61 = tpu.memref_slice %arg6[%dma_start3A_59, %dma_start3A_60] : memref<10240x128xf32, #tpu.memory_space<vmem_shared>> -> memref<10240x128xf32, #tpu.memory_space<vmem_shared>>
        tpu.enqueue_indirect_dma source(%arg12 : memref<128x128xf32, #tpu.memory_space<vmem>>) target(%dma_start3A_61 : memref<10240x128xf32, #tpu.memory_space<vmem_shared>>) offsets(%arg10 : memref<128xi32, #tpu.memory_space<vmem>>) semaphore(%run_scoped3A : memref<!tpu.dma_semaphore, #tpu.memory_space<semaphore_mem>>) {add = true}
        %dma_wait3A_62 = arith.constant 0 : i32
        %dma_wait3A_63 = arith.constant 0 : i32
        %dma_wait3A_64 = tpu.memref_slice %arg6[%dma_wait3A_62, %dma_wait3A_63] : memref<10240x128xf32, #tpu.memory_space<vmem_shared>> -> memref<10240x128xf32, #tpu.memory_space<vmem_shared>>
        tpu.wait_indirect_dma semaphore(%run_scoped3A : memref<!tpu.dma_semaphore, #tpu.memory_space<semaphore_mem>>) src(%arg12 : memref<128x128xf32, #tpu.memory_space<vmem>>) dst(%dma_wait3A_64 : memref<10240x128xf32, #tpu.memory_space<vmem_shared>>)
        tpu.yield
      }) : () -> ()
    }
    %scan3A_27 = arith.constant 40 : i32
    %barrier3A_28 = arith.constant 0 : index
    tpu.barrier barrier_id(%barrier3A_28)
    %mul3A_29 = arith.constant 640 : i32
    %mul3A_30 = arith.muli %arg1, %mul3A_29 : i32
    %mul3A_31 = arith.constant 10240 : i32
    %mul3A_32 = arith.muli %arg0, %mul3A_31 : i32
    %mul3A_33 = arith.constant 640 : i32
    %mul3A_34 = arith.muli %arg1, %mul3A_33 : i32
    %add3A_35 = arith.addi %mul3A_32, %mul3A_34 : i32
    "tpu.region"() ({
      %run_scoped3A = tpu.sem_alloc : memref<!tpu.dma_semaphore, #tpu.memory_space<semaphore_mem>>
      %dma_start3A_36 = arith.constant 0 : i32
      %dma_start3A_37 = tpu.memref_slice %arg5[%add3A_35, %dma_start3A_36] : memref<20480x128xf32, #tpu.memory_space<hbm>> -> memref<640x128xf32, #tpu.memory_space<hbm>>
      %dma_start3A_38 = arith.constant 0 : i32
      %dma_start3A_39 = tpu.memref_slice %arg6[%mul3A_30, %dma_start3A_38] : memref<10240x128xf32, #tpu.memory_space<vmem_shared>> -> memref<640x128xf32, #tpu.memory_space<vmem_shared>>
      tpu.enqueue_dma source(%dma_start3A_39 : memref<640x128xf32, #tpu.memory_space<vmem_shared>>) target(%dma_start3A_37 : memref<640x128xf32, #tpu.memory_space<hbm>>) target_semaphore(%run_scoped3A : memref<!tpu.dma_semaphore, #tpu.memory_space<semaphore_mem>>)
      %dma_wait3A = arith.constant 0 : i32
      %dma_wait3A_40 = tpu.memref_slice %arg5[%add3A_35, %dma_wait3A] : memref<20480x128xf32, #tpu.memory_space<hbm>> -> memref<640x128xf32, #tpu.memory_space<hbm>>
      %dma_wait3A_41 = arith.constant 0 : i32
      %dma_wait3A_42 = tpu.memref_slice %arg6[%mul3A_30, %dma_wait3A_41] : memref<10240x128xf32, #tpu.memory_space<vmem_shared>> -> memref<640x128xf32, #tpu.memory_space<vmem_shared>>
      tpu.wait_dma2 semaphore(%run_scoped3A : memref<!tpu.dma_semaphore, #tpu.memory_space<semaphore_mem>>) src(%dma_wait3A_42 : memref<640x128xf32, #tpu.memory_space<vmem_shared>>) dst(%dma_wait3A_40 : memref<640x128xf32, #tpu.memory_space<hbm>>)
      tpu.yield
    }) : () -> ()
    return
  }
}

#map = affine_map<(d0, d1) -> (0, 0)>
#map1 = affine_map<(d0, d1) -> (0)>
module attributes {stable_mosaic.version = 14 : i64} {
  func.func @_agg_body(%arg0: i32, %arg1: i32, %arg2: memref<10240x128xf32, #tpu.memory_space<hbm>>, %arg3: memref<327680xi32, #tpu.memory_space<hbm>>, %arg4: memref<327680xi32, #tpu.memory_space<hbm>>, %arg5: memref<10240x128xf32, #tpu.memory_space<hbm>>, %arg6: memref<20480x128xf32, #tpu.memory_space<hbm>>, %arg7: memref<10240x128xf32, #tpu.memory_space<vmem_shared>>, %arg8: memref<128xi32, #tpu.memory_space<vmem>>, %arg9: memref<128xi32, #tpu.memory_space<vmem>>, %arg10: memref<128xi32, #tpu.memory_space<vmem>>, %arg11: memref<128xi32, #tpu.memory_space<vmem>>, %arg12: memref<128xi32, #tpu.memory_space<vmem>>, %arg13: memref<128xi32, #tpu.memory_space<vmem>>, %arg14: memref<128xi32, #tpu.memory_space<vmem>>, %arg15: memref<128xi32, #tpu.memory_space<vmem>>, %arg16: memref<128x128xf32, #tpu.memory_space<vmem>>, %arg17: memref<128x128xf32, #tpu.memory_space<vmem>>, %arg18: memref<!tpu.dma_semaphore, #tpu.memory_space<semaphore_mem>>, %arg19: memref<!tpu.dma_semaphore, #tpu.memory_space<semaphore_mem>>, %arg20: memref<!tpu.dma_semaphore, #tpu.memory_space<semaphore_mem>>, %arg21: memref<!tpu.dma_semaphore, #tpu.memory_space<semaphore_mem>>, %arg22: memref<!tpu.dma_semaphore, #tpu.memory_space<semaphore_mem>>, %arg23: memref<!tpu.dma_semaphore, #tpu.memory_space<semaphore_mem>>) attributes {dimension_semantics = [#tpu.dimension_semantics<core_parallel>, #tpu.dimension_semantics<subcore_parallel>], iteration_bounds = array<i64: 2, 16>, scalar_prefetch = 0 : i64, scratch_operands = 17 : i64, tpu.core_type = #tpu.core_type<sc_vector_subcore>, window_params = [{transform_indices = #map}, {transform_indices = #map1}, {transform_indices = #map1}, {transform_indices = #map}, {transform_indices = #map}]} {
    %mul3A = arith.constant 16 : i32
    %mul3A_0 = arith.muli %arg0, %mul3A : i32
    %add3A = arith.addi %mul3A_0, %arg1 : i32
    %mul3A_1 = arith.constant 640 : i32
    %mul3A_2 = arith.muli %arg1, %mul3A_1 : i32
    %mul3A_3 = arith.constant 640 : i32
    %mul3A_4 = arith.muli %arg1, %mul3A_3 : i32
    "tpu.region"() ({
      %run_scoped3A = tpu.sem_alloc : memref<!tpu.dma_semaphore, #tpu.memory_space<semaphore_mem>>
      %dma_start3A_41 = arith.constant 0 : i32
      %dma_start3A_42 = tpu.memref_slice %arg7[%mul3A_4, %dma_start3A_41] : memref<10240x128xf32, #tpu.memory_space<vmem_shared>> -> memref<640x128xf32, #tpu.memory_space<vmem_shared>>
      %dma_start3A_43 = arith.constant 0 : i32
      %dma_start3A_44 = tpu.memref_slice %arg5[%mul3A_2, %dma_start3A_43] : memref<10240x128xf32, #tpu.memory_space<hbm>> -> memref<640x128xf32, #tpu.memory_space<hbm>>
      tpu.enqueue_dma source(%dma_start3A_44 : memref<640x128xf32, #tpu.memory_space<hbm>>) target(%dma_start3A_42 : memref<640x128xf32, #tpu.memory_space<vmem_shared>>) target_semaphore(%run_scoped3A : memref<!tpu.dma_semaphore, #tpu.memory_space<semaphore_mem>>)
      %dma_wait3A_45 = arith.constant 0 : i32
      %dma_wait3A_46 = tpu.memref_slice %arg7[%mul3A_4, %dma_wait3A_45] : memref<10240x128xf32, #tpu.memory_space<vmem_shared>> -> memref<640x128xf32, #tpu.memory_space<vmem_shared>>
      %dma_wait3A_47 = arith.constant 0 : i32
      %dma_wait3A_48 = tpu.memref_slice %arg5[%mul3A_2, %dma_wait3A_47] : memref<10240x128xf32, #tpu.memory_space<hbm>> -> memref<640x128xf32, #tpu.memory_space<hbm>>
      tpu.wait_dma2 semaphore(%run_scoped3A : memref<!tpu.dma_semaphore, #tpu.memory_space<semaphore_mem>>) src(%dma_wait3A_48 : memref<640x128xf32, #tpu.memory_space<hbm>>) dst(%dma_wait3A_46 : memref<640x128xf32, #tpu.memory_space<vmem_shared>>)
      tpu.yield
    }) : () -> ()
    %mul3A_5 = arith.constant 10240 : i32
    %mul3A_6 = arith.muli %add3A, %mul3A_5 : i32
    %add3A_7 = arith.constant 0 : i32
    %add3A_8 = arith.addi %mul3A_6, %add3A_7 : i32
    %dma_start3A = tpu.memref_slice %arg3[%add3A_8] : memref<327680xi32, #tpu.memory_space<hbm>> -> memref<128xi32, #tpu.memory_space<hbm>>
    %dma_start3A_9 = tpu.memref_slice %arg3[%add3A_8] : memref<327680xi32, #tpu.memory_space<hbm>> -> memref<128xi32, #tpu.memory_space<hbm>>
    tpu.enqueue_dma source(%dma_start3A_9 : memref<128xi32, #tpu.memory_space<hbm>>) target(%arg8 : memref<128xi32, #tpu.memory_space<vmem>>) target_semaphore(%arg18 : memref<!tpu.dma_semaphore, #tpu.memory_space<semaphore_mem>>)
    %add3A_10 = arith.constant 0 : i32
    %add3A_11 = arith.addi %mul3A_6, %add3A_10 : i32
    %dma_start3A_12 = tpu.memref_slice %arg4[%add3A_11] : memref<327680xi32, #tpu.memory_space<hbm>> -> memref<128xi32, #tpu.memory_space<hbm>>
    %dma_start3A_13 = tpu.memref_slice %arg4[%add3A_11] : memref<327680xi32, #tpu.memory_space<hbm>> -> memref<128xi32, #tpu.memory_space<hbm>>
    tpu.enqueue_dma source(%dma_start3A_13 : memref<128xi32, #tpu.memory_space<hbm>>) target(%arg12 : memref<128xi32, #tpu.memory_space<vmem>>) target_semaphore(%arg18 : memref<!tpu.dma_semaphore, #tpu.memory_space<semaphore_mem>>)
    %add3A_14 = arith.constant 128 : i32
    %add3A_15 = arith.addi %mul3A_6, %add3A_14 : i32
    %dma_start3A_16 = tpu.memref_slice %arg3[%add3A_15] : memref<327680xi32, #tpu.memory_space<hbm>> -> memref<128xi32, #tpu.memory_space<hbm>>
    %dma_start3A_17 = tpu.memref_slice %arg3[%add3A_15] : memref<327680xi32, #tpu.memory_space<hbm>> -> memref<128xi32, #tpu.memory_space<hbm>>
    tpu.enqueue_dma source(%dma_start3A_17 : memref<128xi32, #tpu.memory_space<hbm>>) target(%arg9 : memref<128xi32, #tpu.memory_space<vmem>>) target_semaphore(%arg19 : memref<!tpu.dma_semaphore, #tpu.memory_space<semaphore_mem>>)
    %add3A_18 = arith.constant 128 : i32
    %add3A_19 = arith.addi %mul3A_6, %add3A_18 : i32
    %dma_start3A_20 = tpu.memref_slice %arg4[%add3A_19] : memref<327680xi32, #tpu.memory_space<hbm>> -> memref<128xi32, #tpu.memory_space<hbm>>
    %dma_start3A_21 = tpu.memref_slice %arg4[%add3A_19] : memref<327680xi32, #tpu.memory_space<hbm>> -> memref<128xi32, #tpu.memory_space<hbm>>
    tpu.enqueue_dma source(%dma_start3A_21 : memref<128xi32, #tpu.memory_space<hbm>>) target(%arg13 : memref<128xi32, #tpu.memory_space<vmem>>) target_semaphore(%arg19 : memref<!tpu.dma_semaphore, #tpu.memory_space<semaphore_mem>>)
    %dma_wait3A = tpu.memref_slice %arg3[%mul3A_6] : memref<327680xi32, #tpu.memory_space<hbm>> -> memref<128xi32, #tpu.memory_space<hbm>>
    %dma_wait3A_22 = tpu.memref_slice %arg3[%mul3A_6] : memref<327680xi32, #tpu.memory_space<hbm>> -> memref<128xi32, #tpu.memory_space<hbm>>
    tpu.wait_dma2 semaphore(%arg18 : memref<!tpu.dma_semaphore, #tpu.memory_space<semaphore_mem>>) src(%dma_wait3A_22 : memref<128xi32, #tpu.memory_space<hbm>>) dst(%arg8 : memref<128xi32, #tpu.memory_space<vmem>>)
    %dma_wait3A_23 = tpu.memref_slice %arg4[%mul3A_6] : memref<327680xi32, #tpu.memory_space<hbm>> -> memref<128xi32, #tpu.memory_space<hbm>>
    %dma_wait3A_24 = tpu.memref_slice %arg4[%mul3A_6] : memref<327680xi32, #tpu.memory_space<hbm>> -> memref<128xi32, #tpu.memory_space<hbm>>
    tpu.wait_dma2 semaphore(%arg18 : memref<!tpu.dma_semaphore, #tpu.memory_space<semaphore_mem>>) src(%dma_wait3A_24 : memref<128xi32, #tpu.memory_space<hbm>>) dst(%arg12 : memref<128xi32, #tpu.memory_space<vmem>>)
    %dma_start3A_25 = arith.constant 0 : i32
    %dma_start3A_26 = arith.constant 0 : i32
    %dma_start3A_27 = tpu.memref_slice %arg2[%dma_start3A_25, %dma_start3A_26] : memref<10240x128xf32, #tpu.memory_space<hbm>> -> memref<10240x128xf32, #tpu.memory_space<hbm>>
    tpu.enqueue_indirect_dma source(%dma_start3A_27 : memref<10240x128xf32, #tpu.memory_space<hbm>>) target(%arg16 : memref<128x128xf32, #tpu.memory_space<vmem>>) offsets(%arg8 : memref<128xi32, #tpu.memory_space<vmem>>) semaphore(%arg22 : memref<!tpu.dma_semaphore, #tpu.memory_space<semaphore_mem>>)
    %barrier3A = arith.constant 0 : index
    tpu.barrier barrier_id(%barrier3A)
    %scan3A = arith.constant 0 : i32
    %scan3A_28 = arith.constant 0 : i32
    %scan3A_29 = arith.constant 20 : i32
    %scan3A_30 = arith.addi %scan3A_28, %scan3A_29 : i32
    %scan3A_31 = arith.constant 1 : i32
    scf.for %scan3A_41 = %scan3A_28 to %scan3A_30 step %scan3A_31  : i32 {
      %mul3A_42 = arith.constant 4 : i32
      %mul3A_43 = arith.muli %mul3A_42, %scan3A_41 : i32
      %add3A_44 = arith.constant 0 : i32
      %add3A_45 = arith.addi %mul3A_43, %add3A_44 : i32
      %lt3A = arith.constant 79 : i32
      %lt3A_46 = arith.cmpi slt, %add3A_45, %lt3A : i32
      %convert_element_type3A = arith.extui %lt3A_46 : i1 to i32
      %cond3A = arith.constant 0 : i32
      %cond3A_47 = arith.cmpi ne, %convert_element_type3A, %cond3A : i32
      scf.if %cond3A_47 {
        %dma_wait3A_107 = tpu.memref_slice %arg3[%mul3A_6] : memref<327680xi32, #tpu.memory_space<hbm>> -> memref<128xi32, #tpu.memory_space<hbm>>
        %dma_wait3A_108 = tpu.memref_slice %arg3[%mul3A_6] : memref<327680xi32, #tpu.memory_space<hbm>> -> memref<128xi32, #tpu.memory_space<hbm>>
        tpu.wait_dma2 semaphore(%arg19 : memref<!tpu.dma_semaphore, #tpu.memory_space<semaphore_mem>>) src(%dma_wait3A_108 : memref<128xi32, #tpu.memory_space<hbm>>) dst(%arg9 : memref<128xi32, #tpu.memory_space<vmem>>)
        %dma_wait3A_109 = tpu.memref_slice %arg4[%mul3A_6] : memref<327680xi32, #tpu.memory_space<hbm>> -> memref<128xi32, #tpu.memory_space<hbm>>
        %dma_wait3A_110 = tpu.memref_slice %arg4[%mul3A_6] : memref<327680xi32, #tpu.memory_space<hbm>> -> memref<128xi32, #tpu.memory_space<hbm>>
        tpu.wait_dma2 semaphore(%arg19 : memref<!tpu.dma_semaphore, #tpu.memory_space<semaphore_mem>>) src(%dma_wait3A_110 : memref<128xi32, #tpu.memory_space<hbm>>) dst(%arg13 : memref<128xi32, #tpu.memory_space<vmem>>)
        %dma_start3A_111 = arith.constant 0 : i32
        %dma_start3A_112 = arith.constant 0 : i32
        %dma_start3A_113 = tpu.memref_slice %arg2[%dma_start3A_111, %dma_start3A_112] : memref<10240x128xf32, #tpu.memory_space<hbm>> -> memref<10240x128xf32, #tpu.memory_space<hbm>>
        tpu.enqueue_indirect_dma source(%dma_start3A_113 : memref<10240x128xf32, #tpu.memory_space<hbm>>) target(%arg17 : memref<128x128xf32, #tpu.memory_space<vmem>>) offsets(%arg9 : memref<128xi32, #tpu.memory_space<vmem>>) semaphore(%arg23 : memref<!tpu.dma_semaphore, #tpu.memory_space<semaphore_mem>>)
      } else {
      }
      %dma_wait3A_48 = arith.constant 0 : i32
      %dma_wait3A_49 = arith.constant 0 : i32
      %dma_wait3A_50 = tpu.memref_slice %arg2[%dma_wait3A_48, %dma_wait3A_49] : memref<10240x128xf32, #tpu.memory_space<hbm>> -> memref<10240x128xf32, #tpu.memory_space<hbm>>
      tpu.wait_indirect_dma semaphore(%arg22 : memref<!tpu.dma_semaphore, #tpu.memory_space<semaphore_mem>>) src(%dma_wait3A_50 : memref<10240x128xf32, #tpu.memory_space<hbm>>) dst(%arg16 : memref<128x128xf32, #tpu.memory_space<vmem>>)
      %lt3A_51 = arith.constant 78 : i32
      %lt3A_52 = arith.cmpi slt, %add3A_45, %lt3A_51 : i32
      %convert_element_type3A_53 = arith.extui %lt3A_52 : i1 to i32
      %cond3A_54 = arith.constant 0 : i32
      %cond3A_55 = arith.cmpi ne, %convert_element_type3A_53, %cond3A_54 : i32
      scf.if %cond3A_55 {
        %add3A_107 = arith.constant 2 : i32
        %add3A_108 = arith.addi %add3A_45, %add3A_107 : i32
        %mul3A_109 = arith.constant 128 : i32
        %mul3A_110 = arith.muli %add3A_108, %mul3A_109 : i32
        %add3A_111 = arith.addi %mul3A_6, %mul3A_110 : i32
        %dma_start3A_112 = tpu.memref_slice %arg3[%add3A_111] : memref<327680xi32, #tpu.memory_space<hbm>> -> memref<128xi32, #tpu.memory_space<hbm>>
        %dma_start3A_113 = tpu.memref_slice %arg3[%add3A_111] : memref<327680xi32, #tpu.memory_space<hbm>> -> memref<128xi32, #tpu.memory_space<hbm>>
        tpu.enqueue_dma source(%dma_start3A_113 : memref<128xi32, #tpu.memory_space<hbm>>) target(%arg10 : memref<128xi32, #tpu.memory_space<vmem>>) target_semaphore(%arg20 : memref<!tpu.dma_semaphore, #tpu.memory_space<semaphore_mem>>)
        %mul3A_114 = arith.constant 128 : i32
        %mul3A_115 = arith.muli %add3A_108, %mul3A_114 : i32
        %add3A_116 = arith.addi %mul3A_6, %mul3A_115 : i32
        %dma_start3A_117 = tpu.memref_slice %arg4[%add3A_116] : memref<327680xi32, #tpu.memory_space<hbm>> -> memref<128xi32, #tpu.memory_space<hbm>>
        %dma_start3A_118 = tpu.memref_slice %arg4[%add3A_116] : memref<327680xi32, #tpu.memory_space<hbm>> -> memref<128xi32, #tpu.memory_space<hbm>>
        tpu.enqueue_dma source(%dma_start3A_118 : memref<128xi32, #tpu.memory_space<hbm>>) target(%arg14 : memref<128xi32, #tpu.memory_space<vmem>>) target_semaphore(%arg20 : memref<!tpu.dma_semaphore, #tpu.memory_space<semaphore_mem>>)
      } else {
      }
      "tpu.region"() ({
        %run_scoped3A = tpu.sem_alloc : memref<!tpu.dma_semaphore, #tpu.memory_space<semaphore_mem>>
        %dma_start3A_107 = arith.constant 0 : i32
        %dma_start3A_108 = arith.constant 0 : i32
        %dma_start3A_109 = tpu.memref_slice %arg7[%dma_start3A_107, %dma_start3A_108] : memref<10240x128xf32, #tpu.memory_space<vmem_shared>> -> memref<10240x128xf32, #tpu.memory_space<vmem_shared>>
        tpu.enqueue_indirect_dma source(%arg16 : memref<128x128xf32, #tpu.memory_space<vmem>>) target(%dma_start3A_109 : memref<10240x128xf32, #tpu.memory_space<vmem_shared>>) offsets(%arg12 : memref<128xi32, #tpu.memory_space<vmem>>) semaphore(%run_scoped3A : memref<!tpu.dma_semaphore, #tpu.memory_space<semaphore_mem>>) {add = true}
        %dma_wait3A_110 = arith.constant 0 : i32
        %dma_wait3A_111 = arith.constant 0 : i32
        %dma_wait3A_112 = tpu.memref_slice %arg7[%dma_wait3A_110, %dma_wait3A_111] : memref<10240x128xf32, #tpu.memory_space<vmem_shared>> -> memref<10240x128xf32, #tpu.memory_space<vmem_shared>>
        tpu.wait_indirect_dma semaphore(%run_scoped3A : memref<!tpu.dma_semaphore, #tpu.memory_space<semaphore_mem>>) src(%arg16 : memref<128x128xf32, #tpu.memory_space<vmem>>) dst(%dma_wait3A_112 : memref<10240x128xf32, #tpu.memory_space<vmem_shared>>)
        tpu.yield
      }) : () -> ()
      %mul3A_56 = arith.constant 4 : i32
      %mul3A_57 = arith.muli %mul3A_56, %scan3A_41 : i32
      %add3A_58 = arith.constant 1 : i32
      %add3A_59 = arith.addi %mul3A_57, %add3A_58 : i32
      %lt3A_60 = arith.constant 79 : i32
      %lt3A_61 = arith.cmpi slt, %add3A_59, %lt3A_60 : i32
      %convert_element_type3A_62 = arith.extui %lt3A_61 : i1 to i32
      %cond3A_63 = arith.constant 0 : i32
      %cond3A_64 = arith.cmpi ne, %convert_element_type3A_62, %cond3A_63 : i32
      scf.if %cond3A_64 {
        %dma_wait3A_107 = tpu.memref_slice %arg3[%mul3A_6] : memref<327680xi32, #tpu.memory_space<hbm>> -> memref<128xi32, #tpu.memory_space<hbm>>
        %dma_wait3A_108 = tpu.memref_slice %arg3[%mul3A_6] : memref<327680xi32, #tpu.memory_space<hbm>> -> memref<128xi32, #tpu.memory_space<hbm>>
        tpu.wait_dma2 semaphore(%arg20 : memref<!tpu.dma_semaphore, #tpu.memory_space<semaphore_mem>>) src(%dma_wait3A_108 : memref<128xi32, #tpu.memory_space<hbm>>) dst(%arg10 : memref<128xi32, #tpu.memory_space<vmem>>)
        %dma_wait3A_109 = tpu.memref_slice %arg4[%mul3A_6] : memref<327680xi32, #tpu.memory_space<hbm>> -> memref<128xi32, #tpu.memory_space<hbm>>
        %dma_wait3A_110 = tpu.memref_slice %arg4[%mul3A_6] : memref<327680xi32, #tpu.memory_space<hbm>> -> memref<128xi32, #tpu.memory_space<hbm>>
        tpu.wait_dma2 semaphore(%arg20 : memref<!tpu.dma_semaphore, #tpu.memory_space<semaphore_mem>>) src(%dma_wait3A_110 : memref<128xi32, #tpu.memory_space<hbm>>) dst(%arg14 : memref<128xi32, #tpu.memory_space<vmem>>)
        %dma_start3A_111 = arith.constant 0 : i32
        %dma_start3A_112 = arith.constant 0 : i32
        %dma_start3A_113 = tpu.memref_slice %arg2[%dma_start3A_111, %dma_start3A_112] : memref<10240x128xf32, #tpu.memory_space<hbm>> -> memref<10240x128xf32, #tpu.memory_space<hbm>>
        tpu.enqueue_indirect_dma source(%dma_start3A_113 : memref<10240x128xf32, #tpu.memory_space<hbm>>) target(%arg16 : memref<128x128xf32, #tpu.memory_space<vmem>>) offsets(%arg10 : memref<128xi32, #tpu.memory_space<vmem>>) semaphore(%arg22 : memref<!tpu.dma_semaphore, #tpu.memory_space<semaphore_mem>>)
      } else {
      }
      %dma_wait3A_65 = arith.constant 0 : i32
      %dma_wait3A_66 = arith.constant 0 : i32
      %dma_wait3A_67 = tpu.memref_slice %arg2[%dma_wait3A_65, %dma_wait3A_66] : memref<10240x128xf32, #tpu.memory_space<hbm>> -> memref<10240x128xf32, #tpu.memory_space<hbm>>
      tpu.wait_indirect_dma semaphore(%arg23 : memref<!tpu.dma_semaphore, #tpu.memory_space<semaphore_mem>>) src(%dma_wait3A_67 : memref<10240x128xf32, #tpu.memory_space<hbm>>) dst(%arg17 : memref<128x128xf32, #tpu.memory_space<vmem>>)
      %lt3A_68 = arith.constant 78 : i32
      %lt3A_69 = arith.cmpi slt, %add3A_59, %lt3A_68 : i32
      %convert_element_type3A_70 = arith.extui %lt3A_69 : i1 to i32
      %cond3A_71 = arith.constant 0 : i32
      %cond3A_72 = arith.cmpi ne, %convert_element_type3A_70, %cond3A_71 : i32
      scf.if %cond3A_72 {
        %add3A_107 = arith.constant 2 : i32
        %add3A_108 = arith.addi %add3A_59, %add3A_107 : i32
        %mul3A_109 = arith.constant 128 : i32
        %mul3A_110 = arith.muli %add3A_108, %mul3A_109 : i32
        %add3A_111 = arith.addi %mul3A_6, %mul3A_110 : i32
        %dma_start3A_112 = tpu.memref_slice %arg3[%add3A_111] : memref<327680xi32, #tpu.memory_space<hbm>> -> memref<128xi32, #tpu.memory_space<hbm>>
        %dma_start3A_113 = tpu.memref_slice %arg3[%add3A_111] : memref<327680xi32, #tpu.memory_space<hbm>> -> memref<128xi32, #tpu.memory_space<hbm>>
        tpu.enqueue_dma source(%dma_start3A_113 : memref<128xi32, #tpu.memory_space<hbm>>) target(%arg11 : memref<128xi32, #tpu.memory_space<vmem>>) target_semaphore(%arg21 : memref<!tpu.dma_semaphore, #tpu.memory_space<semaphore_mem>>)
        %mul3A_114 = arith.constant 128 : i32
        %mul3A_115 = arith.muli %add3A_108, %mul3A_114 : i32
        %add3A_116 = arith.addi %mul3A_6, %mul3A_115 : i32
        %dma_start3A_117 = tpu.memref_slice %arg4[%add3A_116] : memref<327680xi32, #tpu.memory_space<hbm>> -> memref<128xi32, #tpu.memory_space<hbm>>
        %dma_start3A_118 = tpu.memref_slice %arg4[%add3A_116] : memref<327680xi32, #tpu.memory_space<hbm>> -> memref<128xi32, #tpu.memory_space<hbm>>
        tpu.enqueue_dma source(%dma_start3A_118 : memref<128xi32, #tpu.memory_space<hbm>>) target(%arg15 : memref<128xi32, #tpu.memory_space<vmem>>) target_semaphore(%arg21 : memref<!tpu.dma_semaphore, #tpu.memory_space<semaphore_mem>>)
      } else {
      }
      "tpu.region"() ({
        %run_scoped3A = tpu.sem_alloc : memref<!tpu.dma_semaphore, #tpu.memory_space<semaphore_mem>>
        %dma_start3A_107 = arith.constant 0 : i32
        %dma_start3A_108 = arith.constant 0 : i32
        %dma_start3A_109 = tpu.memref_slice %arg7[%dma_start3A_107, %dma_start3A_108] : memref<10240x128xf32, #tpu.memory_space<vmem_shared>> -> memref<10240x128xf32, #tpu.memory_space<vmem_shared>>
        tpu.enqueue_indirect_dma source(%arg17 : memref<128x128xf32, #tpu.memory_space<vmem>>) target(%dma_start3A_109 : memref<10240x128xf32, #tpu.memory_space<vmem_shared>>) offsets(%arg13 : memref<128xi32, #tpu.memory_space<vmem>>) semaphore(%run_scoped3A : memref<!tpu.dma_semaphore, #tpu.memory_space<semaphore_mem>>) {add = true}
        %dma_wait3A_110 = arith.constant 0 : i32
        %dma_wait3A_111 = arith.constant 0 : i32
        %dma_wait3A_112 = tpu.memref_slice %arg7[%dma_wait3A_110, %dma_wait3A_111] : memref<10240x128xf32, #tpu.memory_space<vmem_shared>> -> memref<10240x128xf32, #tpu.memory_space<vmem_shared>>
        tpu.wait_indirect_dma semaphore(%run_scoped3A : memref<!tpu.dma_semaphore, #tpu.memory_space<semaphore_mem>>) src(%arg17 : memref<128x128xf32, #tpu.memory_space<vmem>>) dst(%dma_wait3A_112 : memref<10240x128xf32, #tpu.memory_space<vmem_shared>>)
        tpu.yield
      }) : () -> ()
      %mul3A_73 = arith.constant 4 : i32
      %mul3A_74 = arith.muli %mul3A_73, %scan3A_41 : i32
      %add3A_75 = arith.constant 2 : i32
      %add3A_76 = arith.addi %mul3A_74, %add3A_75 : i32
      %lt3A_77 = arith.constant 79 : i32
      %lt3A_78 = arith.cmpi slt, %add3A_76, %lt3A_77 : i32
      %convert_element_type3A_79 = arith.extui %lt3A_78 : i1 to i32
      %cond3A_80 = arith.constant 0 : i32
      %cond3A_81 = arith.cmpi ne, %convert_element_type3A_79, %cond3A_80 : i32
      scf.if %cond3A_81 {
        %dma_wait3A_107 = tpu.memref_slice %arg3[%mul3A_6] : memref<327680xi32, #tpu.memory_space<hbm>> -> memref<128xi32, #tpu.memory_space<hbm>>
        %dma_wait3A_108 = tpu.memref_slice %arg3[%mul3A_6] : memref<327680xi32, #tpu.memory_space<hbm>> -> memref<128xi32, #tpu.memory_space<hbm>>
        tpu.wait_dma2 semaphore(%arg21 : memref<!tpu.dma_semaphore, #tpu.memory_space<semaphore_mem>>) src(%dma_wait3A_108 : memref<128xi32, #tpu.memory_space<hbm>>) dst(%arg11 : memref<128xi32, #tpu.memory_space<vmem>>)
        %dma_wait3A_109 = tpu.memref_slice %arg4[%mul3A_6] : memref<327680xi32, #tpu.memory_space<hbm>> -> memref<128xi32, #tpu.memory_space<hbm>>
        %dma_wait3A_110 = tpu.memref_slice %arg4[%mul3A_6] : memref<327680xi32, #tpu.memory_space<hbm>> -> memref<128xi32, #tpu.memory_space<hbm>>
        tpu.wait_dma2 semaphore(%arg21 : memref<!tpu.dma_semaphore, #tpu.memory_space<semaphore_mem>>) src(%dma_wait3A_110 : memref<128xi32, #tpu.memory_space<hbm>>) dst(%arg15 : memref<128xi32, #tpu.memory_space<vmem>>)
        %dma_start3A_111 = arith.constant 0 : i32
        %dma_start3A_112 = arith.constant 0 : i32
        %dma_start3A_113 = tpu.memref_slice %arg2[%dma_start3A_111, %dma_start3A_112] : memref<10240x128xf32, #tpu.memory_space<hbm>> -> memref<10240x128xf32, #tpu.memory_space<hbm>>
        tpu.enqueue_indirect_dma source(%dma_start3A_113 : memref<10240x128xf32, #tpu.memory_space<hbm>>) target(%arg17 : memref<128x128xf32, #tpu.memory_space<vmem>>) offsets(%arg11 : memref<128xi32, #tpu.memory_space<vmem>>) semaphore(%arg23 : memref<!tpu.dma_semaphore, #tpu.memory_space<semaphore_mem>>)
      } else {
      }
      %dma_wait3A_82 = arith.constant 0 : i32
      %dma_wait3A_83 = arith.constant 0 : i32
      %dma_wait3A_84 = tpu.memref_slice %arg2[%dma_wait3A_82, %dma_wait3A_83] : memref<10240x128xf32, #tpu.memory_space<hbm>> -> memref<10240x128xf32, #tpu.memory_space<hbm>>
      tpu.wait_indirect_dma semaphore(%arg22 : memref<!tpu.dma_semaphore, #tpu.memory_space<semaphore_mem>>) src(%dma_wait3A_84 : memref<10240x128xf32, #tpu.memory_space<hbm>>) dst(%arg16 : memref<128x128xf32, #tpu.memory_space<vmem>>)
      %lt3A_85 = arith.constant 78 : i32
      %lt3A_86 = arith.cmpi slt, %add3A_76, %lt3A_85 : i32
      %convert_element_type3A_87 = arith.extui %lt3A_86 : i1 to i32
      %cond3A_88 = arith.constant 0 : i32
      %cond3A_89 = arith.cmpi ne, %convert_element_type3A_87, %cond3A_88 : i32
      scf.if %cond3A_89 {
        %add3A_107 = arith.constant 2 : i32
        %add3A_108 = arith.addi %add3A_76, %add3A_107 : i32
        %mul3A_109 = arith.constant 128 : i32
        %mul3A_110 = arith.muli %add3A_108, %mul3A_109 : i32
        %add3A_111 = arith.addi %mul3A_6, %mul3A_110 : i32
        %dma_start3A_112 = tpu.memref_slice %arg3[%add3A_111] : memref<327680xi32, #tpu.memory_space<hbm>> -> memref<128xi32, #tpu.memory_space<hbm>>
        %dma_start3A_113 = tpu.memref_slice %arg3[%add3A_111] : memref<327680xi32, #tpu.memory_space<hbm>> -> memref<128xi32, #tpu.memory_space<hbm>>
        tpu.enqueue_dma source(%dma_start3A_113 : memref<128xi32, #tpu.memory_space<hbm>>) target(%arg8 : memref<128xi32, #tpu.memory_space<vmem>>) target_semaphore(%arg18 : memref<!tpu.dma_semaphore, #tpu.memory_space<semaphore_mem>>)
        %mul3A_114 = arith.constant 128 : i32
        %mul3A_115 = arith.muli %add3A_108, %mul3A_114 : i32
        %add3A_116 = arith.addi %mul3A_6, %mul3A_115 : i32
        %dma_start3A_117 = tpu.memref_slice %arg4[%add3A_116] : memref<327680xi32, #tpu.memory_space<hbm>> -> memref<128xi32, #tpu.memory_space<hbm>>
        %dma_start3A_118 = tpu.memref_slice %arg4[%add3A_116] : memref<327680xi32, #tpu.memory_space<hbm>> -> memref<128xi32, #tpu.memory_space<hbm>>
        tpu.enqueue_dma source(%dma_start3A_118 : memref<128xi32, #tpu.memory_space<hbm>>) target(%arg12 : memref<128xi32, #tpu.memory_space<vmem>>) target_semaphore(%arg18 : memref<!tpu.dma_semaphore, #tpu.memory_space<semaphore_mem>>)
      } else {
      }
      "tpu.region"() ({
        %run_scoped3A = tpu.sem_alloc : memref<!tpu.dma_semaphore, #tpu.memory_space<semaphore_mem>>
        %dma_start3A_107 = arith.constant 0 : i32
        %dma_start3A_108 = arith.constant 0 : i32
        %dma_start3A_109 = tpu.memref_slice %arg7[%dma_start3A_107, %dma_start3A_108] : memref<10240x128xf32, #tpu.memory_space<vmem_shared>> -> memref<10240x128xf32, #tpu.memory_space<vmem_shared>>
        tpu.enqueue_indirect_dma source(%arg16 : memref<128x128xf32, #tpu.memory_space<vmem>>) target(%dma_start3A_109 : memref<10240x128xf32, #tpu.memory_space<vmem_shared>>) offsets(%arg14 : memref<128xi32, #tpu.memory_space<vmem>>) semaphore(%run_scoped3A : memref<!tpu.dma_semaphore, #tpu.memory_space<semaphore_mem>>) {add = true}
        %dma_wait3A_110 = arith.constant 0 : i32
        %dma_wait3A_111 = arith.constant 0 : i32
        %dma_wait3A_112 = tpu.memref_slice %arg7[%dma_wait3A_110, %dma_wait3A_111] : memref<10240x128xf32, #tpu.memory_space<vmem_shared>> -> memref<10240x128xf32, #tpu.memory_space<vmem_shared>>
        tpu.wait_indirect_dma semaphore(%run_scoped3A : memref<!tpu.dma_semaphore, #tpu.memory_space<semaphore_mem>>) src(%arg16 : memref<128x128xf32, #tpu.memory_space<vmem>>) dst(%dma_wait3A_112 : memref<10240x128xf32, #tpu.memory_space<vmem_shared>>)
        tpu.yield
      }) : () -> ()
      %mul3A_90 = arith.constant 4 : i32
      %mul3A_91 = arith.muli %mul3A_90, %scan3A_41 : i32
      %add3A_92 = arith.constant 3 : i32
      %add3A_93 = arith.addi %mul3A_91, %add3A_92 : i32
      %lt3A_94 = arith.constant 79 : i32
      %lt3A_95 = arith.cmpi slt, %add3A_93, %lt3A_94 : i32
      %convert_element_type3A_96 = arith.extui %lt3A_95 : i1 to i32
      %cond3A_97 = arith.constant 0 : i32
      %cond3A_98 = arith.cmpi ne, %convert_element_type3A_96, %cond3A_97 : i32
      scf.if %cond3A_98 {
        %dma_wait3A_107 = tpu.memref_slice %arg3[%mul3A_6] : memref<327680xi32, #tpu.memory_space<hbm>> -> memref<128xi32, #tpu.memory_space<hbm>>
        %dma_wait3A_108 = tpu.memref_slice %arg3[%mul3A_6] : memref<327680xi32, #tpu.memory_space<hbm>> -> memref<128xi32, #tpu.memory_space<hbm>>
        tpu.wait_dma2 semaphore(%arg18 : memref<!tpu.dma_semaphore, #tpu.memory_space<semaphore_mem>>) src(%dma_wait3A_108 : memref<128xi32, #tpu.memory_space<hbm>>) dst(%arg8 : memref<128xi32, #tpu.memory_space<vmem>>)
        %dma_wait3A_109 = tpu.memref_slice %arg4[%mul3A_6] : memref<327680xi32, #tpu.memory_space<hbm>> -> memref<128xi32, #tpu.memory_space<hbm>>
        %dma_wait3A_110 = tpu.memref_slice %arg4[%mul3A_6] : memref<327680xi32, #tpu.memory_space<hbm>> -> memref<128xi32, #tpu.memory_space<hbm>>
        tpu.wait_dma2 semaphore(%arg18 : memref<!tpu.dma_semaphore, #tpu.memory_space<semaphore_mem>>) src(%dma_wait3A_110 : memref<128xi32, #tpu.memory_space<hbm>>) dst(%arg12 : memref<128xi32, #tpu.memory_space<vmem>>)
        %dma_start3A_111 = arith.constant 0 : i32
        %dma_start3A_112 = arith.constant 0 : i32
        %dma_start3A_113 = tpu.memref_slice %arg2[%dma_start3A_111, %dma_start3A_112] : memref<10240x128xf32, #tpu.memory_space<hbm>> -> memref<10240x128xf32, #tpu.memory_space<hbm>>
        tpu.enqueue_indirect_dma source(%dma_start3A_113 : memref<10240x128xf32, #tpu.memory_space<hbm>>) target(%arg16 : memref<128x128xf32, #tpu.memory_space<vmem>>) offsets(%arg8 : memref<128xi32, #tpu.memory_space<vmem>>) semaphore(%arg22 : memref<!tpu.dma_semaphore, #tpu.memory_space<semaphore_mem>>)
      } else {
      }
      %dma_wait3A_99 = arith.constant 0 : i32
      %dma_wait3A_100 = arith.constant 0 : i32
      %dma_wait3A_101 = tpu.memref_slice %arg2[%dma_wait3A_99, %dma_wait3A_100] : memref<10240x128xf32, #tpu.memory_space<hbm>> -> memref<10240x128xf32, #tpu.memory_space<hbm>>
      tpu.wait_indirect_dma semaphore(%arg23 : memref<!tpu.dma_semaphore, #tpu.memory_space<semaphore_mem>>) src(%dma_wait3A_101 : memref<10240x128xf32, #tpu.memory_space<hbm>>) dst(%arg17 : memref<128x128xf32, #tpu.memory_space<vmem>>)
      %lt3A_102 = arith.constant 78 : i32
      %lt3A_103 = arith.cmpi slt, %add3A_93, %lt3A_102 : i32
      %convert_element_type3A_104 = arith.extui %lt3A_103 : i1 to i32
      %cond3A_105 = arith.constant 0 : i32
      %cond3A_106 = arith.cmpi ne, %convert_element_type3A_104, %cond3A_105 : i32
      scf.if %cond3A_106 {
        %add3A_107 = arith.constant 2 : i32
        %add3A_108 = arith.addi %add3A_93, %add3A_107 : i32
        %mul3A_109 = arith.constant 128 : i32
        %mul3A_110 = arith.muli %add3A_108, %mul3A_109 : i32
        %add3A_111 = arith.addi %mul3A_6, %mul3A_110 : i32
        %dma_start3A_112 = tpu.memref_slice %arg3[%add3A_111] : memref<327680xi32, #tpu.memory_space<hbm>> -> memref<128xi32, #tpu.memory_space<hbm>>
        %dma_start3A_113 = tpu.memref_slice %arg3[%add3A_111] : memref<327680xi32, #tpu.memory_space<hbm>> -> memref<128xi32, #tpu.memory_space<hbm>>
        tpu.enqueue_dma source(%dma_start3A_113 : memref<128xi32, #tpu.memory_space<hbm>>) target(%arg9 : memref<128xi32, #tpu.memory_space<vmem>>) target_semaphore(%arg19 : memref<!tpu.dma_semaphore, #tpu.memory_space<semaphore_mem>>)
        %mul3A_114 = arith.constant 128 : i32
        %mul3A_115 = arith.muli %add3A_108, %mul3A_114 : i32
        %add3A_116 = arith.addi %mul3A_6, %mul3A_115 : i32
        %dma_start3A_117 = tpu.memref_slice %arg4[%add3A_116] : memref<327680xi32, #tpu.memory_space<hbm>> -> memref<128xi32, #tpu.memory_space<hbm>>
        %dma_start3A_118 = tpu.memref_slice %arg4[%add3A_116] : memref<327680xi32, #tpu.memory_space<hbm>> -> memref<128xi32, #tpu.memory_space<hbm>>
        tpu.enqueue_dma source(%dma_start3A_118 : memref<128xi32, #tpu.memory_space<hbm>>) target(%arg13 : memref<128xi32, #tpu.memory_space<vmem>>) target_semaphore(%arg19 : memref<!tpu.dma_semaphore, #tpu.memory_space<semaphore_mem>>)
      } else {
      }
      "tpu.region"() ({
        %run_scoped3A = tpu.sem_alloc : memref<!tpu.dma_semaphore, #tpu.memory_space<semaphore_mem>>
        %dma_start3A_107 = arith.constant 0 : i32
        %dma_start3A_108 = arith.constant 0 : i32
        %dma_start3A_109 = tpu.memref_slice %arg7[%dma_start3A_107, %dma_start3A_108] : memref<10240x128xf32, #tpu.memory_space<vmem_shared>> -> memref<10240x128xf32, #tpu.memory_space<vmem_shared>>
        tpu.enqueue_indirect_dma source(%arg17 : memref<128x128xf32, #tpu.memory_space<vmem>>) target(%dma_start3A_109 : memref<10240x128xf32, #tpu.memory_space<vmem_shared>>) offsets(%arg15 : memref<128xi32, #tpu.memory_space<vmem>>) semaphore(%run_scoped3A : memref<!tpu.dma_semaphore, #tpu.memory_space<semaphore_mem>>) {add = true}
        %dma_wait3A_110 = arith.constant 0 : i32
        %dma_wait3A_111 = arith.constant 0 : i32
        %dma_wait3A_112 = tpu.memref_slice %arg7[%dma_wait3A_110, %dma_wait3A_111] : memref<10240x128xf32, #tpu.memory_space<vmem_shared>> -> memref<10240x128xf32, #tpu.memory_space<vmem_shared>>
        tpu.wait_indirect_dma semaphore(%run_scoped3A : memref<!tpu.dma_semaphore, #tpu.memory_space<semaphore_mem>>) src(%arg17 : memref<128x128xf32, #tpu.memory_space<vmem>>) dst(%dma_wait3A_112 : memref<10240x128xf32, #tpu.memory_space<vmem_shared>>)
        tpu.yield
      }) : () -> ()
    }
    %scan3A_32 = arith.constant 20 : i32
    %barrier3A_33 = arith.constant 0 : index
    tpu.barrier barrier_id(%barrier3A_33)
    %mul3A_34 = arith.constant 640 : i32
    %mul3A_35 = arith.muli %arg1, %mul3A_34 : i32
    %mul3A_36 = arith.constant 10240 : i32
    %mul3A_37 = arith.muli %arg0, %mul3A_36 : i32
    %mul3A_38 = arith.constant 640 : i32
    %mul3A_39 = arith.muli %arg1, %mul3A_38 : i32
    %add3A_40 = arith.addi %mul3A_37, %mul3A_39 : i32
    "tpu.region"() ({
      %run_scoped3A = tpu.sem_alloc : memref<!tpu.dma_semaphore, #tpu.memory_space<semaphore_mem>>
      %dma_start3A_41 = arith.constant 0 : i32
      %dma_start3A_42 = tpu.memref_slice %arg6[%add3A_40, %dma_start3A_41] : memref<20480x128xf32, #tpu.memory_space<hbm>> -> memref<640x128xf32, #tpu.memory_space<hbm>>
      %dma_start3A_43 = arith.constant 0 : i32
      %dma_start3A_44 = tpu.memref_slice %arg7[%mul3A_35, %dma_start3A_43] : memref<10240x128xf32, #tpu.memory_space<vmem_shared>> -> memref<640x128xf32, #tpu.memory_space<vmem_shared>>
      tpu.enqueue_dma source(%dma_start3A_44 : memref<640x128xf32, #tpu.memory_space<vmem_shared>>) target(%dma_start3A_42 : memref<640x128xf32, #tpu.memory_space<hbm>>) target_semaphore(%run_scoped3A : memref<!tpu.dma_semaphore, #tpu.memory_space<semaphore_mem>>)
      %dma_wait3A_45 = arith.constant 0 : i32
      %dma_wait3A_46 = tpu.memref_slice %arg6[%add3A_40, %dma_wait3A_45] : memref<20480x128xf32, #tpu.memory_space<hbm>> -> memref<640x128xf32, #tpu.memory_space<hbm>>
      %dma_wait3A_47 = arith.constant 0 : i32
      %dma_wait3A_48 = tpu.memref_slice %arg7[%mul3A_35, %dma_wait3A_47] : memref<10240x128xf32, #tpu.memory_space<vmem_shared>> -> memref<640x128xf32, #tpu.memory_space<vmem_shared>>
      tpu.wait_dma2 semaphore(%run_scoped3A : memref<!tpu.dma_semaphore, #tpu.memory_space<semaphore_mem>>) src(%dma_wait3A_48 : memref<640x128xf32, #tpu.memory_space<vmem_shared>>) dst(%dma_wait3A_46 : memref<640x128xf32, #tpu.memory_space<hbm>>)
      tpu.yield
    }) : () -> ()
    return
  }
}

#map = affine_map<(d0, d1) -> (0, 0)>
#map1 = affine_map<(d0, d1) -> (0)>
module attributes {stable_mosaic.version = 14 : i64} {
  func.func @_agg_body(%arg0: i32, %arg1: i32, %arg2: memref<10240x128xf32, #tpu.memory_space<hbm>>, %arg3: memref<327680xi32, #tpu.memory_space<hbm>>, %arg4: memref<327680xi32, #tpu.memory_space<hbm>>, %arg5: memref<10240x128xf32, #tpu.memory_space<hbm>>, %arg6: memref<20480x128xf32, #tpu.memory_space<hbm>>, %arg7: memref<10240x128xf32, #tpu.memory_space<vmem_shared>>, %arg8: memref<128xi32, #tpu.memory_space<vmem>>, %arg9: memref<128xi32, #tpu.memory_space<vmem>>, %arg10: memref<128xi32, #tpu.memory_space<vmem>>, %arg11: memref<128xi32, #tpu.memory_space<vmem>>, %arg12: memref<128xi32, #tpu.memory_space<vmem>>, %arg13: memref<128xi32, #tpu.memory_space<vmem>>, %arg14: memref<128xi32, #tpu.memory_space<vmem>>, %arg15: memref<128xi32, #tpu.memory_space<vmem>>, %arg16: memref<128x128xf32, #tpu.memory_space<vmem>>, %arg17: memref<128x128xf32, #tpu.memory_space<vmem>>, %arg18: memref<!tpu.dma_semaphore, #tpu.memory_space<semaphore_mem>>, %arg19: memref<!tpu.dma_semaphore, #tpu.memory_space<semaphore_mem>>, %arg20: memref<!tpu.dma_semaphore, #tpu.memory_space<semaphore_mem>>, %arg21: memref<!tpu.dma_semaphore, #tpu.memory_space<semaphore_mem>>, %arg22: memref<!tpu.dma_semaphore, #tpu.memory_space<semaphore_mem>>, %arg23: memref<!tpu.dma_semaphore, #tpu.memory_space<semaphore_mem>>) attributes {dimension_semantics = [#tpu.dimension_semantics<core_parallel>, #tpu.dimension_semantics<subcore_parallel>], iteration_bounds = array<i64: 2, 16>, scalar_prefetch = 0 : i64, scratch_operands = 17 : i64, tpu.core_type = #tpu.core_type<sc_vector_subcore>, window_params = [{transform_indices = #map}, {transform_indices = #map1}, {transform_indices = #map1}, {transform_indices = #map}, {transform_indices = #map}]} {
    %mul3A = arith.constant 16 : i32
    %mul3A_0 = arith.muli %arg0, %mul3A : i32
    %add3A = arith.addi %mul3A_0, %arg1 : i32
    %mul3A_1 = arith.constant 640 : i32
    %mul3A_2 = arith.muli %arg1, %mul3A_1 : i32
    %mul3A_3 = arith.constant 640 : i32
    %mul3A_4 = arith.muli %arg1, %mul3A_3 : i32
    "tpu.region"() ({
      %run_scoped3A = tpu.sem_alloc : memref<!tpu.dma_semaphore, #tpu.memory_space<semaphore_mem>>
      %dma_start3A_41 = arith.constant 0 : i32
      %dma_start3A_42 = tpu.memref_slice %arg7[%mul3A_4, %dma_start3A_41] : memref<10240x128xf32, #tpu.memory_space<vmem_shared>> -> memref<640x128xf32, #tpu.memory_space<vmem_shared>>
      %dma_start3A_43 = arith.constant 0 : i32
      %dma_start3A_44 = tpu.memref_slice %arg5[%mul3A_2, %dma_start3A_43] : memref<10240x128xf32, #tpu.memory_space<hbm>> -> memref<640x128xf32, #tpu.memory_space<hbm>>
      tpu.enqueue_dma source(%dma_start3A_44 : memref<640x128xf32, #tpu.memory_space<hbm>>) target(%dma_start3A_42 : memref<640x128xf32, #tpu.memory_space<vmem_shared>>) target_semaphore(%run_scoped3A : memref<!tpu.dma_semaphore, #tpu.memory_space<semaphore_mem>>)
      %dma_wait3A_45 = arith.constant 0 : i32
      %dma_wait3A_46 = tpu.memref_slice %arg7[%mul3A_4, %dma_wait3A_45] : memref<10240x128xf32, #tpu.memory_space<vmem_shared>> -> memref<640x128xf32, #tpu.memory_space<vmem_shared>>
      %dma_wait3A_47 = arith.constant 0 : i32
      %dma_wait3A_48 = tpu.memref_slice %arg5[%mul3A_2, %dma_wait3A_47] : memref<10240x128xf32, #tpu.memory_space<hbm>> -> memref<640x128xf32, #tpu.memory_space<hbm>>
      tpu.wait_dma2 semaphore(%run_scoped3A : memref<!tpu.dma_semaphore, #tpu.memory_space<semaphore_mem>>) src(%dma_wait3A_48 : memref<640x128xf32, #tpu.memory_space<hbm>>) dst(%dma_wait3A_46 : memref<640x128xf32, #tpu.memory_space<vmem_shared>>)
      tpu.yield
    }) : () -> ()
    %mul3A_5 = arith.constant 10240 : i32
    %mul3A_6 = arith.muli %add3A, %mul3A_5 : i32
    %add3A_7 = arith.constant 0 : i32
    %add3A_8 = arith.addi %mul3A_6, %add3A_7 : i32
    %dma_start3A = tpu.memref_slice %arg3[%add3A_8] : memref<327680xi32, #tpu.memory_space<hbm>> -> memref<128xi32, #tpu.memory_space<hbm>>
    %dma_start3A_9 = tpu.memref_slice %arg3[%add3A_8] : memref<327680xi32, #tpu.memory_space<hbm>> -> memref<128xi32, #tpu.memory_space<hbm>>
    tpu.enqueue_dma source(%dma_start3A_9 : memref<128xi32, #tpu.memory_space<hbm>>) target(%arg8 : memref<128xi32, #tpu.memory_space<vmem>>) target_semaphore(%arg18 : memref<!tpu.dma_semaphore, #tpu.memory_space<semaphore_mem>>)
    %add3A_10 = arith.constant 0 : i32
    %add3A_11 = arith.addi %mul3A_6, %add3A_10 : i32
    %dma_start3A_12 = tpu.memref_slice %arg4[%add3A_11] : memref<327680xi32, #tpu.memory_space<hbm>> -> memref<128xi32, #tpu.memory_space<hbm>>
    %dma_start3A_13 = tpu.memref_slice %arg4[%add3A_11] : memref<327680xi32, #tpu.memory_space<hbm>> -> memref<128xi32, #tpu.memory_space<hbm>>
    tpu.enqueue_dma source(%dma_start3A_13 : memref<128xi32, #tpu.memory_space<hbm>>) target(%arg12 : memref<128xi32, #tpu.memory_space<vmem>>) target_semaphore(%arg18 : memref<!tpu.dma_semaphore, #tpu.memory_space<semaphore_mem>>)
    %add3A_14 = arith.constant 128 : i32
    %add3A_15 = arith.addi %mul3A_6, %add3A_14 : i32
    %dma_start3A_16 = tpu.memref_slice %arg3[%add3A_15] : memref<327680xi32, #tpu.memory_space<hbm>> -> memref<128xi32, #tpu.memory_space<hbm>>
    %dma_start3A_17 = tpu.memref_slice %arg3[%add3A_15] : memref<327680xi32, #tpu.memory_space<hbm>> -> memref<128xi32, #tpu.memory_space<hbm>>
    tpu.enqueue_dma source(%dma_start3A_17 : memref<128xi32, #tpu.memory_space<hbm>>) target(%arg9 : memref<128xi32, #tpu.memory_space<vmem>>) target_semaphore(%arg19 : memref<!tpu.dma_semaphore, #tpu.memory_space<semaphore_mem>>)
    %add3A_18 = arith.constant 128 : i32
    %add3A_19 = arith.addi %mul3A_6, %add3A_18 : i32
    %dma_start3A_20 = tpu.memref_slice %arg4[%add3A_19] : memref<327680xi32, #tpu.memory_space<hbm>> -> memref<128xi32, #tpu.memory_space<hbm>>
    %dma_start3A_21 = tpu.memref_slice %arg4[%add3A_19] : memref<327680xi32, #tpu.memory_space<hbm>> -> memref<128xi32, #tpu.memory_space<hbm>>
    tpu.enqueue_dma source(%dma_start3A_21 : memref<128xi32, #tpu.memory_space<hbm>>) target(%arg13 : memref<128xi32, #tpu.memory_space<vmem>>) target_semaphore(%arg19 : memref<!tpu.dma_semaphore, #tpu.memory_space<semaphore_mem>>)
    %dma_wait3A = tpu.memref_slice %arg3[%mul3A_6] : memref<327680xi32, #tpu.memory_space<hbm>> -> memref<128xi32, #tpu.memory_space<hbm>>
    %dma_wait3A_22 = tpu.memref_slice %arg3[%mul3A_6] : memref<327680xi32, #tpu.memory_space<hbm>> -> memref<128xi32, #tpu.memory_space<hbm>>
    tpu.wait_dma2 semaphore(%arg18 : memref<!tpu.dma_semaphore, #tpu.memory_space<semaphore_mem>>) src(%dma_wait3A_22 : memref<128xi32, #tpu.memory_space<hbm>>) dst(%arg8 : memref<128xi32, #tpu.memory_space<vmem>>)
    %dma_wait3A_23 = tpu.memref_slice %arg4[%mul3A_6] : memref<327680xi32, #tpu.memory_space<hbm>> -> memref<128xi32, #tpu.memory_space<hbm>>
    %dma_wait3A_24 = tpu.memref_slice %arg4[%mul3A_6] : memref<327680xi32, #tpu.memory_space<hbm>> -> memref<128xi32, #tpu.memory_space<hbm>>
    tpu.wait_dma2 semaphore(%arg18 : memref<!tpu.dma_semaphore, #tpu.memory_space<semaphore_mem>>) src(%dma_wait3A_24 : memref<128xi32, #tpu.memory_space<hbm>>) dst(%arg12 : memref<128xi32, #tpu.memory_space<vmem>>)
    %dma_start3A_25 = arith.constant 0 : i32
    %dma_start3A_26 = arith.constant 0 : i32
    %dma_start3A_27 = tpu.memref_slice %arg2[%dma_start3A_25, %dma_start3A_26] : memref<10240x128xf32, #tpu.memory_space<hbm>> -> memref<10240x128xf32, #tpu.memory_space<hbm>>
    tpu.enqueue_indirect_dma source(%dma_start3A_27 : memref<10240x128xf32, #tpu.memory_space<hbm>>) target(%arg16 : memref<128x128xf32, #tpu.memory_space<vmem>>) offsets(%arg8 : memref<128xi32, #tpu.memory_space<vmem>>) semaphore(%arg22 : memref<!tpu.dma_semaphore, #tpu.memory_space<semaphore_mem>>)
    %barrier3A = arith.constant 0 : index
    tpu.barrier barrier_id(%barrier3A)
    %scan3A = arith.constant 0 : i32
    %scan3A_28 = arith.constant 0 : i32
    %scan3A_29 = arith.constant 20 : i32
    %scan3A_30 = arith.addi %scan3A_28, %scan3A_29 : i32
    %scan3A_31 = arith.constant 1 : i32
    scf.for %scan3A_41 = %scan3A_28 to %scan3A_30 step %scan3A_31  : i32 {
      %mul3A_42 = arith.constant 4 : i32
      %mul3A_43 = arith.muli %mul3A_42, %scan3A_41 : i32
      %add3A_44 = arith.constant 0 : i32
      %add3A_45 = arith.addi %mul3A_43, %add3A_44 : i32
      %lt3A = arith.constant 79 : i32
      %lt3A_46 = arith.cmpi slt, %add3A_45, %lt3A : i32
      %convert_element_type3A = arith.extui %lt3A_46 : i1 to i32
      %cond3A = arith.constant 0 : i32
      %cond3A_47 = arith.cmpi ne, %convert_element_type3A, %cond3A : i32
      scf.if %cond3A_47 {
        %dma_wait3A_107 = tpu.memref_slice %arg3[%mul3A_6] : memref<327680xi32, #tpu.memory_space<hbm>> -> memref<128xi32, #tpu.memory_space<hbm>>
        %dma_wait3A_108 = tpu.memref_slice %arg3[%mul3A_6] : memref<327680xi32, #tpu.memory_space<hbm>> -> memref<128xi32, #tpu.memory_space<hbm>>
        tpu.wait_dma2 semaphore(%arg19 : memref<!tpu.dma_semaphore, #tpu.memory_space<semaphore_mem>>) src(%dma_wait3A_108 : memref<128xi32, #tpu.memory_space<hbm>>) dst(%arg9 : memref<128xi32, #tpu.memory_space<vmem>>)
        %dma_wait3A_109 = tpu.memref_slice %arg4[%mul3A_6] : memref<327680xi32, #tpu.memory_space<hbm>> -> memref<128xi32, #tpu.memory_space<hbm>>
        %dma_wait3A_110 = tpu.memref_slice %arg4[%mul3A_6] : memref<327680xi32, #tpu.memory_space<hbm>> -> memref<128xi32, #tpu.memory_space<hbm>>
        tpu.wait_dma2 semaphore(%arg19 : memref<!tpu.dma_semaphore, #tpu.memory_space<semaphore_mem>>) src(%dma_wait3A_110 : memref<128xi32, #tpu.memory_space<hbm>>) dst(%arg13 : memref<128xi32, #tpu.memory_space<vmem>>)
        %dma_start3A_111 = arith.constant 0 : i32
        %dma_start3A_112 = arith.constant 0 : i32
        %dma_start3A_113 = tpu.memref_slice %arg2[%dma_start3A_111, %dma_start3A_112] : memref<10240x128xf32, #tpu.memory_space<hbm>> -> memref<10240x128xf32, #tpu.memory_space<hbm>>
        tpu.enqueue_indirect_dma source(%dma_start3A_113 : memref<10240x128xf32, #tpu.memory_space<hbm>>) target(%arg17 : memref<128x128xf32, #tpu.memory_space<vmem>>) offsets(%arg9 : memref<128xi32, #tpu.memory_space<vmem>>) semaphore(%arg23 : memref<!tpu.dma_semaphore, #tpu.memory_space<semaphore_mem>>)
      } else {
      }
      %dma_wait3A_48 = arith.constant 0 : i32
      %dma_wait3A_49 = arith.constant 0 : i32
      %dma_wait3A_50 = tpu.memref_slice %arg2[%dma_wait3A_48, %dma_wait3A_49] : memref<10240x128xf32, #tpu.memory_space<hbm>> -> memref<10240x128xf32, #tpu.memory_space<hbm>>
      tpu.wait_indirect_dma semaphore(%arg22 : memref<!tpu.dma_semaphore, #tpu.memory_space<semaphore_mem>>) src(%dma_wait3A_50 : memref<10240x128xf32, #tpu.memory_space<hbm>>) dst(%arg16 : memref<128x128xf32, #tpu.memory_space<vmem>>)
      %lt3A_51 = arith.constant 78 : i32
      %lt3A_52 = arith.cmpi slt, %add3A_45, %lt3A_51 : i32
      %convert_element_type3A_53 = arith.extui %lt3A_52 : i1 to i32
      %cond3A_54 = arith.constant 0 : i32
      %cond3A_55 = arith.cmpi ne, %convert_element_type3A_53, %cond3A_54 : i32
      scf.if %cond3A_55 {
        %add3A_107 = arith.constant 2 : i32
        %add3A_108 = arith.addi %add3A_45, %add3A_107 : i32
        %mul3A_109 = arith.constant 128 : i32
        %mul3A_110 = arith.muli %add3A_108, %mul3A_109 : i32
        %add3A_111 = arith.addi %mul3A_6, %mul3A_110 : i32
        %dma_start3A_112 = tpu.memref_slice %arg3[%add3A_111] : memref<327680xi32, #tpu.memory_space<hbm>> -> memref<128xi32, #tpu.memory_space<hbm>>
        %dma_start3A_113 = tpu.memref_slice %arg3[%add3A_111] : memref<327680xi32, #tpu.memory_space<hbm>> -> memref<128xi32, #tpu.memory_space<hbm>>
        tpu.enqueue_dma source(%dma_start3A_113 : memref<128xi32, #tpu.memory_space<hbm>>) target(%arg10 : memref<128xi32, #tpu.memory_space<vmem>>) target_semaphore(%arg20 : memref<!tpu.dma_semaphore, #tpu.memory_space<semaphore_mem>>)
        %mul3A_114 = arith.constant 128 : i32
        %mul3A_115 = arith.muli %add3A_108, %mul3A_114 : i32
        %add3A_116 = arith.addi %mul3A_6, %mul3A_115 : i32
        %dma_start3A_117 = tpu.memref_slice %arg4[%add3A_116] : memref<327680xi32, #tpu.memory_space<hbm>> -> memref<128xi32, #tpu.memory_space<hbm>>
        %dma_start3A_118 = tpu.memref_slice %arg4[%add3A_116] : memref<327680xi32, #tpu.memory_space<hbm>> -> memref<128xi32, #tpu.memory_space<hbm>>
        tpu.enqueue_dma source(%dma_start3A_118 : memref<128xi32, #tpu.memory_space<hbm>>) target(%arg14 : memref<128xi32, #tpu.memory_space<vmem>>) target_semaphore(%arg20 : memref<!tpu.dma_semaphore, #tpu.memory_space<semaphore_mem>>)
      } else {
      }
      "tpu.region"() ({
        %run_scoped3A = tpu.sem_alloc : memref<!tpu.dma_semaphore, #tpu.memory_space<semaphore_mem>>
        %dma_start3A_107 = arith.constant 0 : i32
        %dma_start3A_108 = arith.constant 0 : i32
        %dma_start3A_109 = tpu.memref_slice %arg7[%dma_start3A_107, %dma_start3A_108] : memref<10240x128xf32, #tpu.memory_space<vmem_shared>> -> memref<10240x128xf32, #tpu.memory_space<vmem_shared>>
        tpu.enqueue_indirect_dma source(%arg16 : memref<128x128xf32, #tpu.memory_space<vmem>>) target(%dma_start3A_109 : memref<10240x128xf32, #tpu.memory_space<vmem_shared>>) offsets(%arg12 : memref<128xi32, #tpu.memory_space<vmem>>) semaphore(%run_scoped3A : memref<!tpu.dma_semaphore, #tpu.memory_space<semaphore_mem>>) {add = true}
        %dma_wait3A_110 = arith.constant 0 : i32
        %dma_wait3A_111 = arith.constant 0 : i32
        %dma_wait3A_112 = tpu.memref_slice %arg7[%dma_wait3A_110, %dma_wait3A_111] : memref<10240x128xf32, #tpu.memory_space<vmem_shared>> -> memref<10240x128xf32, #tpu.memory_space<vmem_shared>>
        tpu.wait_indirect_dma semaphore(%run_scoped3A : memref<!tpu.dma_semaphore, #tpu.memory_space<semaphore_mem>>) src(%arg16 : memref<128x128xf32, #tpu.memory_space<vmem>>) dst(%dma_wait3A_112 : memref<10240x128xf32, #tpu.memory_space<vmem_shared>>)
        tpu.yield
      }) : () -> ()
      %mul3A_56 = arith.constant 4 : i32
      %mul3A_57 = arith.muli %mul3A_56, %scan3A_41 : i32
      %add3A_58 = arith.constant 1 : i32
      %add3A_59 = arith.addi %mul3A_57, %add3A_58 : i32
      %lt3A_60 = arith.constant 79 : i32
      %lt3A_61 = arith.cmpi slt, %add3A_59, %lt3A_60 : i32
      %convert_element_type3A_62 = arith.extui %lt3A_61 : i1 to i32
      %cond3A_63 = arith.constant 0 : i32
      %cond3A_64 = arith.cmpi ne, %convert_element_type3A_62, %cond3A_63 : i32
      scf.if %cond3A_64 {
        %dma_wait3A_107 = tpu.memref_slice %arg3[%mul3A_6] : memref<327680xi32, #tpu.memory_space<hbm>> -> memref<128xi32, #tpu.memory_space<hbm>>
        %dma_wait3A_108 = tpu.memref_slice %arg3[%mul3A_6] : memref<327680xi32, #tpu.memory_space<hbm>> -> memref<128xi32, #tpu.memory_space<hbm>>
        tpu.wait_dma2 semaphore(%arg20 : memref<!tpu.dma_semaphore, #tpu.memory_space<semaphore_mem>>) src(%dma_wait3A_108 : memref<128xi32, #tpu.memory_space<hbm>>) dst(%arg10 : memref<128xi32, #tpu.memory_space<vmem>>)
        %dma_wait3A_109 = tpu.memref_slice %arg4[%mul3A_6] : memref<327680xi32, #tpu.memory_space<hbm>> -> memref<128xi32, #tpu.memory_space<hbm>>
        %dma_wait3A_110 = tpu.memref_slice %arg4[%mul3A_6] : memref<327680xi32, #tpu.memory_space<hbm>> -> memref<128xi32, #tpu.memory_space<hbm>>
        tpu.wait_dma2 semaphore(%arg20 : memref<!tpu.dma_semaphore, #tpu.memory_space<semaphore_mem>>) src(%dma_wait3A_110 : memref<128xi32, #tpu.memory_space<hbm>>) dst(%arg14 : memref<128xi32, #tpu.memory_space<vmem>>)
        %dma_start3A_111 = arith.constant 0 : i32
        %dma_start3A_112 = arith.constant 0 : i32
        %dma_start3A_113 = tpu.memref_slice %arg2[%dma_start3A_111, %dma_start3A_112] : memref<10240x128xf32, #tpu.memory_space<hbm>> -> memref<10240x128xf32, #tpu.memory_space<hbm>>
        tpu.enqueue_indirect_dma source(%dma_start3A_113 : memref<10240x128xf32, #tpu.memory_space<hbm>>) target(%arg16 : memref<128x128xf32, #tpu.memory_space<vmem>>) offsets(%arg10 : memref<128xi32, #tpu.memory_space<vmem>>) semaphore(%arg22 : memref<!tpu.dma_semaphore, #tpu.memory_space<semaphore_mem>>)
      } else {
      }
      %dma_wait3A_65 = arith.constant 0 : i32
      %dma_wait3A_66 = arith.constant 0 : i32
      %dma_wait3A_67 = tpu.memref_slice %arg2[%dma_wait3A_65, %dma_wait3A_66] : memref<10240x128xf32, #tpu.memory_space<hbm>> -> memref<10240x128xf32, #tpu.memory_space<hbm>>
      tpu.wait_indirect_dma semaphore(%arg23 : memref<!tpu.dma_semaphore, #tpu.memory_space<semaphore_mem>>) src(%dma_wait3A_67 : memref<10240x128xf32, #tpu.memory_space<hbm>>) dst(%arg17 : memref<128x128xf32, #tpu.memory_space<vmem>>)
      %lt3A_68 = arith.constant 78 : i32
      %lt3A_69 = arith.cmpi slt, %add3A_59, %lt3A_68 : i32
      %convert_element_type3A_70 = arith.extui %lt3A_69 : i1 to i32
      %cond3A_71 = arith.constant 0 : i32
      %cond3A_72 = arith.cmpi ne, %convert_element_type3A_70, %cond3A_71 : i32
      scf.if %cond3A_72 {
        %add3A_107 = arith.constant 2 : i32
        %add3A_108 = arith.addi %add3A_59, %add3A_107 : i32
        %mul3A_109 = arith.constant 128 : i32
        %mul3A_110 = arith.muli %add3A_108, %mul3A_109 : i32
        %add3A_111 = arith.addi %mul3A_6, %mul3A_110 : i32
        %dma_start3A_112 = tpu.memref_slice %arg3[%add3A_111] : memref<327680xi32, #tpu.memory_space<hbm>> -> memref<128xi32, #tpu.memory_space<hbm>>
        %dma_start3A_113 = tpu.memref_slice %arg3[%add3A_111] : memref<327680xi32, #tpu.memory_space<hbm>> -> memref<128xi32, #tpu.memory_space<hbm>>
        tpu.enqueue_dma source(%dma_start3A_113 : memref<128xi32, #tpu.memory_space<hbm>>) target(%arg11 : memref<128xi32, #tpu.memory_space<vmem>>) target_semaphore(%arg21 : memref<!tpu.dma_semaphore, #tpu.memory_space<semaphore_mem>>)
        %mul3A_114 = arith.constant 128 : i32
        %mul3A_115 = arith.muli %add3A_108, %mul3A_114 : i32
        %add3A_116 = arith.addi %mul3A_6, %mul3A_115 : i32
        %dma_start3A_117 = tpu.memref_slice %arg4[%add3A_116] : memref<327680xi32, #tpu.memory_space<hbm>> -> memref<128xi32, #tpu.memory_space<hbm>>
        %dma_start3A_118 = tpu.memref_slice %arg4[%add3A_116] : memref<327680xi32, #tpu.memory_space<hbm>> -> memref<128xi32, #tpu.memory_space<hbm>>
        tpu.enqueue_dma source(%dma_start3A_118 : memref<128xi32, #tpu.memory_space<hbm>>) target(%arg15 : memref<128xi32, #tpu.memory_space<vmem>>) target_semaphore(%arg21 : memref<!tpu.dma_semaphore, #tpu.memory_space<semaphore_mem>>)
      } else {
      }
      "tpu.region"() ({
        %run_scoped3A = tpu.sem_alloc : memref<!tpu.dma_semaphore, #tpu.memory_space<semaphore_mem>>
        %dma_start3A_107 = arith.constant 0 : i32
        %dma_start3A_108 = arith.constant 0 : i32
        %dma_start3A_109 = tpu.memref_slice %arg7[%dma_start3A_107, %dma_start3A_108] : memref<10240x128xf32, #tpu.memory_space<vmem_shared>> -> memref<10240x128xf32, #tpu.memory_space<vmem_shared>>
        tpu.enqueue_indirect_dma source(%arg17 : memref<128x128xf32, #tpu.memory_space<vmem>>) target(%dma_start3A_109 : memref<10240x128xf32, #tpu.memory_space<vmem_shared>>) offsets(%arg13 : memref<128xi32, #tpu.memory_space<vmem>>) semaphore(%run_scoped3A : memref<!tpu.dma_semaphore, #tpu.memory_space<semaphore_mem>>) {add = true}
        %dma_wait3A_110 = arith.constant 0 : i32
        %dma_wait3A_111 = arith.constant 0 : i32
        %dma_wait3A_112 = tpu.memref_slice %arg7[%dma_wait3A_110, %dma_wait3A_111] : memref<10240x128xf32, #tpu.memory_space<vmem_shared>> -> memref<10240x128xf32, #tpu.memory_space<vmem_shared>>
        tpu.wait_indirect_dma semaphore(%run_scoped3A : memref<!tpu.dma_semaphore, #tpu.memory_space<semaphore_mem>>) src(%arg17 : memref<128x128xf32, #tpu.memory_space<vmem>>) dst(%dma_wait3A_112 : memref<10240x128xf32, #tpu.memory_space<vmem_shared>>)
        tpu.yield
      }) : () -> ()
      %mul3A_73 = arith.constant 4 : i32
      %mul3A_74 = arith.muli %mul3A_73, %scan3A_41 : i32
      %add3A_75 = arith.constant 2 : i32
      %add3A_76 = arith.addi %mul3A_74, %add3A_75 : i32
      %lt3A_77 = arith.constant 79 : i32
      %lt3A_78 = arith.cmpi slt, %add3A_76, %lt3A_77 : i32
      %convert_element_type3A_79 = arith.extui %lt3A_78 : i1 to i32
      %cond3A_80 = arith.constant 0 : i32
      %cond3A_81 = arith.cmpi ne, %convert_element_type3A_79, %cond3A_80 : i32
      scf.if %cond3A_81 {
        %dma_wait3A_107 = tpu.memref_slice %arg3[%mul3A_6] : memref<327680xi32, #tpu.memory_space<hbm>> -> memref<128xi32, #tpu.memory_space<hbm>>
        %dma_wait3A_108 = tpu.memref_slice %arg3[%mul3A_6] : memref<327680xi32, #tpu.memory_space<hbm>> -> memref<128xi32, #tpu.memory_space<hbm>>
        tpu.wait_dma2 semaphore(%arg21 : memref<!tpu.dma_semaphore, #tpu.memory_space<semaphore_mem>>) src(%dma_wait3A_108 : memref<128xi32, #tpu.memory_space<hbm>>) dst(%arg11 : memref<128xi32, #tpu.memory_space<vmem>>)
        %dma_wait3A_109 = tpu.memref_slice %arg4[%mul3A_6] : memref<327680xi32, #tpu.memory_space<hbm>> -> memref<128xi32, #tpu.memory_space<hbm>>
        %dma_wait3A_110 = tpu.memref_slice %arg4[%mul3A_6] : memref<327680xi32, #tpu.memory_space<hbm>> -> memref<128xi32, #tpu.memory_space<hbm>>
        tpu.wait_dma2 semaphore(%arg21 : memref<!tpu.dma_semaphore, #tpu.memory_space<semaphore_mem>>) src(%dma_wait3A_110 : memref<128xi32, #tpu.memory_space<hbm>>) dst(%arg15 : memref<128xi32, #tpu.memory_space<vmem>>)
        %dma_start3A_111 = arith.constant 0 : i32
        %dma_start3A_112 = arith.constant 0 : i32
        %dma_start3A_113 = tpu.memref_slice %arg2[%dma_start3A_111, %dma_start3A_112] : memref<10240x128xf32, #tpu.memory_space<hbm>> -> memref<10240x128xf32, #tpu.memory_space<hbm>>
        tpu.enqueue_indirect_dma source(%dma_start3A_113 : memref<10240x128xf32, #tpu.memory_space<hbm>>) target(%arg17 : memref<128x128xf32, #tpu.memory_space<vmem>>) offsets(%arg11 : memref<128xi32, #tpu.memory_space<vmem>>) semaphore(%arg23 : memref<!tpu.dma_semaphore, #tpu.memory_space<semaphore_mem>>)
      } else {
      }
      %dma_wait3A_82 = arith.constant 0 : i32
      %dma_wait3A_83 = arith.constant 0 : i32
      %dma_wait3A_84 = tpu.memref_slice %arg2[%dma_wait3A_82, %dma_wait3A_83] : memref<10240x128xf32, #tpu.memory_space<hbm>> -> memref<10240x128xf32, #tpu.memory_space<hbm>>
      tpu.wait_indirect_dma semaphore(%arg22 : memref<!tpu.dma_semaphore, #tpu.memory_space<semaphore_mem>>) src(%dma_wait3A_84 : memref<10240x128xf32, #tpu.memory_space<hbm>>) dst(%arg16 : memref<128x128xf32, #tpu.memory_space<vmem>>)
      %lt3A_85 = arith.constant 78 : i32
      %lt3A_86 = arith.cmpi slt, %add3A_76, %lt3A_85 : i32
      %convert_element_type3A_87 = arith.extui %lt3A_86 : i1 to i32
      %cond3A_88 = arith.constant 0 : i32
      %cond3A_89 = arith.cmpi ne, %convert_element_type3A_87, %cond3A_88 : i32
      scf.if %cond3A_89 {
        %add3A_107 = arith.constant 2 : i32
        %add3A_108 = arith.addi %add3A_76, %add3A_107 : i32
        %mul3A_109 = arith.constant 128 : i32
        %mul3A_110 = arith.muli %add3A_108, %mul3A_109 : i32
        %add3A_111 = arith.addi %mul3A_6, %mul3A_110 : i32
        %dma_start3A_112 = tpu.memref_slice %arg3[%add3A_111] : memref<327680xi32, #tpu.memory_space<hbm>> -> memref<128xi32, #tpu.memory_space<hbm>>
        %dma_start3A_113 = tpu.memref_slice %arg3[%add3A_111] : memref<327680xi32, #tpu.memory_space<hbm>> -> memref<128xi32, #tpu.memory_space<hbm>>
        tpu.enqueue_dma source(%dma_start3A_113 : memref<128xi32, #tpu.memory_space<hbm>>) target(%arg8 : memref<128xi32, #tpu.memory_space<vmem>>) target_semaphore(%arg18 : memref<!tpu.dma_semaphore, #tpu.memory_space<semaphore_mem>>)
        %mul3A_114 = arith.constant 128 : i32
        %mul3A_115 = arith.muli %add3A_108, %mul3A_114 : i32
        %add3A_116 = arith.addi %mul3A_6, %mul3A_115 : i32
        %dma_start3A_117 = tpu.memref_slice %arg4[%add3A_116] : memref<327680xi32, #tpu.memory_space<hbm>> -> memref<128xi32, #tpu.memory_space<hbm>>
        %dma_start3A_118 = tpu.memref_slice %arg4[%add3A_116] : memref<327680xi32, #tpu.memory_space<hbm>> -> memref<128xi32, #tpu.memory_space<hbm>>
        tpu.enqueue_dma source(%dma_start3A_118 : memref<128xi32, #tpu.memory_space<hbm>>) target(%arg12 : memref<128xi32, #tpu.memory_space<vmem>>) target_semaphore(%arg18 : memref<!tpu.dma_semaphore, #tpu.memory_space<semaphore_mem>>)
      } else {
      }
      "tpu.region"() ({
        %run_scoped3A = tpu.sem_alloc : memref<!tpu.dma_semaphore, #tpu.memory_space<semaphore_mem>>
        %dma_start3A_107 = arith.constant 0 : i32
        %dma_start3A_108 = arith.constant 0 : i32
        %dma_start3A_109 = tpu.memref_slice %arg7[%dma_start3A_107, %dma_start3A_108] : memref<10240x128xf32, #tpu.memory_space<vmem_shared>> -> memref<10240x128xf32, #tpu.memory_space<vmem_shared>>
        tpu.enqueue_indirect_dma source(%arg16 : memref<128x128xf32, #tpu.memory_space<vmem>>) target(%dma_start3A_109 : memref<10240x128xf32, #tpu.memory_space<vmem_shared>>) offsets(%arg14 : memref<128xi32, #tpu.memory_space<vmem>>) semaphore(%run_scoped3A : memref<!tpu.dma_semaphore, #tpu.memory_space<semaphore_mem>>) {add = true}
        %dma_wait3A_110 = arith.constant 0 : i32
        %dma_wait3A_111 = arith.constant 0 : i32
        %dma_wait3A_112 = tpu.memref_slice %arg7[%dma_wait3A_110, %dma_wait3A_111] : memref<10240x128xf32, #tpu.memory_space<vmem_shared>> -> memref<10240x128xf32, #tpu.memory_space<vmem_shared>>
        tpu.wait_indirect_dma semaphore(%run_scoped3A : memref<!tpu.dma_semaphore, #tpu.memory_space<semaphore_mem>>) src(%arg16 : memref<128x128xf32, #tpu.memory_space<vmem>>) dst(%dma_wait3A_112 : memref<10240x128xf32, #tpu.memory_space<vmem_shared>>)
        tpu.yield
      }) : () -> ()
      %mul3A_90 = arith.constant 4 : i32
      %mul3A_91 = arith.muli %mul3A_90, %scan3A_41 : i32
      %add3A_92 = arith.constant 3 : i32
      %add3A_93 = arith.addi %mul3A_91, %add3A_92 : i32
      %lt3A_94 = arith.constant 79 : i32
      %lt3A_95 = arith.cmpi slt, %add3A_93, %lt3A_94 : i32
      %convert_element_type3A_96 = arith.extui %lt3A_95 : i1 to i32
      %cond3A_97 = arith.constant 0 : i32
      %cond3A_98 = arith.cmpi ne, %convert_element_type3A_96, %cond3A_97 : i32
      scf.if %cond3A_98 {
        %dma_wait3A_107 = tpu.memref_slice %arg3[%mul3A_6] : memref<327680xi32, #tpu.memory_space<hbm>> -> memref<128xi32, #tpu.memory_space<hbm>>
        %dma_wait3A_108 = tpu.memref_slice %arg3[%mul3A_6] : memref<327680xi32, #tpu.memory_space<hbm>> -> memref<128xi32, #tpu.memory_space<hbm>>
        tpu.wait_dma2 semaphore(%arg18 : memref<!tpu.dma_semaphore, #tpu.memory_space<semaphore_mem>>) src(%dma_wait3A_108 : memref<128xi32, #tpu.memory_space<hbm>>) dst(%arg8 : memref<128xi32, #tpu.memory_space<vmem>>)
        %dma_wait3A_109 = tpu.memref_slice %arg4[%mul3A_6] : memref<327680xi32, #tpu.memory_space<hbm>> -> memref<128xi32, #tpu.memory_space<hbm>>
        %dma_wait3A_110 = tpu.memref_slice %arg4[%mul3A_6] : memref<327680xi32, #tpu.memory_space<hbm>> -> memref<128xi32, #tpu.memory_space<hbm>>
        tpu.wait_dma2 semaphore(%arg18 : memref<!tpu.dma_semaphore, #tpu.memory_space<semaphore_mem>>) src(%dma_wait3A_110 : memref<128xi32, #tpu.memory_space<hbm>>) dst(%arg12 : memref<128xi32, #tpu.memory_space<vmem>>)
        %dma_start3A_111 = arith.constant 0 : i32
        %dma_start3A_112 = arith.constant 0 : i32
        %dma_start3A_113 = tpu.memref_slice %arg2[%dma_start3A_111, %dma_start3A_112] : memref<10240x128xf32, #tpu.memory_space<hbm>> -> memref<10240x128xf32, #tpu.memory_space<hbm>>
        tpu.enqueue_indirect_dma source(%dma_start3A_113 : memref<10240x128xf32, #tpu.memory_space<hbm>>) target(%arg16 : memref<128x128xf32, #tpu.memory_space<vmem>>) offsets(%arg8 : memref<128xi32, #tpu.memory_space<vmem>>) semaphore(%arg22 : memref<!tpu.dma_semaphore, #tpu.memory_space<semaphore_mem>>)
      } else {
      }
      %dma_wait3A_99 = arith.constant 0 : i32
      %dma_wait3A_100 = arith.constant 0 : i32
      %dma_wait3A_101 = tpu.memref_slice %arg2[%dma_wait3A_99, %dma_wait3A_100] : memref<10240x128xf32, #tpu.memory_space<hbm>> -> memref<10240x128xf32, #tpu.memory_space<hbm>>
      tpu.wait_indirect_dma semaphore(%arg23 : memref<!tpu.dma_semaphore, #tpu.memory_space<semaphore_mem>>) src(%dma_wait3A_101 : memref<10240x128xf32, #tpu.memory_space<hbm>>) dst(%arg17 : memref<128x128xf32, #tpu.memory_space<vmem>>)
      %lt3A_102 = arith.constant 78 : i32
      %lt3A_103 = arith.cmpi slt, %add3A_93, %lt3A_102 : i32
      %convert_element_type3A_104 = arith.extui %lt3A_103 : i1 to i32
      %cond3A_105 = arith.constant 0 : i32
      %cond3A_106 = arith.cmpi ne, %convert_element_type3A_104, %cond3A_105 : i32
      scf.if %cond3A_106 {
        %add3A_107 = arith.constant 2 : i32
        %add3A_108 = arith.addi %add3A_93, %add3A_107 : i32
        %mul3A_109 = arith.constant 128 : i32
        %mul3A_110 = arith.muli %add3A_108, %mul3A_109 : i32
        %add3A_111 = arith.addi %mul3A_6, %mul3A_110 : i32
        %dma_start3A_112 = tpu.memref_slice %arg3[%add3A_111] : memref<327680xi32, #tpu.memory_space<hbm>> -> memref<128xi32, #tpu.memory_space<hbm>>
        %dma_start3A_113 = tpu.memref_slice %arg3[%add3A_111] : memref<327680xi32, #tpu.memory_space<hbm>> -> memref<128xi32, #tpu.memory_space<hbm>>
        tpu.enqueue_dma source(%dma_start3A_113 : memref<128xi32, #tpu.memory_space<hbm>>) target(%arg9 : memref<128xi32, #tpu.memory_space<vmem>>) target_semaphore(%arg19 : memref<!tpu.dma_semaphore, #tpu.memory_space<semaphore_mem>>)
        %mul3A_114 = arith.constant 128 : i32
        %mul3A_115 = arith.muli %add3A_108, %mul3A_114 : i32
        %add3A_116 = arith.addi %mul3A_6, %mul3A_115 : i32
        %dma_start3A_117 = tpu.memref_slice %arg4[%add3A_116] : memref<327680xi32, #tpu.memory_space<hbm>> -> memref<128xi32, #tpu.memory_space<hbm>>
        %dma_start3A_118 = tpu.memref_slice %arg4[%add3A_116] : memref<327680xi32, #tpu.memory_space<hbm>> -> memref<128xi32, #tpu.memory_space<hbm>>
        tpu.enqueue_dma source(%dma_start3A_118 : memref<128xi32, #tpu.memory_space<hbm>>) target(%arg13 : memref<128xi32, #tpu.memory_space<vmem>>) target_semaphore(%arg19 : memref<!tpu.dma_semaphore, #tpu.memory_space<semaphore_mem>>)
      } else {
      }
      "tpu.region"() ({
        %run_scoped3A = tpu.sem_alloc : memref<!tpu.dma_semaphore, #tpu.memory_space<semaphore_mem>>
        %dma_start3A_107 = arith.constant 0 : i32
        %dma_start3A_108 = arith.constant 0 : i32
        %dma_start3A_109 = tpu.memref_slice %arg7[%dma_start3A_107, %dma_start3A_108] : memref<10240x128xf32, #tpu.memory_space<vmem_shared>> -> memref<10240x128xf32, #tpu.memory_space<vmem_shared>>
        tpu.enqueue_indirect_dma source(%arg17 : memref<128x128xf32, #tpu.memory_space<vmem>>) target(%dma_start3A_109 : memref<10240x128xf32, #tpu.memory_space<vmem_shared>>) offsets(%arg15 : memref<128xi32, #tpu.memory_space<vmem>>) semaphore(%run_scoped3A : memref<!tpu.dma_semaphore, #tpu.memory_space<semaphore_mem>>) {add = true}
        %dma_wait3A_110 = arith.constant 0 : i32
        %dma_wait3A_111 = arith.constant 0 : i32
        %dma_wait3A_112 = tpu.memref_slice %arg7[%dma_wait3A_110, %dma_wait3A_111] : memref<10240x128xf32, #tpu.memory_space<vmem_shared>> -> memref<10240x128xf32, #tpu.memory_space<vmem_shared>>
        tpu.wait_indirect_dma semaphore(%run_scoped3A : memref<!tpu.dma_semaphore, #tpu.memory_space<semaphore_mem>>) src(%arg17 : memref<128x128xf32, #tpu.memory_space<vmem>>) dst(%dma_wait3A_112 : memref<10240x128xf32, #tpu.memory_space<vmem_shared>>)
        tpu.yield
      }) : () -> ()
    }
    %scan3A_32 = arith.constant 20 : i32
    %barrier3A_33 = arith.constant 0 : index
    tpu.barrier barrier_id(%barrier3A_33)
    %mul3A_34 = arith.constant 640 : i32
    %mul3A_35 = arith.muli %arg1, %mul3A_34 : i32
    %mul3A_36 = arith.constant 10240 : i32
    %mul3A_37 = arith.muli %arg0, %mul3A_36 : i32
    %mul3A_38 = arith.constant 640 : i32
    %mul3A_39 = arith.muli %arg1, %mul3A_38 : i32
    %add3A_40 = arith.addi %mul3A_37, %mul3A_39 : i32
    "tpu.region"() ({
      %run_scoped3A = tpu.sem_alloc : memref<!tpu.dma_semaphore, #tpu.memory_space<semaphore_mem>>
      %dma_start3A_41 = arith.constant 0 : i32
      %dma_start3A_42 = tpu.memref_slice %arg6[%add3A_40, %dma_start3A_41] : memref<20480x128xf32, #tpu.memory_space<hbm>> -> memref<640x128xf32, #tpu.memory_space<hbm>>
      %dma_start3A_43 = arith.constant 0 : i32
      %dma_start3A_44 = tpu.memref_slice %arg7[%mul3A_35, %dma_start3A_43] : memref<10240x128xf32, #tpu.memory_space<vmem_shared>> -> memref<640x128xf32, #tpu.memory_space<vmem_shared>>
      tpu.enqueue_dma source(%dma_start3A_44 : memref<640x128xf32, #tpu.memory_space<vmem_shared>>) target(%dma_start3A_42 : memref<640x128xf32, #tpu.memory_space<hbm>>) target_semaphore(%run_scoped3A : memref<!tpu.dma_semaphore, #tpu.memory_space<semaphore_mem>>)
      %dma_wait3A_45 = arith.constant 0 : i32
      %dma_wait3A_46 = tpu.memref_slice %arg6[%add3A_40, %dma_wait3A_45] : memref<20480x128xf32, #tpu.memory_space<hbm>> -> memref<640x128xf32, #tpu.memory_space<hbm>>
      %dma_wait3A_47 = arith.constant 0 : i32
      %dma_wait3A_48 = tpu.memref_slice %arg7[%mul3A_35, %dma_wait3A_47] : memref<10240x128xf32, #tpu.memory_space<vmem_shared>> -> memref<640x128xf32, #tpu.memory_space<vmem_shared>>
      tpu.wait_dma2 semaphore(%run_scoped3A : memref<!tpu.dma_semaphore, #tpu.memory_space<semaphore_mem>>) src(%dma_wait3A_48 : memref<640x128xf32, #tpu.memory_space<vmem_shared>>) dst(%dma_wait3A_46 : memref<640x128xf32, #tpu.memory_space<hbm>>)
      tpu.yield
    }) : () -> ()
    return
  }
}

module attributes {stable_mosaic.version = 14 : i64} {
  func.func @_scale_body(%arg0: i32, %arg1: memref<1280x128xf32, #tpu.memory_space<vmem>>, %arg2: memref<1280x128xf32, #tpu.memory_space<vmem>>, %arg3: memref<1280x128xf32, #tpu.memory_space<vmem>>, %arg4: memref<1280x128xf32, #tpu.memory_space<vmem>>) attributes {dimension_semantics = [#tpu.dimension_semantics<arbitrary>], iteration_bounds = array<i64: 8>, scalar_prefetch = 0 : i64, scratch_operands = 0 : i64, tpu.core_type = #tpu.core_type<tc>, window_params = [{transform_indices = @transform_0, window_bounds = array<i64: 1280, 128>}, {transform_indices = @transform_1, window_bounds = array<i64: 1280, 128>}, {transform_indices = @transform_2, window_bounds = array<i64: 1280, 128>}, {transform_indices = @transform_3, window_bounds = array<i64: 1280, 128>}]} {
    %get3A = arith.constant 0 : index
    %get3A_0 = arith.constant 0 : index
    %get3A_1 = vector.load %arg1[%get3A, %get3A_0] : memref<1280x128xf32, #tpu.memory_space<vmem>>, vector<1280x128xf32>
    %get3A_2 = arith.constant 0 : index
    %get3A_3 = arith.constant 0 : index
    %get3A_4 = vector.load %arg2[%get3A_2, %get3A_3] : memref<1280x128xf32, #tpu.memory_space<vmem>>, vector<1280x128xf32>
    %get3A_5 = arith.constant 0 : index
    %get3A_6 = arith.constant 0 : index
    %get3A_7 = vector.load %arg3[%get3A_5, %get3A_6] : memref<1280x128xf32, #tpu.memory_space<vmem>>, vector<1280x128xf32>
    %slice3A = vector.extract_strided_slice %get3A_4 {offsets = [0, 0], sizes = [1280, 1], strides = [1, 1]} : vector<1280x128xf32> to vector<1280x1xf32>
    %slice3A_8 = vector.extract_strided_slice %get3A_7 {offsets = [0, 0], sizes = [1280, 1], strides = [1, 1]} : vector<1280x128xf32> to vector<1280x1xf32>
    %add3A = arith.addf %slice3A, %slice3A_8 : vector<1280x1xf32>
    %max3A = arith.constant 1.000000e+00 : f32
    %max3A_9 = vector.broadcast %max3A : f32 to vector<1280x1xf32>
    %max3A_10 = arith.maximumf %add3A, %max3A_9 : vector<1280x1xf32>
    %rsqrt3A = math.rsqrt %max3A_10 : vector<1280x1xf32>
    %mul3A = vector.broadcast %rsqrt3A : vector<1280x1xf32> to vector<1280x128xf32>
    %mul3A_11 = arith.mulf %get3A_1, %mul3A : vector<1280x128xf32>
    %swap3A = arith.constant 0 : index
    %swap3A_12 = arith.constant 0 : index
    %swap3A_13 = vector.load %arg4[%swap3A, %swap3A_12] : memref<1280x128xf32, #tpu.memory_space<vmem>>, vector<1280x128xf32>
    tpu.vector_store %arg4[%swap3A, %swap3A_12], %mul3A_11 {strides = array<i32>} : memref<1280x128xf32, #tpu.memory_space<vmem>>, vector<1280x128xf32>,
    return
  }
  func.func @transform_0(%arg0: i32) -> (i32, i32) {
    %c0_i32 = arith.constant 0 : i32
    %c0_i32_0 = arith.constant 0 : i32
    return %arg0, %c0_i32 : i32, i32
  }
  func.func @transform_1(%arg0: i32) -> (i32, i32) {
    %add3A = arith.constant 0 : i32
    %add3A_0 = arith.addi %add3A, %arg0 : i32
    %c0_i32 = arith.constant 0 : i32
    %c0_i32_1 = arith.constant 0 : i32
    return %add3A_0, %c0_i32 : i32, i32
  }
  func.func @transform_2(%arg0: i32) -> (i32, i32) {
    %add3A = arith.constant 8 : i32
    %add3A_0 = arith.addi %add3A, %arg0 : i32
    %c0_i32 = arith.constant 0 : i32
    %c0_i32_1 = arith.constant 0 : i32
    return %add3A_0, %c0_i32 : i32, i32
  }
  func.func @transform_3(%arg0: i32) -> (i32, i32) {
    %c0_i32 = arith.constant 0 : i32
    %c0_i32_0 = arith.constant 0 : i32
    return %arg0, %c0_i32 : i32, i32
  }
}

module attributes {stable_mosaic.version = 14 : i64} {
  func.func @_layer1_body(%arg0: i32, %arg1: memref<1280x128xf32, #tpu.memory_space<vmem>>, %arg2: memref<1280x128xf32, #tpu.memory_space<vmem>>, %arg3: memref<1280x128xf32, #tpu.memory_space<vmem>>, %arg4: memref<1280x128xf32, #tpu.memory_space<vmem>>, %arg5: memref<128x128xf32, #tpu.memory_space<vmem>>, %arg6: memref<1x128xf32, #tpu.memory_space<vmem>>, %arg7: memref<1280x128xf32, #tpu.memory_space<vmem>>) attributes {dimension_semantics = [#tpu.dimension_semantics<arbitrary>], iteration_bounds = array<i64: 8>, scalar_prefetch = 0 : i64, scratch_operands = 0 : i64, tpu.core_type = #tpu.core_type<tc>, window_params = [{transform_indices = @transform_0, window_bounds = array<i64: 1280, 128>}, {transform_indices = @transform_1, window_bounds = array<i64: 1280, 128>}, {transform_indices = @transform_2, window_bounds = array<i64: 1280, 128>}, {transform_indices = @transform_3, window_bounds = array<i64: 1280, 128>}, {pipeline_mode = #tpu.pipeline_mode<synchronous>, transform_indices = @transform_4, window_bounds = array<i64: 128, 128>}, {pipeline_mode = #tpu.pipeline_mode<synchronous>, transform_indices = @transform_5, window_bounds = array<i64: 1, 128>}, {transform_indices = @transform_6, window_bounds = array<i64: 1280, 128>}]} {
    %get3A = arith.constant 0 : index
    %get3A_0 = arith.constant 0 : index
    %get3A_1 = vector.load %arg1[%get3A, %get3A_0] : memref<1280x128xf32, #tpu.memory_space<vmem>>, vector<1280x128xf32>
    %get3A_2 = arith.constant 0 : index
    %get3A_3 = arith.constant 0 : index
    %get3A_4 = vector.load %arg2[%get3A_2, %get3A_3] : memref<1280x128xf32, #tpu.memory_space<vmem>>, vector<1280x128xf32>
    %add3A = arith.addf %get3A_1, %get3A_4 : vector<1280x128xf32>
    %get3A_5 = arith.constant 0 : index
    %get3A_6 = arith.constant 0 : index
    %get3A_7 = vector.load %arg3[%get3A_5, %get3A_6] : memref<1280x128xf32, #tpu.memory_space<vmem>>, vector<1280x128xf32>
    %get3A_8 = arith.constant 0 : index
    %get3A_9 = arith.constant 0 : index
    %get3A_10 = vector.load %arg4[%get3A_8, %get3A_9] : memref<1280x128xf32, #tpu.memory_space<vmem>>, vector<1280x128xf32>
    %slice3A = vector.extract_strided_slice %get3A_7 {offsets = [0, 16], sizes = [1280, 1], strides = [1, 1]} : vector<1280x128xf32> to vector<1280x1xf32>
    %slice3A_11 = vector.extract_strided_slice %get3A_10 {offsets = [0, 16], sizes = [1280, 1], strides = [1, 1]} : vector<1280x128xf32> to vector<1280x1xf32>
    %add3A_12 = arith.addf %slice3A, %slice3A_11 : vector<1280x1xf32>
    %max3A = arith.constant 1.000000e+00 : f32
    %max3A_13 = vector.broadcast %max3A : f32 to vector<1280x1xf32>
    %max3A_14 = arith.maximumf %add3A_12, %max3A_13 : vector<1280x1xf32>
    %rsqrt3A = math.rsqrt %max3A_14 : vector<1280x1xf32>
    %mul3A = vector.broadcast %rsqrt3A : vector<1280x1xf32> to vector<1280x128xf32>
    %mul3A_15 = arith.mulf %add3A, %mul3A : vector<1280x128xf32>
    %get3A_16 = arith.constant 0 : index
    %get3A_17 = arith.constant 0 : index
    %get3A_18 = vector.load %arg5[%get3A_16, %get3A_17] : memref<128x128xf32, #tpu.memory_space<vmem>>, vector<128x128xf32>
    %dot_general3A = arith.constant dense<0.000000e+00> : vector<1280x128xf32>
    %dot_general3A_19 = tpu.matmul %mul3A_15, %get3A_18, %dot_general3A {dimension_numbers = #tpu.dot_dimension_numbers<[1], [0], [0], [1], [0, 0, 1, 1], [], []>, transpose_lhs_hint = false} : vector<1280x128xf32>, vector<128x128xf32>, vector<1280x128xf32> -> vector<1280x128xf32>
    %get3A_20 = arith.constant 0 : index
    %get3A_21 = arith.constant 0 : index
    %get3A_22 = vector.load %arg6[%get3A_20, %get3A_21] : memref<1x128xf32, #tpu.memory_space<vmem>>, vector<1x128xf32>
    %add3A_23 = vector.broadcast %get3A_22 : vector<1x128xf32> to vector<1280x128xf32>
    %add3A_24 = arith.addf %dot_general3A_19, %add3A_23 : vector<1280x128xf32>
    %max3A_25 = arith.constant 0.000000e+00 : f32
    %max3A_26 = vector.broadcast %max3A_25 : f32 to vector<1280x128xf32>
    %max3A_27 = arith.maximumf %add3A_24, %max3A_26 : vector<1280x128xf32>
    %get3A_28 = arith.constant 0 : index
    %get3A_29 = arith.constant 0 : index
    %get3A_30 = vector.load %arg3[%get3A_28, %get3A_29] : memref<1280x128xf32, #tpu.memory_space<vmem>>, vector<1280x128xf32>
    %get3A_31 = arith.constant 0 : index
    %get3A_32 = arith.constant 0 : index
    %get3A_33 = vector.load %arg4[%get3A_31, %get3A_32] : memref<1280x128xf32, #tpu.memory_space<vmem>>, vector<1280x128xf32>
    %slice3A_34 = vector.extract_strided_slice %get3A_30 {offsets = [0, 0], sizes = [1280, 1], strides = [1, 1]} : vector<1280x128xf32> to vector<1280x1xf32>
    %slice3A_35 = vector.extract_strided_slice %get3A_33 {offsets = [0, 0], sizes = [1280, 1], strides = [1, 1]} : vector<1280x128xf32> to vector<1280x1xf32>
    %add3A_36 = arith.addf %slice3A_34, %slice3A_35 : vector<1280x1xf32>
    %max3A_37 = arith.constant 1.000000e+00 : f32
    %max3A_38 = vector.broadcast %max3A_37 : f32 to vector<1280x1xf32>
    %max3A_39 = arith.maximumf %add3A_36, %max3A_38 : vector<1280x1xf32>
    %rsqrt3A_40 = math.rsqrt %max3A_39 : vector<1280x1xf32>
    %mul3A_41 = vector.broadcast %rsqrt3A_40 : vector<1280x1xf32> to vector<1280x128xf32>
    %mul3A_42 = arith.mulf %max3A_27, %mul3A_41 : vector<1280x128xf32>
    %swap3A = arith.constant 0 : index
    %swap3A_43 = arith.constant 0 : index
    %swap3A_44 = vector.load %arg7[%swap3A, %swap3A_43] : memref<1280x128xf32, #tpu.memory_space<vmem>>, vector<1280x128xf32>
    tpu.vector_store %arg7[%swap3A, %swap3A_43], %mul3A_42 {strides = array<i32>} : memref<1280x128xf32, #tpu.memory_space<vmem>>, vector<1280x128xf32>,
    return
  }
  func.func @transform_0(%arg0: i32) -> (i32, i32) {
    %add3A = arith.constant 0 : i32
    %add3A_0 = arith.addi %add3A, %arg0 : i32
    %c0_i32 = arith.constant 0 : i32
    %c0_i32_1 = arith.constant 0 : i32
    return %add3A_0, %c0_i32 : i32, i32
  }
  func.func @transform_1(%arg0: i32) -> (i32, i32) {
    %add3A = arith.constant 8 : i32
    %add3A_0 = arith.addi %add3A, %arg0 : i32
    %c0_i32 = arith.constant 0 : i32
    %c0_i32_1 = arith.constant 0 : i32
    return %add3A_0, %c0_i32 : i32, i32
  }
  func.func @transform_2(%arg0: i32) -> (i32, i32) {
    %add3A = arith.constant 0 : i32
    %add3A_0 = arith.addi %add3A, %arg0 : i32
    %c0_i32 = arith.constant 0 : i32
    %c0_i32_1 = arith.constant 0 : i32
    return %add3A_0, %c0_i32 : i32, i32
  }
  func.func @transform_3(%arg0: i32) -> (i32, i32) {
    %add3A = arith.constant 8 : i32
    %add3A_0 = arith.addi %add3A, %arg0 : i32
    %c0_i32 = arith.constant 0 : i32
    %c0_i32_1 = arith.constant 0 : i32
    return %add3A_0, %c0_i32 : i32, i32
  }
  func.func @transform_4(%arg0: i32) -> (i32, i32) {
    %c0_i32 = arith.constant 0 : i32
    %c0_i32_0 = arith.constant 0 : i32
    %c0_i32_1 = arith.constant 0 : i32
    return %c0_i32, %c0_i32_0 : i32, i32
  }
  func.func @transform_5(%arg0: i32) -> (i32, i32) {
    %c0_i32 = arith.constant 0 : i32
    %c0_i32_0 = arith.constant 0 : i32
    %c0_i32_1 = arith.constant 0 : i32
    return %c0_i32, %c0_i32_0 : i32, i32
  }
  func.func @transform_6(%arg0: i32) -> (i32, i32) {
    %c0_i32 = arith.constant 0 : i32
    %c0_i32_0 = arith.constant 0 : i32
    return %arg0, %c0_i32 : i32, i32
  }
}

module attributes {stable_mosaic.version = 14 : i64} {
  func.func @_layer2_body(%arg0: i32, %arg1: memref<1280x128xf32, #tpu.memory_space<vmem>>, %arg2: memref<1280x128xf32, #tpu.memory_space<vmem>>, %arg3: memref<1280x128xf32, #tpu.memory_space<vmem>>, %arg4: memref<1280x128xf32, #tpu.memory_space<vmem>>, %arg5: memref<128x128xf32, #tpu.memory_space<vmem>>, %arg6: memref<1x128xf32, #tpu.memory_space<vmem>>, %arg7: memref<128x1xf32, #tpu.memory_space<vmem>>, %arg8: memref<1x1xf32, #tpu.memory_space<vmem>>, %arg9: memref<1280x1xf32, #tpu.memory_space<vmem>>) attributes {dimension_semantics = [#tpu.dimension_semantics<arbitrary>], iteration_bounds = array<i64: 8>, scalar_prefetch = 0 : i64, scratch_operands = 0 : i64, tpu.core_type = #tpu.core_type<tc>, window_params = [{transform_indices = @transform_0, window_bounds = array<i64: 1280, 128>}, {transform_indices = @transform_1, window_bounds = array<i64: 1280, 128>}, {transform_indices = @transform_2, window_bounds = array<i64: 1280, 128>}, {transform_indices = @transform_3, window_bounds = array<i64: 1280, 128>}, {pipeline_mode = #tpu.pipeline_mode<synchronous>, transform_indices = @transform_4, window_bounds = array<i64: 128, 128>}, {pipeline_mode = #tpu.pipeline_mode<synchronous>, transform_indices = @transform_5, window_bounds = array<i64: 1, 128>}, {pipeline_mode = #tpu.pipeline_mode<synchronous>, transform_indices = @transform_6, window_bounds = array<i64: 128, 1>}, {pipeline_mode = #tpu.pipeline_mode<synchronous>, transform_indices = @transform_7, window_bounds = array<i64: 1, 1>}, {transform_indices = @transform_8, window_bounds = array<i64: 1280, 1>}]} {
    %get3A = arith.constant 0 : index
    %get3A_0 = arith.constant 0 : index
    %get3A_1 = vector.load %arg1[%get3A, %get3A_0] : memref<1280x128xf32, #tpu.memory_space<vmem>>, vector<1280x128xf32>
    %get3A_2 = arith.constant 0 : index
    %get3A_3 = arith.constant 0 : index
    %get3A_4 = vector.load %arg2[%get3A_2, %get3A_3] : memref<1280x128xf32, #tpu.memory_space<vmem>>, vector<1280x128xf32>
    %add3A = arith.addf %get3A_1, %get3A_4 : vector<1280x128xf32>
    %get3A_5 = arith.constant 0 : index
    %get3A_6 = arith.constant 0 : index
    %get3A_7 = vector.load %arg3[%get3A_5, %get3A_6] : memref<1280x128xf32, #tpu.memory_space<vmem>>, vector<1280x128xf32>
    %get3A_8 = arith.constant 0 : index
    %get3A_9 = arith.constant 0 : index
    %get3A_10 = vector.load %arg4[%get3A_8, %get3A_9] : memref<1280x128xf32, #tpu.memory_space<vmem>>, vector<1280x128xf32>
    %slice3A = vector.extract_strided_slice %get3A_7 {offsets = [0, 16], sizes = [1280, 1], strides = [1, 1]} : vector<1280x128xf32> to vector<1280x1xf32>
    %slice3A_11 = vector.extract_strided_slice %get3A_10 {offsets = [0, 16], sizes = [1280, 1], strides = [1, 1]} : vector<1280x128xf32> to vector<1280x1xf32>
    %add3A_12 = arith.addf %slice3A, %slice3A_11 : vector<1280x1xf32>
    %max3A = arith.constant 1.000000e+00 : f32
    %max3A_13 = vector.broadcast %max3A : f32 to vector<1280x1xf32>
    %max3A_14 = arith.maximumf %add3A_12, %max3A_13 : vector<1280x1xf32>
    %rsqrt3A = math.rsqrt %max3A_14 : vector<1280x1xf32>
    %mul3A = vector.broadcast %rsqrt3A : vector<1280x1xf32> to vector<1280x128xf32>
    %mul3A_15 = arith.mulf %add3A, %mul3A : vector<1280x128xf32>
    %get3A_16 = arith.constant 0 : index
    %get3A_17 = arith.constant 0 : index
    %get3A_18 = vector.load %arg5[%get3A_16, %get3A_17] : memref<128x128xf32, #tpu.memory_space<vmem>>, vector<128x128xf32>
    %dot_general3A = arith.constant dense<0.000000e+00> : vector<1280x128xf32>
    %dot_general3A_19 = tpu.matmul %mul3A_15, %get3A_18, %dot_general3A {dimension_numbers = #tpu.dot_dimension_numbers<[1], [0], [0], [1], [0, 0, 1, 1], [], []>, transpose_lhs_hint = false} : vector<1280x128xf32>, vector<128x128xf32>, vector<1280x128xf32> -> vector<1280x128xf32>
    %get3A_20 = arith.constant 0 : index
    %get3A_21 = arith.constant 0 : index
    %get3A_22 = vector.load %arg6[%get3A_20, %get3A_21] : memref<1x128xf32, #tpu.memory_space<vmem>>, vector<1x128xf32>
    %add3A_23 = vector.broadcast %get3A_22 : vector<1x128xf32> to vector<1280x128xf32>
    %add3A_24 = arith.addf %dot_general3A_19, %add3A_23 : vector<1280x128xf32>
    %get3A_25 = arith.constant 0 : index
    %get3A_26 = arith.constant 0 : index
    %get3A_27 = vector.load %arg7[%get3A_25, %get3A_26] : memref<128x1xf32, #tpu.memory_space<vmem>>, vector<128x1xf32>
    %dot_general3A_28 = arith.constant dense<0.000000e+00> : vector<1280x1xf32>
    %dot_general3A_29 = tpu.matmul %add3A_24, %get3A_27, %dot_general3A_28 {dimension_numbers = #tpu.dot_dimension_numbers<[1], [0], [0], [1], [0, 0, 1, 1], [], []>, transpose_lhs_hint = false} : vector<1280x128xf32>, vector<128x1xf32>, vector<1280x1xf32> -> vector<1280x1xf32>
    %get3A_30 = arith.constant 0 : index
    %get3A_31 = arith.constant 0 : index
    %get3A_32 = vector.load %arg8[%get3A_30, %get3A_31] : memref<1x1xf32, #tpu.memory_space<vmem>>, vector<1x1xf32>
    %add3A_33 = vector.broadcast %get3A_32 : vector<1x1xf32> to vector<1280x1xf32>
    %add3A_34 = arith.addf %dot_general3A_29, %add3A_33 : vector<1280x1xf32>
    %swap3A = arith.constant 0 : index
    %swap3A_35 = arith.constant 0 : index
    %swap3A_36 = vector.load %arg9[%swap3A, %swap3A_35] : memref<1280x1xf32, #tpu.memory_space<vmem>>, vector<1280x1xf32>
    tpu.vector_store %arg9[%swap3A, %swap3A_35], %add3A_34 {strides = array<i32>} : memref<1280x1xf32, #tpu.memory_space<vmem>>, vector<1280x1xf32>,
    return
  }
  func.func @transform_0(%arg0: i32) -> (i32, i32) {
    %add3A = arith.constant 0 : i32
    %add3A_0 = arith.addi %add3A, %arg0 : i32
    %c0_i32 = arith.constant 0 : i32
    %c0_i32_1 = arith.constant 0 : i32
    return %add3A_0, %c0_i32 : i32, i32
  }
  func.func @transform_1(%arg0: i32) -> (i32, i32) {
    %add3A = arith.constant 8 : i32
    %add3A_0 = arith.addi %add3A, %arg0 : i32
    %c0_i32 = arith.constant 0 : i32
    %c0_i32_1 = arith.constant 0 : i32
    return %add3A_0, %c0_i32 : i32, i32
  }
  func.func @transform_2(%arg0: i32) -> (i32, i32) {
    %add3A = arith.constant 0 : i32
    %add3A_0 = arith.addi %add3A, %arg0 : i32
    %c0_i32 = arith.constant 0 : i32
    %c0_i32_1 = arith.constant 0 : i32
    return %add3A_0, %c0_i32 : i32, i32
  }
  func.func @transform_3(%arg0: i32) -> (i32, i32) {
    %add3A = arith.constant 8 : i32
    %add3A_0 = arith.addi %add3A, %arg0 : i32
    %c0_i32 = arith.constant 0 : i32
    %c0_i32_1 = arith.constant 0 : i32
    return %add3A_0, %c0_i32 : i32, i32
  }
  func.func @transform_4(%arg0: i32) -> (i32, i32) {
    %c0_i32 = arith.constant 0 : i32
    %c0_i32_0 = arith.constant 0 : i32
    %c0_i32_1 = arith.constant 0 : i32
    return %c0_i32, %c0_i32_0 : i32, i32
  }
  func.func @transform_5(%arg0: i32) -> (i32, i32) {
    %c0_i32 = arith.constant 0 : i32
    %c0_i32_0 = arith.constant 0 : i32
    %c0_i32_1 = arith.constant 0 : i32
    return %c0_i32, %c0_i32_0 : i32, i32
  }
  func.func @transform_6(%arg0: i32) -> (i32, i32) {
    %c0_i32 = arith.constant 0 : i32
    %c0_i32_0 = arith.constant 0 : i32
    %c0_i32_1 = arith.constant 0 : i32
    return %c0_i32, %c0_i32_0 : i32, i32
  }
  func.func @transform_7(%arg0: i32) -> (i32, i32) {
    %c0_i32 = arith.constant 0 : i32
    %c0_i32_0 = arith.constant 0 : i32
    %c0_i32_1 = arith.constant 0 : i32
    return %c0_i32, %c0_i32_0 : i32, i32
  }
  func.func @transform_8(%arg0: i32) -> (i32, i32) {
    %c0_i32 = arith.constant 0 : i32
    %c0_i32_0 = arith.constant 0 : i32
    return %arg0, %c0_i32 : i32, i32
  }
}

</mosaic_0001>

<sc_bundles>
// kernel: kernel.11.cloned.1.call-start
scs
__scs_entry_jumppad:
0x0: {  	(pc) =	sbr.rel $0x88, $3  }
0x1: {  	(tag) =	ssettag $0x0;
	lr =	simm.s32 $0x1  }
0x2: {  	[smem:$0x3F99] =	sst lr;
	_ =	strace $0xD0000000  }
0x3: {  	_ = 	snop  }
0x4: {  	_ = 	snop  }
0x5: {  	_ = 	snop  }
0x6: {  	_ = 	snop  }
0x7: {  	_ = 	snop  }
__scs_overlays_trampoline_lowered:
0x8: {  	[smem:$0x3FA8] =	sst s0  }
0x9: {  	[smem:$0x3FA9] =	sst s1  }
0xa: {  	[smem:$0x3FAA] =	sst s2  }
0xb: {  	[smem:$0x3FAB] =	sst s3  }
0xc: {  	[smem:$0x3FAC] =	sst s4  }
0xd: {  	[smem:$0x3FAD] =	sst s5  }
0xe: {  	[smem:$0x3FAE] =	sst s6  }
0xf: {  	[smem:$0x3FAF] =	sst s7  }
0x10: {  	[smem:$0x3FB0] =	sst s8  }
0x11: {  	[smem:$0x3FB1] =	sst s9;
	s0 =	simm.s32 @!p0 $0x0  }
0x12: {  	s1 =	sld [smem:$0x3F97];
	s0 =	simm.s32 @p0 $0x1  }
0x13: {  	[smem:$0x3FB2] =	sst s0;
	s0 =	simm.s32 @!p1 $0x0  }
0x14: {  	s2 =	sld [smem:$0x3F96];
	s0 =	simm.s32 @p1 $0x1  }
0x15: {  	[smem:$0x3FB3] =	sst s0;
	s0 =	simm.s32 @!p2 $0x0  }
0x16: {  	s3 =	sld [smem:$0x3FDB];
	s0 =	simm.s32 @p2 $0x1  }
0x17: {  	s4 =	simm.s32 $0x1BF5;
	[smem:$0x3FB5] =	sst s0  }
0x18: {  	s0 =	sld [smem:$0x3F98];
	_ =	swait.ge [sflag:s4], $0x0  }
0x19: {  	s7 =	sld [smem:$0x3F99]  }
0x1a: {  	s8 =	sadd.s32 $0xFFFFE003, lr  }
0x1b: {  	s9 =	sadd.s32 $0xFFFFFEF7, lr;
	s5 =	simm.s32 $0xFFFFFFFF;
	p2 =	slt.u32 s8, $0xFFFFF086  }
0x1c: {  	p1 =	slt.u32 s9, $0xF7A;
	s5 =	simm.s32 @!p2 $0x0  }
0x1d: {  	s5 =	simm.s32 @p1 $0x1;
	p0 =	seq.s32 s7, s2  }
0x1e: {  	s7 =	smul.u32 @!p0 $0xF7A, s2;
	p2 =	seq.s32 @!p0 s5, $0x0  }
0x1f: {  	s9 =	smul.u32 $0xF7A, s1;
	s8 =	simm.s32 @!p0 $0x1BF5;
	p2 =	por !p2, p0  }
0x20: {  	[sflag:s8] =	ssyncset.s32 @!p0 $0xFFFFF086;
	s6 =	sadd.s32 @!p0 s3, s7;
	s7 =	simm.s32 @!p0 $0x108  }
0x21: {  	s3 =	sadd.s32 s3, s9;
	s6 =	sadd.s32 @!p0 $0x88, s6;
	s7 =	simm.s32 @p2 $0x1082  }
0x22: {  	[simem:s7], [sflag:s8] =	dma.local @!p0 [hbm:s6], $0xF7A  }
0x23: {  	s9 =	sor.u32 $0xD0000000, s2;
	s6 =	simm.s32 $0x108;
	_ =	swait.ge @!p0 [sflag:s8], $0x0  }
0x24: {  	s3 =	sadd.s32 $0x88, s3;
	s6 =	simm.s32 @!p1 $0x1082;
	[sflag:s4] =	ssyncset.s32 $0xFFFFF086  }
0x25: {  	[simem:s6], [sflag:s4] =	dma.local [hbm:s3], $0xF7A  }
0x26: {  	[smem:$0x3F99] =	sst s1;
	(tag) =	ssettag s2;
	_ =	strace s9  }
0x27: {  	s1 =	sld [smem:$0x3FA9]  }
0x28: {  	s2 =	sld [smem:$0x3FAA]  }
0x29: {  	s4 =	sld [smem:$0x3FAC]  }
0x2a: {  	p0 =	seq.s32 s5, $0x0;
	s5 =	sld [smem:$0x3FAD]  }
0x2b: {  	s6 =	sld [smem:$0x3FAE]  }
0x2c: {  	s7 =	sld [smem:$0x3FAF]  }
0x2d: {  	s3 =	simm.s32 $0x108;
	s8 =	sld [smem:$0x3FB0]  }
0x2e: {  	s3 =	simm.s32 @!p0 $0x1082;
	s9 =	sld [smem:$0x3FB1]  }
0x2f: {  	lr =	sadd.s32 s0, s3;
	s0 =	sld [smem:$0x3FA8]  }
0x30: {  	s3 =	sld [smem:$0x3FAB]  }
0x31: {  	[smem:$0x3FB4] =	sst s10  }
0x32: {  	s10 =	sld [smem:$0x3FB2];
	_ =	sdelay $0x3  }
0x33: {  	p0 =	seq.s32 s10, $0x1;
	s10 =	sld [smem:$0x3FB4];
	_ =	sdelay $0x3  }
0x34: {  	[smem:$0x3FB4] =	sst s10  }
0x35: {  	s10 =	sld [smem:$0x3FB3];
	_ =	sdelay $0x3  }
0x36: {  	p1 =	seq.s32 s10, $0x1;
	s10 =	sld [smem:$0x3FB4];
	_ =	sdelay $0x3  }
0x37: {  	[smem:$0x3FB4] =	sst s10  }
0x38: {  	s10 =	sld [smem:$0x3FB5]  }
0x39: {  	_ = 	snop;
	(pc) =	sbr.ind lr, $3  }
0x3a: {  	_ = 	snop  }
0x3b: {  	_ = 	snop  }
0x3c: {  	p2 =	seq.s32 s10, $0x1;
	s10 =	sld [smem:$0x3FB4]  }
0x3d: {  	_ =	shalt  }
0x3e: {  	_ =	shalt  }
0x3f: {  	_ =	shalt  }
0x40: {  	_ =	shalt  }
0x41: {  	_ =	shalt  }
0x42: {  	_ =	shalt  }
0x43: {  	_ =	shalt  }
0x44: {  	_ =	shalt  }
0x45: {  	_ =	shalt  }
0x46: {  	_ =	shalt  }
0x47: {  	_ =	shalt  }
0x48: {  	_ =	shalt  }
0x49: {  	_ =	shalt  }
0x4a: {  	_ =	shalt  }
0x4b: {  	_ =	shalt  }
0x4c: {  	_ =	shalt  }
0x4d: {  	_ =	shalt  }
0x4e: {  	_ =	shalt  }
0x4f: {  	_ =	shalt  }
0x50: {  	_ =	shalt  }
0x51: {  	_ =	shalt  }
0x52: {  	_ =	shalt  }
0x53: {  	_ =	shalt  }
0x54: {  	_ =	shalt  }
0x55: {  	_ =	shalt  }
0x56: {  	_ =	shalt  }
0x57: {  	_ =	shalt  }
0x58: {  	_ =	shalt  }
0x59: {  	_ =	shalt  }
0x5a: {  	_ =	shalt  }
0x5b: {  	_ =	shalt  }
0x5c: {  	_ =	shalt  }
0x5d: {  	_ =	shalt  }
0x5e: {  	_ =	shalt  }
0x5f: {  	_ =	shalt  }
0x60: {  	_ =	shalt  }
0x61: {  	_ =	shalt  }
0x62: {  	_ =	shalt  }
0x63: {  	_ =	shalt  }
0x64: {  	_ =	shalt  }
0x65: {  	_ =	shalt  }
0x66: {  	_ =	shalt  }
0x67: {  	_ =	shalt  }
0x68: {  	_ =	shalt  }
0x69: {  	_ =	shalt  }
0x6a: {  	_ =	shalt  }
0x6b: {  	_ =	shalt  }
0x6c: {  	_ =	shalt  }
0x6d: {  	_ =	shalt  }
0x6e: {  	_ =	shalt  }
0x6f: {  	_ =	shalt  }
0x70: {  	_ =	shalt  }
0x71: {  	_ =	shalt  }
0x72: {  	_ =	shalt  }
0x73: {  	_ =	shalt  }
0x74: {  	_ =	shalt  }
0x75: {  	_ =	shalt  }
0x76: {  	_ =	shalt  }
0x77: {  	_ =	shalt  }
0x78: {  	_ =	shalt  }
0x79: {  	_ =	shalt  }
0x7a: {  	_ =	shalt  }
0x7b: {  	_ =	shalt  }
0x7c: {  	_ =	shalt  }
0x7d: {  	_ =	shalt  }
0x7e: {  	_ =	shalt  }
0x7f: {  	_ =	shalt  }
0x80: {  	_ =	shalt  }
0x81: {  	_ =	shalt  }
0x82: {  	_ =	shalt  }
0x83: {  	_ =	shalt  }
0x84: {  	_ =	shalt  }
0x85: {  	_ =	shalt  }
0x86: {  	_ =	shalt  }
0x87: {  	_ =	shalt  }
.Lfunc_end0:
.L_simem_size_0:
called_computation.1_lowered:
.L_overlay_start_0:
0x88: {  	s2 =	sld [smem:$0x3FD9]  }
0x89: {  	s3 =	sld [smem:$0x3FFE];
	_ =	sdelay $0x1  }
0x8a: {  	s1 =	srdreg.scid  }
0x8b: {  	s0 =	sand.u32 $0x1, s1  }
0x8c: {  	s16 =	sshll.u32 s0, $0xA;
	s2 =	sadd.s32 s3, s2  }
0x8d: {  	s2 =	sadd.s32 s2, s16  }
0x8e: {  	[smem:$0x3FC0] =	sst s2  }
0x8f: {  	_ = 	snop  }
0x90: {  	(tm) =	ssettm $0x1  }
0x91: {  	s17 =	sld [smem:$0x3FFB];
	_ =	sdelay $0x3  }
0x92: {  	_ =	strace s17  }
0x93: {  	s2 =	sld [smem:$0x3FFC];
	_ =	sdelay $0x3  }
0x94: {  	_ =	strace s2  }
0x95: {  	s2 =	sld [smem:$0x3FFD];
	_ =	sdelay $0x3  }
0x96: {  	_ =	strace s2  }
0x97: {  	_ =	strace $0x8FFFFFFF  }
0x98: {  	s18 =	sld [smem:$0x3FDB];
	_ =	sdelay $0x1  }
0x99: {  	s19 =	simm.s32 $_scs_section_size  }
0x9a: {  	s4 =	simm.s32 $_size__tile_overlayer_lowered;
	s5 =	simm.s32 $_tile_overlayer_lowered  }
0x9b: {  	s22 =	simm.s32 $0x1BFF;
	s21 =	sshll.u32 s5, $0x1;
	s2 =	sadd.s32 s19, s18  }
0x9c: {  	s6 =	simm.s32 $0x0;
	s20 =	sshll.u32 s4, $0x1;
	s4 =	sadd.s32 s21, s2  }
0x9d: {  	[timem:s6], [sflag:s22] =	dma.local [hbm:s4], s20  }
0x9e: {  	_ =	swait.ge [sflag:s22], s20  }
0x9f: {  	s3 =	ssub.s32 $0x0, s20;
	[sflag:s22] =	ssyncset.done $0x0  }
0xa0: {  	[sflag:s22] =	ssyncadd.s32 s3;
	_ =	sdelay $0x1  }
0xa1: {  	s23 =	simm.s32 $0x1B8B  }
0xa2: {  	_ =	swait.ge [sflag:s23], $0x1  }
0xa3: {  	[sflag:s23] =	ssyncset.done $0x0  }
0xa4: {  	s25 =	simm.s32 $0x1B8E;
	s24 =	sld [smem:$0x3FFE];
	[sflag:s23] =	ssyncadd.s32 $0xFFFFFFFF  }
0xa5: {  	s26 =	simm.s32 $execute0_lowered;
	[smem:$0x3FD2] =	sst s25  }
0xa6: {  	s4 =	sshll.u32 s26, $0x1;
	_ =	strace $0x80000049;
	[dreg:$0x1] =	wrdreg $0xFFFFFFFF  }
0xa7: {  	s28 =	simm.s32 $_size_execute0_lowered;
	s2 =	sadd.s32 s2, s4;
	[dreg:$0x0] =	wrdreg $0x0  }
0xa8: {  	s4 =	sshll.u32 s28, $0x1;
	[dreg:$0x2] =	wrdreg s2  }
0xa9: {  	[dreg:$0x3] =	wrdreg s4  }
0xaa: {  	[dreg:$0x4] =	wrdreg $0xC0  }
0xab: {  	_ =	task [dreg:s6], $0x5FFFF  }
0xac: {  	[dreg:$0x1] =	wrdreg $0xFFFFFFFF  }
0xad: {  	[dreg:$0x0] =	wrdreg $0x60  }
0xae: {  	[dreg:$0x2] =	wrdreg s24  }
0xaf: {  	[dreg:$0x3] =	wrdreg $0x0  }
0xb0: {  	[dreg:$0x4] =	wrdreg $0x9  }
0xb1: {  	_ =	task.clear_ibuf [dreg:s6], $0x5FFFF;
	_ =	strace $0x90000049  }
0xb2: {  	s29 =	simm.s32 $0x9;
	_ =	strace $0x8000004B  }
0xb3: {  	_ =	swait.ge [sflag:s29], $0x1  }
0xb4: {  	[sflag:s29] =	ssyncadd.s32 $0xFFFFFFFF  }
0xb5: {  	_ =	strace $0x9000004B  }
0xb6: {  	_ =	sfence  }
0xb7: {  	s30 =	sld [smem:$0x0];
	_ =	sdelay $0x2  }
0xb8: {  	s31 =	sshll.u32 s1, $0xD;
	s1 =	sshrl.u32 s1, $0x2  }
0xb9: {  	s3 =	sand.u32 $0x4000, s31;
	s1 =	sadd.s32 s1, s30  }
0xba: {  	s0 =	sor.u32 s3, s0;
	s1 =	sshll.u32 s1, $0x11  }
0xbb: {  	s0 =	sor.u32 s1, s0  }
0xbc: {  	s0 =	sadd.s32 $0x8F2B, s0  }
0xbd: {  	[sflag:s0] =	ssyncadd.remote.s32 $0x1  }
0xbe: {  	_ =	sfence.sel $0xFFFF  }
0xbf: {  	[dreg:$0x0] =	wrdreg $0xFFFFFFFF;
	(pc) =	sbr.abs _section_cstart, $3  }
0xc0: {  	[dreg:$0x1] =	wrdreg $0xFFFFFFFF  }
0xc1: {  	_ =	task.clear_ibuf [dreg:s6], $0x2FFFF;
	_ =	strace $0x9FFFFFFF  }
0xc2: {  	(tm) =	ssettm $0x7FFFFFFF  }
0xc3: {  	_ =	shalt  }
tec
execute0_lowered:
.L_overlay_start_1:
0x0: {  	(tag) =	ssettag $0x1  }
0x1: {  	s0 =	rddreg [dreg:$0x0]  }
0x2: {  	s1 =	rddreg [dreg:$0x1];
	s3 =	simm.s32 $0x0  }
0x3: {  	s12 =	stileid.u32;
	s2 =	srdreg.scid;
	s28 =	simm.s32 $0x3  }
0x4: {  	s29 =	simm.s32 $0x6;
	s30 =	simm.s32 $0x14180;
	s31 =	simm.s32 $0x14380  }
0x5: {  	[smem:$0x7FF] =	sst s3;
	s4 =	sadd.s32 $0x8E200, s0;
	s5 =	smul.u32 $0x2800, s12  }
0x6: {  	s2 =	sand.u32 $0x1, s2;
	s6 =	sadd.s32 $0xC200, s0;
	s10 =	smul.u32 $0x50000, s12  }
0x7: {  	s8 =	sadd.s32 $0x2200, s0;
	_ =	strace $0x8000004A;
	s7 =	smul.u32 $0x28000, s2  }
0x8: {  	s11 =	sshll.u32 s2, $0x4;
	s2 =	ssub.s32 $0x2, s2;
	s9 =	sadd.s32 s5, s0  }
0x9: {  	s25 =	sor.u32 s12, s11;
	s26 =	sshrl.u32 s2, $0x1;
	s10 =	sshrl.u32 s10, $0x2  }
0xa: {  	s11 =	sshll.u32 s12, $0x6;
	s5 =	sadd.s32 s5, s7;
	s10 =	sadd.s32 s10, s1  }
0xb: {  	s7 =	smul.u32 $0x2800, s25;
	s9 =	sadd.s32 $0x16200, s9;
	[dreg:$0xb] =	wrdreg s10  }
0xc: {  	s2 =	ssub.s32 s2, s26;
	s0 =	sadd.s32 s5, s0;
	[dreg:$0xc] =	wrdreg s9  }
0xd: {  	s14 =	sor.u32 $0x280, s5;
	s18 =	sor.u32 $0x200, s5;
	s21 =	sor.u32 $0x180, s5  }
0xe: {  	s5 =	sor.u32 $0x100, s5;
	s2 =	smax.u32 s2, $0x1;
	s12 =	sshrl.u32 s7, $0x3  }
0xf: {  	s7 =	sor.u32 $0x1C07, s11;
	s9 =	sshrl.u32 s14, $0x3;
	s19 =	sshrl.u32 s18, $0x3  }
0x10: {  	s23 =	sshrl.u32 s21, $0x3;
	s0 =	sadd.s32 $0xB6200, s0;
	[dreg:$0x13] =	wrdreg s2  }
0x11: {  	s5 =	sshrl.u32 s5, $0x3;
	s14 =	simm.s32 $0x7;
	[dreg:$0x12] =	wrdreg s0  }
0x12: {  	s18 =	simm.s32 $0x14280;
	s13 =	sadd.s32 s6, s12;
	[dreg:$0xd] =	wrdreg s7  }
0x13: {  	s21 =	simm.s32 $0x14400;
	s15 =	sadd.s32 s8, s12;
	[dreg:$0xe] =	wrdreg s13  }
0x14: {  	s2 =	simm.s32 $0x0;
	s17 =	sadd.s32 s9, s8;
	[dreg:$0xf] =	wrdreg s15  }
0x15: {  	s10 =	sor.u32 $0x10, s12;
	s9 =	sadd.s32 s9, s6;
	[dreg:$0x3] =	wrdreg s17  }
0x16: {  	s20 =	sadd.s32 s19, s8;
	s22 =	sadd.s32 s19, s6;
	[dreg:$0x4] =	wrdreg s9  }
0x17: {  	s24 =	sadd.s32 s23, s8;
	s25 =	sadd.s32 s23, s6;
	[dreg:$0x5] =	wrdreg s20  }
0x18: {  	s26 =	sadd.s32 s5, s6;
	s19 =	simm.s32 $0x1;
	[dreg:$0x6] =	wrdreg s22  }
0x19: {  	s23 =	simm.s32 $0x18400;
	s0 =	simm.s32 $0x4;
	[dreg:$0x7] =	wrdreg s24  }
0x1a: {  	s16 =	sadd.s32 s6, s10;
	s10 =	sadd.s32 s8, s10;
	[dreg:$0x8] =	wrdreg s25  }
0x1b: {  	s8 =	sadd.s32 s5, s8;
	[dreg:$0xa] =	wrdreg s26;
	s17 =	simm.s32 $0x14080  }
0x1c: {  	s20 =	simm.s32 $0x80;
	s22 =	simm.s32 $0x2;
	[dreg:$0x10] =	wrdreg s16  }
0x1d: {  	s24 =	simm.s32 $0x5;
	s25 =	simm.s32 $0x14100;
	[dreg:$0x11] =	wrdreg s10  }
0x1e: {  	s26 =	simm.s32 $0x14300;
	[dreg:$0x9] =	wrdreg s8;
	s16 =	simm.s32 $0x14200  }
.LBB2_1:
0x1f: {  	s5 =	rddreg [dreg:$0xb]  }
0x20: {  	s6 =	rddreg [dreg:$0xc];
	s5 =	sshrl.u32 s5, $0x3  }
0x21: {  	[spmem:s5], [sflag:s7] =	dma.local [hbm:s6], $0x2800  }
0x22: {  	_ =	swait.ge [sflag:s14], $0x2800  }
0x23: {  	[sflag:s14] =	ssyncset.done $0x0  }
0x24: {  	s13 =	simm.s32 $0x14000;
	s12 =	rddreg [dreg:$0xe];
	[sflag:s14] =	ssyncadd.s32 $0xFFFFD800  }
0x25: {  	[tilespmem:s13], [sflag:$0x1] =	stream.linear.gather [hbm4b:s12+s3], $0x80, $0x38;
	[tilespmem:$0x1C400] =	vst v63  }
0x26: {  	s15 =	rddreg [dreg:$0xf]  }
0x27: {  	[tilespmem:s16], [sflag:$0x1] =	stream.linear.gather [hbm4b:s15+s3], $0x80, $0x38;
	[tilespmem:$0x1C400] =	vst v63  }
0x28: {  	s8 =	rddreg [dreg:$0x10]  }
0x29: {  	[tilespmem:s17], [sflag:$0x2] =	stream.linear.gather [hbm4b:s8+s3], $0x80, $0x38;
	[tilespmem:$0x1C400] =	vst v63  }
0x2a: {  	s9 =	rddreg [dreg:$0x11]  }
0x2b: {  	[tilespmem:s18], [sflag:$0x2] =	stream.linear.gather [hbm4b:s9+s3], $0x80, $0x38;
	[tilespmem:$0x1C400] =	vst v63  }
0x2c: {  	_ =	swait.ge [sflag:s19], $0x80  }
0x2d: {  	[sflag:s19] =	ssyncset.done $0x0  }
0x2e: {  	[sflag:s19] =	ssyncadd.s32 $0xFFFFFF80  }
0x2f: {  	_ =	swait.ge [sflag:s19], $0x80  }
0x30: {  	[sflag:s19] =	ssyncset.done $0x0  }
0x31: {  	[sflag:s19] =	ssyncadd.s32 $0xFFFFFF80  }
0x32: {  	[tilespmem:s21], [sflag:$0x5] =	stream.indirect.gather [hbm4b:s4+s20], $0x80, s13, s20, $0xb8;
	[tilespmem:$0x1C400] =	vst v63  }
0x33: {  	[bflag:$0x0] =	sbarrier.arrive $0xFFFF  }
0x34: {  	_ =	swait.ge [sflag:s22], $0x80  }
0x35: {  	[sflag:s22] =	ssyncset.done $0x0  }
0x36: {  	[sflag:s22] =	ssyncadd.s32 $0xFFFFFF80  }
0x37: {  	_ =	swait.ge [sflag:s22], $0x80  }
0x38: {  	[sflag:s22] =	ssyncset.done $0x0  }
0x39: {  	[sflag:s22] =	ssyncadd.s32 $0xFFFFFF80  }
0x3a: {  	[tilespmem:s23], [sflag:$0x6] =	stream.indirect.gather [hbm4b:s4+s20], $0x80, s17, s20, $0xb8;
	[tilespmem:$0x1C400] =	vst v63  }
0x3b: {  	_ =	swait.ge [sflag:s24], $0x4000  }
0x3c: {  	s10 =	rddreg [dreg:$0xa];
	[sflag:s24] =	ssyncset.done $0x0  }
0x3d: {  	s8 =	rddreg [dreg:$0x9];
	[sflag:s24] =	ssyncadd.s32 $0xFFFFC000;
	s6 =	sadd.s32 $0x0, s10  }
0x3e: {  	[tilespmem:s25], [sflag:$0x3] =	stream.linear.gather [hbm4b:s6+s3], $0x80, $0x38;
	[tilespmem:$0x1C400] =	vst v63  }
0x3f: {  	s11 =	sadd.s32 $0x0, s8  }
0x40: {  	[tilespmem:s26], [sflag:$0x3] =	stream.linear.gather [hbm4b:s11+s3], $0x80, $0x38;
	[tilespmem:$0x1C400] =	vst v63  }
0x41: {  	_ = 	snop  }
0x42: {  	[spmem:s1] =	stream.indirect.scatter.add.f32 [tilespmem:s21], [sflag:$0x7], $0x80, s16, s20, $0xb8;
	[tilespmem:$0x1C400] =	vst v63  }
0x43: {  	_ =	swait.ge [sflag:s14], $0x4000  }
0x44: {  	[sflag:s14] =	ssyncset.done $0x0  }
0x45: {  	[sflag:s14] =	ssyncadd.s32 $0xFFFFC000  }
0x46: {  	_ =	swait.ge [sflag:s28], $0x80  }
0x47: {  	[sflag:s28] =	ssyncset.done $0x0  }
0x48: {  	[sflag:s28] =	ssyncadd.s32 $0xFFFFFF80  }
0x49: {  	_ =	swait.ge [sflag:s28], $0x80  }
0x4a: {  	[sflag:s28] =	ssyncset.done $0x0  }
0x4b: {  	[sflag:s28] =	ssyncadd.s32 $0xFFFFFF80  }
0x4c: {  	[tilespmem:s21], [sflag:$0x5] =	stream.indirect.gather [hbm4b:s4+s20], $0x80, s25, s20, $0xb8;
	[tilespmem:$0x1C400] =	vst v63  }
0x4d: {  	_ =	swait.ge [sflag:s29], $0x4000  }
0x4e: {  	s12 =	rddreg [dreg:$0x8];
	[sflag:s29] =	ssyncset.done $0x0  }
0x4f: {  	s13 =	rddreg [dreg:$0x7];
	[sflag:s29] =	ssyncadd.s32 $0xFFFFC000;
	s6 =	sadd.s32 $0x0, s12  }
0x50: {  	[tilespmem:s30], [sflag:$0x4] =	stream.linear.gather [hbm4b:s6+s3], $0x80, $0x38;
	[tilespmem:$0x1C400] =	vst v63  }
0x51: {  	s15 =	sadd.s32 $0x0, s13  }
0x52: {  	[tilespmem:s31], [sflag:$0x4] =	stream.linear.gather [hbm4b:s15+s3], $0x80, $0x38;
	[tilespmem:$0x1C400] =	vst v63  }
0x53: {  	_ = 	snop  }
0x54: {  	[spmem:s1] =	stream.indirect.scatter.add.f32 [tilespmem:s23], [sflag:$0x7], $0x80, s18, s20, $0xb8;
	[tilespmem:$0x1C400] =	vst v63  }
0x55: {  	_ =	swait.ge [sflag:s14], $0x4000  }
0x56: {  	[sflag:s14] =	ssyncset.done $0x0  }
0x57: {  	[sflag:s14] =	ssyncadd.s32 $0xFFFFC000  }
0x58: {  	_ =	swait.ge [sflag:s0], $0x80  }
0x59: {  	[sflag:s0] =	ssyncset.done $0x0  }
0x5a: {  	[sflag:s0] =	ssyncadd.s32 $0xFFFFFF80  }
0x5b: {  	_ =	swait.ge [sflag:s0], $0x80  }
0x5c: {  	[sflag:s0] =	ssyncset.done $0x0  }
0x5d: {  	p0 =	por $0x0, $0x0;
	[sflag:s0] =	ssyncadd.s32 $0xFFFFFF80  }
0x5e: {  	[tilespmem:s23], [sflag:$0x6] =	stream.indirect.gather [hbm4b:s4+s20], $0x80, s30, s20, $0xb8;
	[tilespmem:$0x1C400] =	vst v63  }
0x5f: {  	s9 =	simm.s32 @!p0 $0x0;
	_ =	swait.ge [sflag:s24], $0x4000  }
0x60: {  	s10 =	simm.s32 @!p0 $0x14000;
	s6 =	rddreg [dreg:$0x6];
	[sflag:s24] =	ssyncset.done $0x0  }
0x61: {  	s8 =	rddreg [dreg:$0x5];
	[sflag:s24] =	ssyncadd.s32 $0xFFFFC000;
	s6 =	sadd.s32 @!p0 $0x0, s6  }
0x62: {  	[tilespmem:s10], [sflag:$0x1] =	stream.linear.gather @!p0 [hbm4b:s6+s9], $0x80, $0x38;
	[tilespmem:$0x1C400] =	vst v63  }
0x63: {  	s8 =	sadd.s32 @!p0 $0x0, s8;
	s6 =	simm.s32 @!p0 $0x14200  }
0x64: {  	[tilespmem:s6], [sflag:$0x1] =	stream.linear.gather @!p0 [hbm4b:s8+s9], $0x80, $0x38;
	[tilespmem:$0x1C400] =	vst v63  }
0x65: {  	_ = 	snop  }
0x66: {  	[spmem:s1] =	stream.indirect.scatter.add.f32 [tilespmem:s21], [sflag:$0x7], $0x80, s26, s20, $0xb8;
	[tilespmem:$0x1C400] =	vst v63  }
0x67: {  	_ =	swait.ge [sflag:s14], $0x4000  }
0x68: {  	p0 =	por $0x0, $0x0;
	[sflag:s14] =	ssyncset.done $0x0  }
0x69: {  	s6 =	simm.s32 @!p0 $0x1;
	[sflag:s14] =	ssyncadd.s32 $0xFFFFC000  }
0x6a: {  	_ =	swait.ge @!p0 [sflag:s6], $0x80  }
0x6b: {  	[sflag:s6] =	ssyncset.done @!p0 $0x0  }
0x6c: {  	[sflag:s6] =	ssyncadd.s32 @!p0 $0xFFFFFF80  }
0x6d: {  	_ =	swait.ge @!p0 [sflag:s6], $0x80  }
0x6e: {  	s8 =	simm.s32 @!p0 $0x14400;
	[sflag:s6] =	ssyncset.done @!p0 $0x0  }
0x6f: {  	s9 =	simm.s32 @!p0 $0x80;
	s10 =	simm.s32 @!p0 $0x14000;
	[sflag:s6] =	ssyncadd.s32 @!p0 $0xFFFFFF80  }
0x70: {  	[tilespmem:s8], [sflag:$0x5] =	stream.indirect.gather @!p0 [hbm4b:s4+s9], $0x80, s10, s9, $0xb8;
	[tilespmem:$0x1C400] =	vst v63  }
0x71: {  	p0 =	por $0x0, $0x0  }
0x72: {  	_ =	swait.ge [sflag:s29], $0x4000;
	s9 =	simm.s32 @!p0 $0x0  }
0x73: {  	s10 =	simm.s32 @!p0 $0x14080;
	s6 =	rddreg [dreg:$0x4];
	[sflag:s29] =	ssyncset.done $0x0  }
0x74: {  	s8 =	rddreg [dreg:$0x3];
	[sflag:s29] =	ssyncadd.s32 $0xFFFFC000;
	s6 =	sadd.s32 @!p0 $0x0, s6  }
0x75: {  	[tilespmem:s10], [sflag:$0x2] =	stream.linear.gather @!p0 [hbm4b:s6+s9], $0x80, $0x38;
	[tilespmem:$0x1C400] =	vst v63  }
0x76: {  	s6 =	sadd.s32 @!p0 $0x0, s8;
	s8 =	simm.s32 @!p0 $0x14280  }
0x77: {  	[tilespmem:s8], [sflag:$0x2] =	stream.linear.gather @!p0 [hbm4b:s6+s9], $0x80, $0x38;
	[tilespmem:$0x1C400] =	vst v63  }
0x78: {  	s6 =	simm.s32 $0x40  }
0x79: {  	[spmem:s1] =	stream.indirect.scatter.add.f32 [tilespmem:s23], [sflag:$0x7], $0x80, s31, s20, $0xb8;
	[tilespmem:$0x1C400] =	vst v63  }
0x7a: {  	s8 =	simm.s32 $0x7;
	s9 =	simm.s32 $0x0;
	_ =	swait.ge [sflag:s14], $0x4000  }
.LBB2_2:
0x7b: {  	[sflag:s14] =	ssyncset.done $0x0  }
0x7c: {  	[sflag:s14] =	ssyncadd.s32 $0xFFFFC000  }
0x7d: {  	_ =	swait.ge [sflag:s22], $0x80  }
0x7e: {  	[sflag:s22] =	ssyncset.done $0x0  }
0x7f: {  	[sflag:s22] =	ssyncadd.s32 $0xFFFFFF80  }
0x80: {  	_ =	swait.ge [sflag:s22], $0x80  }
0x81: {  	[sflag:s22] =	ssyncset.done $0x0  }
0x82: {  	[sflag:s22] =	ssyncadd.s32 $0xFFFFFF80  }
0x83: {  	[tilespmem:s23], [sflag:$0x6] =	stream.indirect.gather [hbm4b:s4+s20], $0x80, s17, s20, $0xb8;
	[tilespmem:$0x1C400] =	vst v63  }
0x84: {  	_ =	swait.ge [sflag:s24], $0x4000  }
0x85: {  	s10 =	smov.u32 s6;
	s11 =	rddreg [dreg:$0xa];
	[sflag:s24] =	ssyncset.done $0x0  }
0x86: {  	s12 =	rddreg [dreg:$0x9];
	[sflag:s24] =	ssyncadd.s32 $0xFFFFC000;
	s11 =	sadd.s32 s10, s11  }
0x87: {  	[tilespmem:s25], [sflag:$0x3] =	stream.linear.gather [hbm4b:s11+s3], $0x80, $0x38;
	[tilespmem:$0x1C400] =	vst v63  }
0x88: {  	s7 =	sadd.s32 s10, s12  }
0x89: {  	[tilespmem:s26], [sflag:$0x3] =	stream.linear.gather [hbm4b:s7+s3], $0x80, $0x38;
	[tilespmem:$0x1C400] =	vst v63  }
0x8a: {  	_ = 	snop  }
0x8b: {  	[spmem:s1] =	stream.indirect.scatter.add.f32 [tilespmem:s21], [sflag:$0x7], $0x80, s16, s20, $0xb8;
	[tilespmem:$0x1C400] =	vst v63  }
0x8c: {  	_ =	swait.ge [sflag:s14], $0x4000  }
0x8d: {  	[sflag:s14] =	ssyncset.done $0x0  }
0x8e: {  	[sflag:s14] =	ssyncadd.s32 $0xFFFFC000  }
0x8f: {  	_ =	swait.ge [sflag:s28], $0x80  }
0x90: {  	[sflag:s28] =	ssyncset.done $0x0  }
0x91: {  	[sflag:s28] =	ssyncadd.s32 $0xFFFFFF80  }
0x92: {  	_ =	swait.ge [sflag:s28], $0x80  }
0x93: {  	[sflag:s28] =	ssyncset.done $0x0  }
0x94: {  	[sflag:s28] =	ssyncadd.s32 $0xFFFFFF80  }
0x95: {  	[tilespmem:s21], [sflag:$0x5] =	stream.indirect.gather [hbm4b:s4+s20], $0x80, s25, s20, $0xb8;
	[tilespmem:$0x1C400] =	vst v63  }
0x96: {  	_ =	swait.ge [sflag:s29], $0x4000  }
0x97: {  	s12 =	rddreg [dreg:$0x8];
	[sflag:s29] =	ssyncset.done $0x0  }
0x98: {  	s13 =	rddreg [dreg:$0x7];
	[sflag:s29] =	ssyncadd.s32 $0xFFFFC000;
	s11 =	sadd.s32 s10, s12  }
0x99: {  	[tilespmem:s30], [sflag:$0x4] =	stream.linear.gather [hbm4b:s11+s3], $0x80, $0x38;
	[tilespmem:$0x1C400] =	vst v63  }
0x9a: {  	s15 =	sadd.s32 s10, s13  }
0x9b: {  	[tilespmem:s31], [sflag:$0x4] =	stream.linear.gather [hbm4b:s15+s3], $0x80, $0x38;
	[tilespmem:$0x1C400] =	vst v63  }
0x9c: {  	_ = 	snop  }
0x9d: {  	[spmem:s1] =	stream.indirect.scatter.add.f32 [tilespmem:s23], [sflag:$0x7], $0x80, s18, s20, $0xb8;
	[tilespmem:$0x1C400] =	vst v63  }
0x9e: {  	_ =	swait.ge [sflag:s14], $0x4000  }
0x9f: {  	[sflag:s14] =	ssyncset.done $0x0  }
0xa0: {  	[sflag:s14] =	ssyncadd.s32 $0xFFFFC000  }
0xa1: {  	_ =	swait.ge [sflag:s0], $0x80  }
0xa2: {  	[sflag:s0] =	ssyncset.done $0x0  }
0xa3: {  	[sflag:s0] =	ssyncadd.s32 $0xFFFFFF80  }
0xa4: {  	_ =	swait.ge [sflag:s0], $0x80  }
0xa5: {  	s9 =	sadd.s32 $0x1, s9;
	[sflag:s0] =	ssyncset.done $0x0  }
0xa6: {  	p1 =	sgt.u32 s9, $0x12;
	[sflag:s0] =	ssyncadd.s32 $0xFFFFFF80  }
0xa7: {  	[tilespmem:s23], [sflag:$0x6] =	stream.indirect.gather [hbm4b:s4+s20], $0x80, s30, s20, $0xb8;
	[tilespmem:$0x1C400] =	vst v63  }
0xa8: {  	s13 =	simm.s32 @!p1 $0x14000;
	_ =	swait.ge [sflag:s24], $0x4000  }
0xa9: {  	s15 =	simm.s32 @!p1 $0x0;
	s11 =	rddreg [dreg:$0x6];
	[sflag:s24] =	ssyncset.done $0x0  }
0xaa: {  	s12 =	rddreg [dreg:$0x5];
	[sflag:s24] =	ssyncadd.s32 $0xFFFFC000;
	s11 =	sadd.s32 @!p1 s10, s11  }
0xab: {  	[tilespmem:s13], [sflag:$0x1] =	stream.linear.gather @!p1 [hbm4b:s11+s15], $0x80, $0x38;
	[tilespmem:$0x1C400] =	vst v63  }
0xac: {  	s7 =	simm.s32 @!p1 $0x14200;
	s11 =	sadd.s32 @!p1 s10, s12  }
0xad: {  	[tilespmem:s7], [sflag:$0x1] =	stream.linear.gather @!p1 [hbm4b:s11+s15], $0x80, $0x38;
	[tilespmem:$0x1C400] =	vst v63  }
0xae: {  	_ = 	snop  }
0xaf: {  	[spmem:s1] =	stream.indirect.scatter.add.f32 [tilespmem:s21], [sflag:$0x7], $0x80, s26, s20, $0xb8;
	[tilespmem:$0x1C400] =	vst v63  }
0xb0: {  	_ =	swait.ge [sflag:s14], $0x4000  }
0xb1: {  	p1 =	sgt.u32 s8, $0x4E;
	[sflag:s14] =	ssyncset.done $0x0  }
0xb2: {  	s7 =	simm.s32 @!p1 $0x1;
	[sflag:s14] =	ssyncadd.s32 $0xFFFFC000  }
0xb3: {  	_ =	swait.ge @!p1 [sflag:s7], $0x80  }
0xb4: {  	[sflag:s7] =	ssyncset.done @!p1 $0x0  }
0xb5: {  	[sflag:s7] =	ssyncadd.s32 @!p1 $0xFFFFFF80  }
0xb6: {  	_ =	swait.ge @!p1 [sflag:s7], $0x80  }
0xb7: {  	s11 =	simm.s32 @!p1 $0x14400;
	[sflag:s7] =	ssyncset.done @!p1 $0x0  }
0xb8: {  	s12 =	simm.s32 @!p1 $0x80;
	s13 =	simm.s32 @!p1 $0x14000;
	[sflag:s7] =	ssyncadd.s32 @!p1 $0xFFFFFF80  }
0xb9: {  	[tilespmem:s11], [sflag:$0x5] =	stream.indirect.gather @!p1 [hbm4b:s4+s12], $0x80, s13, s12, $0xb8;
	[tilespmem:$0x1C400] =	vst v63  }
0xba: {  	s6 =	sadd.s32 $0x40, s6;
	p1 =	sgt.u32 s8, $0x4D  }
0xbb: {  	p0 =	sne.s32 s6, $0x500;
	_ =	swait.ge [sflag:s29], $0x4000;
	s12 =	simm.s32 @!p1 $0x0  }
0xbc: {  	s13 =	simm.s32 @!p1 $0x14080;
	s7 =	rddreg [dreg:$0x4];
	[sflag:s29] =	ssyncset.done $0x0  }
0xbd: {  	s11 =	rddreg [dreg:$0x3];
	[sflag:s29] =	ssyncadd.s32 $0xFFFFC000;
	s7 =	sadd.s32 @!p1 s10, s7  }
0xbe: {  	[tilespmem:s13], [sflag:$0x2] =	stream.linear.gather @!p1 [hbm4b:s7+s12], $0x80, $0x38;
	[tilespmem:$0x1C400] =	vst v63  }
.Ltmp0:
0xbf: {  	s7 =	sadd.s32 @!p1 s10, s11;
	s10 =	simm.s32 @!p1 $0x14280;
	(pc) =	sbr.rel @p0 .LBB2_2-.Ltmp0, $4  }
0xc0: {  	[tilespmem:s10], [sflag:$0x2] =	stream.linear.gather @!p1 [hbm4b:s7+s12], $0x80, $0x38;
	[tilespmem:$0x1C400] =	vst v63  }
0xc1: {  	_ = 	snop  }
0xc2: {  	[spmem:s1] =	stream.indirect.scatter.add.f32 [tilespmem:s23], [sflag:$0x7], $0x80, s31, s20, $0xb8;
	[tilespmem:$0x1C400] =	vst v63  }
0xc3: {  	s8 =	sadd.s32 $0x4, s8;
	_ =	swait.ge [sflag:s14], $0x4000  }
0xc4: {  	[sflag:s14] =	ssyncset.done $0x0  }
0xc5: {  	[sflag:s14] =	ssyncadd.s32 $0xFFFFC000  }
0xc6: {  	[bflag:$0x0] =	sbarrier.arrive $0xFFFF  }
0xc7: {  	s7 =	rddreg [dreg:$0xd]  }
0xc8: {  	s6 =	rddreg [dreg:$0x12]  }
0xc9: {  	[hbm:s6], [sflag:s7] =	dma.local [spmem:s5], $0x2800  }
0xca: {  	_ =	swait.ge [sflag:s14], $0x2800  }
0xcb: {  	s2 =	sadd.s32 $0x1, s2;
	s15 =	rddreg [dreg:$0x13]  }
0xcc: {  	p0 =	sne.s32 s2, s15  }
.Ltmp1:
0xcd: {  	_ = 	snop;
	(pc) =	sbr.rel @p0 .LBB2_1-.Ltmp1, $3  }
0xce: {  	_ =	sdelay $0x1  }
0xcf: {  	[sflag:s14] =	ssyncset.done $0x0  }
0xd0: {  	[sflag:s14] =	ssyncadd.s32 $0xFFFFD800  }
0xd1: {  	_ =	sfence.sel $0x180000  }
0xd2: {  	[bflag:$0x0] =	sbarrier.arrive $0xFFFF  }
0xd3: {  	_ =	strace $0x9000004A  }
0xd4: {  	s0 =	stileid.u32;
	[bflag:$0x2] =	sbarrier.arrive $0xFFFF  }
0xd5: {  	p0 =	sne.s32 s0, $0x0;
	s0 =	rddreg [dreg:$0x2]  }
0xd6: {  	s0 =	sadd.s32 @!p0 $0x100000, s0  }
0xd7: {  	[sflag:s0] =	ssyncadd.tile.s32 @!p0 $0x1;
	_ =	shalt  }
.Lfunc_end2:
_tile_overlayer_lowered:
.L_overlay_start_2:
0xd8: {  	(tag) =	ssettag $0x2  }
0xd9: {  	s0 =	rddreg [dreg:$0x0];
	s2 =	stileid.u32  }
0xda: {  	s1 =	rddreg [dreg:$0x1];
	p0 =	sne.s32 s2, $0x0  }
0xdb: {  	s3 =	rddreg [dreg:$0x2];
	[bflag:$0x3] =	sbarrier.arrive $0xFFFF;
	s2 =	simm.s32 @!p0 $0x1C07  }
0xdc: {  	[timem:s3], [sflag:s2] =	dma.local @!p0 [hbm:s0], s1  }
0xdd: {  	s0 =	simm.s32 @!p0 $0x7  }
0xde: {  	_ =	swait.ge @!p0 [sflag:s0], s1  }
0xdf: {  	s1 =	ssub.s32 @!p0 $0x0, s1;
	[sflag:s0] =	ssyncset.done @!p0 $0x0  }
0xe0: {  	[sflag:s0] =	ssyncadd.s32 @!p0 s1  }
0xe1: {  	[bflag:$0x3] =	sbarrier.arrive $0xFFFF  }
0xe2: {  	_ =	shalt  }

// kernel: kernel.14.cloned.1.call-start
scs
__scs_entry_jumppad:
0x0: {  	(pc) =	sbr.rel $0x88, $3  }
0x1: {  	(tag) =	ssettag $0x0;
	lr =	simm.s32 $0x1  }
0x2: {  	[smem:$0x3F99] =	sst lr;
	_ =	strace $0xD0000000  }
0x3: {  	_ = 	snop  }
0x4: {  	_ = 	snop  }
0x5: {  	_ = 	snop  }
0x6: {  	_ = 	snop  }
0x7: {  	_ = 	snop  }
__scs_overlays_trampoline_lowered:
0x8: {  	[smem:$0x3FA8] =	sst s0  }
0x9: {  	[smem:$0x3FA9] =	sst s1  }
0xa: {  	[smem:$0x3FAA] =	sst s2  }
0xb: {  	[smem:$0x3FAB] =	sst s3  }
0xc: {  	[smem:$0x3FAC] =	sst s4  }
0xd: {  	[smem:$0x3FAD] =	sst s5  }
0xe: {  	[smem:$0x3FAE] =	sst s6  }
0xf: {  	[smem:$0x3FAF] =	sst s7  }
0x10: {  	[smem:$0x3FB0] =	sst s8  }
0x11: {  	[smem:$0x3FB1] =	sst s9;
	s0 =	simm.s32 @!p0 $0x0  }
0x12: {  	s1 =	sld [smem:$0x3F97];
	s0 =	simm.s32 @p0 $0x1  }
0x13: {  	[smem:$0x3FB2] =	sst s0;
	s0 =	simm.s32 @!p1 $0x0  }
0x14: {  	s2 =	sld [smem:$0x3F96];
	s0 =	simm.s32 @p1 $0x1  }
0x15: {  	[smem:$0x3FB3] =	sst s0;
	s0 =	simm.s32 @!p2 $0x0  }
0x16: {  	s3 =	sld [smem:$0x3FDB];
	s0 =	simm.s32 @p2 $0x1  }
0x17: {  	s4 =	simm.s32 $0x1BF5;
	[smem:$0x3FB5] =	sst s0  }
0x18: {  	s0 =	sld [smem:$0x3F98];
	_ =	swait.ge [sflag:s4], $0x0  }
0x19: {  	s7 =	sld [smem:$0x3F99]  }
0x1a: {  	s8 =	sadd.s32 $0xFFFFE003, lr  }
0x1b: {  	s9 =	sadd.s32 $0xFFFFFEF7, lr;
	s5 =	simm.s32 $0xFFFFFFFF;
	p2 =	slt.u32 s8, $0xFFFFF086  }
0x1c: {  	p1 =	slt.u32 s9, $0xF7A;
	s5 =	simm.s32 @!p2 $0x0  }
0x1d: {  	s5 =	simm.s32 @p1 $0x1;
	p0 =	seq.s32 s7, s2  }
0x1e: {  	s7 =	smul.u32 @!p0 $0xF7A, s2;
	p2 =	seq.s32 @!p0 s5, $0x0  }
0x1f: {  	s9 =	smul.u32 $0xF7A, s1;
	s8 =	simm.s32 @!p0 $0x1BF5;
	p2 =	por !p2, p0  }
0x20: {  	[sflag:s8] =	ssyncset.s32 @!p0 $0xFFFFF086;
	s6 =	sadd.s32 @!p0 s3, s7;
	s7 =	simm.s32 @!p0 $0x108  }
0x21: {  	s3 =	sadd.s32 s3, s9;
	s6 =	sadd.s32 @!p0 $0x88, s6;
	s7 =	simm.s32 @p2 $0x1082  }
0x22: {  	[simem:s7], [sflag:s8] =	dma.local @!p0 [hbm:s6], $0xF7A  }
0x23: {  	s9 =	sor.u32 $0xD0000000, s2;
	s6 =	simm.s32 $0x108;
	_ =	swait.ge @!p0 [sflag:s8], $0x0  }
0x24: {  	s3 =	sadd.s32 $0x88, s3;
	s6 =	simm.s32 @!p1 $0x1082;
	[sflag:s4] =	ssyncset.s32 $0xFFFFF086  }
0x25: {  	[simem:s6], [sflag:s4] =	dma.local [hbm:s3], $0xF7A  }
0x26: {  	[smem:$0x3F99] =	sst s1;
	(tag) =	ssettag s2;
	_ =	strace s9  }
0x27: {  	s1 =	sld [smem:$0x3FA9]  }
0x28: {  	s2 =	sld [smem:$0x3FAA]  }
0x29: {  	s4 =	sld [smem:$0x3FAC]  }
0x2a: {  	p0 =	seq.s32 s5, $0x0;
	s5 =	sld [smem:$0x3FAD]  }
0x2b: {  	s6 =	sld [smem:$0x3FAE]  }
0x2c: {  	s7 =	sld [smem:$0x3FAF]  }
0x2d: {  	s3 =	simm.s32 $0x108;
	s8 =	sld [smem:$0x3FB0]  }
0x2e: {  	s3 =	simm.s32 @!p0 $0x1082;
	s9 =	sld [smem:$0x3FB1]  }
0x2f: {  	lr =	sadd.s32 s0, s3;
	s0 =	sld [smem:$0x3FA8]  }
0x30: {  	s3 =	sld [smem:$0x3FAB]  }
0x31: {  	[smem:$0x3FB4] =	sst s10  }
0x32: {  	s10 =	sld [smem:$0x3FB2];
	_ =	sdelay $0x3  }
0x33: {  	p0 =	seq.s32 s10, $0x1;
	s10 =	sld [smem:$0x3FB4];
	_ =	sdelay $0x3  }
0x34: {  	[smem:$0x3FB4] =	sst s10  }
0x35: {  	s10 =	sld [smem:$0x3FB3];
	_ =	sdelay $0x3  }
0x36: {  	p1 =	seq.s32 s10, $0x1;
	s10 =	sld [smem:$0x3FB4];
	_ =	sdelay $0x3  }
0x37: {  	[smem:$0x3FB4] =	sst s10  }
0x38: {  	s10 =	sld [smem:$0x3FB5]  }
0x39: {  	_ = 	snop;
	(pc) =	sbr.ind lr, $3  }
0x3a: {  	_ = 	snop  }
0x3b: {  	_ = 	snop  }
0x3c: {  	p2 =	seq.s32 s10, $0x1;
	s10 =	sld [smem:$0x3FB4]  }
0x3d: {  	_ =	shalt  }
0x3e: {  	_ =	shalt  }
0x3f: {  	_ =	shalt  }
0x40: {  	_ =	shalt  }
0x41: {  	_ =	shalt  }
0x42: {  	_ =	shalt  }
0x43: {  	_ =	shalt  }
0x44: {  	_ =	shalt  }
0x45: {  	_ =	shalt  }
0x46: {  	_ =	shalt  }
0x47: {  	_ =	shalt  }
0x48: {  	_ =	shalt  }
0x49: {  	_ =	shalt  }
0x4a: {  	_ =	shalt  }
0x4b: {  	_ =	shalt  }
0x4c: {  	_ =	shalt  }
0x4d: {  	_ =	shalt  }
0x4e: {  	_ =	shalt  }
0x4f: {  	_ =	shalt  }
0x50: {  	_ =	shalt  }
0x51: {  	_ =	shalt  }
0x52: {  	_ =	shalt  }
0x53: {  	_ =	shalt  }
0x54: {  	_ =	shalt  }
0x55: {  	_ =	shalt  }
0x56: {  	_ =	shalt  }
0x57: {  	_ =	shalt  }
0x58: {  	_ =	shalt  }
0x59: {  	_ =	shalt  }
0x5a: {  	_ =	shalt  }
0x5b: {  	_ =	shalt  }
0x5c: {  	_ =	shalt  }
0x5d: {  	_ =	shalt  }
0x5e: {  	_ =	shalt  }
0x5f: {  	_ =	shalt  }
0x60: {  	_ =	shalt  }
0x61: {  	_ =	shalt  }
0x62: {  	_ =	shalt  }
0x63: {  	_ =	shalt  }
0x64: {  	_ =	shalt  }
0x65: {  	_ =	shalt  }
0x66: {  	_ =	shalt  }
0x67: {  	_ =	shalt  }
0x68: {  	_ =	shalt  }
0x69: {  	_ =	shalt  }
0x6a: {  	_ =	shalt  }
0x6b: {  	_ =	shalt  }
0x6c: {  	_ =	shalt  }
0x6d: {  	_ =	shalt  }
0x6e: {  	_ =	shalt  }
0x6f: {  	_ =	shalt  }
0x70: {  	_ =	shalt  }
0x71: {  	_ =	shalt  }
0x72: {  	_ =	shalt  }
0x73: {  	_ =	shalt  }
0x74: {  	_ =	shalt  }
0x75: {  	_ =	shalt  }
0x76: {  	_ =	shalt  }
0x77: {  	_ =	shalt  }
0x78: {  	_ =	shalt  }
0x79: {  	_ =	shalt  }
0x7a: {  	_ =	shalt  }
0x7b: {  	_ =	shalt  }
0x7c: {  	_ =	shalt  }
0x7d: {  	_ =	shalt  }
0x7e: {  	_ =	shalt  }
0x7f: {  	_ =	shalt  }
0x80: {  	_ =	shalt  }
0x81: {  	_ =	shalt  }
0x82: {  	_ =	shalt  }
0x83: {  	_ =	shalt  }
0x84: {  	_ =	shalt  }
0x85: {  	_ =	shalt  }
0x86: {  	_ =	shalt  }
0x87: {  	_ =	shalt  }
.Lfunc_end0:
.L_simem_size_0:
called_computation.2_lowered:
.L_overlay_start_0:
0x88: {  	s2 =	sld [smem:$0x3FD9]  }
0x89: {  	s3 =	sld [smem:$0x3FFE];
	_ =	sdelay $0x1  }
0x8a: {  	s1 =	srdreg.scid  }
0x8b: {  	s0 =	sand.u32 $0x1, s1  }
0x8c: {  	s16 =	sshll.u32 s0, $0xA;
	s2 =	sadd.s32 s3, s2  }
0x8d: {  	s2 =	sadd.s32 s2, s16  }
0x8e: {  	[smem:$0x3FC0] =	sst s2  }
0x8f: {  	_ = 	snop  }
0x90: {  	(tm) =	ssettm $0x1  }
0x91: {  	s17 =	sld [smem:$0x3FFB];
	_ =	sdelay $0x3  }
0x92: {  	_ =	strace s17  }
0x93: {  	s2 =	sld [smem:$0x3FFC];
	_ =	sdelay $0x3  }
0x94: {  	_ =	strace s2  }
0x95: {  	s2 =	sld [smem:$0x3FFD];
	_ =	sdelay $0x3  }
0x96: {  	_ =	strace s2  }
0x97: {  	_ =	strace $0x8FFFFFFF  }
0x98: {  	s18 =	sld [smem:$0x3FDB];
	_ =	sdelay $0x1  }
0x99: {  	s19 =	simm.s32 $_scs_section_size  }
0x9a: {  	s4 =	simm.s32 $_size__tile_overlayer_lowered;
	s5 =	simm.s32 $_tile_overlayer_lowered  }
0x9b: {  	s22 =	simm.s32 $0x1BFF;
	s21 =	sshll.u32 s5, $0x1;
	s2 =	sadd.s32 s19, s18  }
0x9c: {  	s6 =	simm.s32 $0x0;
	s20 =	sshll.u32 s4, $0x1;
	s4 =	sadd.s32 s21, s2  }
0x9d: {  	[timem:s6], [sflag:s22] =	dma.local [hbm:s4], s20  }
0x9e: {  	_ =	swait.ge [sflag:s22], s20  }
0x9f: {  	s3 =	ssub.s32 $0x0, s20;
	[sflag:s22] =	ssyncset.done $0x0  }
0xa0: {  	[sflag:s22] =	ssyncadd.s32 s3;
	_ =	sdelay $0x1  }
0xa1: {  	s23 =	simm.s32 $0x1B8B  }
0xa2: {  	_ =	swait.ge [sflag:s23], $0x1  }
0xa3: {  	[sflag:s23] =	ssyncset.done $0x0  }
0xa4: {  	s25 =	simm.s32 $0x1B8E;
	s24 =	sld [smem:$0x3FFE];
	[sflag:s23] =	ssyncadd.s32 $0xFFFFFFFF  }
0xa5: {  	s26 =	simm.s32 $execute0_lowered;
	[smem:$0x3FD2] =	sst s25  }
0xa6: {  	s4 =	sshll.u32 s26, $0x1;
	_ =	strace $0x8000004C;
	[dreg:$0x1] =	wrdreg $0xFFFFFFFF  }
0xa7: {  	s28 =	simm.s32 $_size_execute0_lowered;
	s2 =	sadd.s32 s2, s4;
	[dreg:$0x0] =	wrdreg $0x0  }
0xa8: {  	s4 =	sshll.u32 s28, $0x1;
	[dreg:$0x2] =	wrdreg s2  }
0xa9: {  	[dreg:$0x3] =	wrdreg s4  }
0xaa: {  	[dreg:$0x4] =	wrdreg $0xC0  }
0xab: {  	_ =	task [dreg:s6], $0x5FFFF  }
0xac: {  	[dreg:$0x1] =	wrdreg $0xFFFFFFFF  }
0xad: {  	[dreg:$0x0] =	wrdreg $0x60  }
0xae: {  	[dreg:$0x2] =	wrdreg s24  }
0xaf: {  	[dreg:$0x3] =	wrdreg $0x0  }
0xb0: {  	[dreg:$0x4] =	wrdreg $0x9  }
0xb1: {  	_ =	task.clear_ibuf [dreg:s6], $0x5FFFF;
	_ =	strace $0x9000004C  }
0xb2: {  	s29 =	simm.s32 $0x9;
	_ =	strace $0x8000004E  }
0xb3: {  	_ =	swait.ge [sflag:s29], $0x1  }
0xb4: {  	[sflag:s29] =	ssyncadd.s32 $0xFFFFFFFF  }
0xb5: {  	_ =	strace $0x9000004E  }
0xb6: {  	_ =	sfence  }
0xb7: {  	s30 =	sld [smem:$0x0];
	_ =	sdelay $0x2  }
0xb8: {  	s31 =	sshll.u32 s1, $0xD;
	s1 =	sshrl.u32 s1, $0x2  }
0xb9: {  	s3 =	sand.u32 $0x4000, s31;
	s1 =	sadd.s32 s1, s30  }
0xba: {  	s0 =	sor.u32 s3, s0;
	s1 =	sshll.u32 s1, $0x11  }
0xbb: {  	s0 =	sor.u32 s1, s0  }
0xbc: {  	s0 =	sadd.s32 $0x8F2B, s0  }
0xbd: {  	[sflag:s0] =	ssyncadd.remote.s32 $0x1  }
0xbe: {  	_ =	sfence.sel $0xFFFF  }
0xbf: {  	[dreg:$0x0] =	wrdreg $0xFFFFFFFF;
	(pc) =	sbr.abs _section_cstart, $3  }
0xc0: {  	[dreg:$0x1] =	wrdreg $0xFFFFFFFF  }
0xc1: {  	_ =	task.clear_ibuf [dreg:s6], $0x2FFFF;
	_ =	strace $0x9FFFFFFF  }
0xc2: {  	(tm) =	ssettm $0x7FFFFFFF  }
0xc3: {  	_ =	shalt  }
tec
execute0_lowered:
.L_overlay_start_1:
0x0: {  	(tag) =	ssettag $0x1  }
0x1: {  	s0 =	rddreg [dreg:$0x0]  }
0x2: {  	s1 =	rddreg [dreg:$0x1];
	s3 =	simm.s32 $0x0  }
0x3: {  	s12 =	stileid.u32;
	s2 =	srdreg.scid;
	s28 =	simm.s32 $0x3  }
0x4: {  	s29 =	simm.s32 $0x6;
	s30 =	simm.s32 $0x14180;
	s31 =	simm.s32 $0x14380  }
0x5: {  	[smem:$0x7FF] =	sst s3;
	s4 =	sadd.s32 $0x8E200, s0;
	s5 =	smul.u32 $0x2800, s12  }
0x6: {  	s2 =	sand.u32 $0x1, s2;
	s6 =	sadd.s32 $0xC200, s0;
	s10 =	smul.u32 $0x50000, s12  }
0x7: {  	s8 =	sadd.s32 $0x2200, s0;
	_ =	strace $0x8000004D;
	s7 =	smul.u32 $0x28000, s2  }
0x8: {  	s11 =	sshll.u32 s2, $0x4;
	s2 =	ssub.s32 $0x2, s2;
	s9 =	sadd.s32 s5, s0  }
0x9: {  	s25 =	sor.u32 s12, s11;
	s26 =	sshrl.u32 s2, $0x1;
	s10 =	sshrl.u32 s10, $0x2  }
0xa: {  	s11 =	sshll.u32 s12, $0x6;
	s5 =	sadd.s32 s5, s7;
	s10 =	sadd.s32 s10, s1  }
0xb: {  	s7 =	smul.u32 $0x2800, s25;
	s9 =	sadd.s32 $0x16200, s9;
	[dreg:$0xb] =	wrdreg s10  }
0xc: {  	s2 =	ssub.s32 s2, s26;
	s0 =	sadd.s32 s5, s0;
	[dreg:$0xc] =	wrdreg s9  }
0xd: {  	s14 =	sor.u32 $0x280, s5;
	s18 =	sor.u32 $0x200, s5;
	s21 =	sor.u32 $0x180, s5  }
0xe: {  	s5 =	sor.u32 $0x100, s5;
	s2 =	smax.u32 s2, $0x1;
	s12 =	sshrl.u32 s7, $0x3  }
0xf: {  	s7 =	sor.u32 $0x1C07, s11;
	s9 =	sshrl.u32 s14, $0x3;
	s19 =	sshrl.u32 s18, $0x3  }
0x10: {  	s23 =	sshrl.u32 s21, $0x3;
	s0 =	sadd.s32 $0xB6200, s0;
	[dreg:$0x13] =	wrdreg s2  }
0x11: {  	s5 =	sshrl.u32 s5, $0x3;
	s14 =	simm.s32 $0x7;
	[dreg:$0x12] =	wrdreg s0  }
0x12: {  	s18 =	simm.s32 $0x14280;
	s13 =	sadd.s32 s6, s12;
	[dreg:$0xd] =	wrdreg s7  }
0x13: {  	s21 =	simm.s32 $0x14400;
	s15 =	sadd.s32 s8, s12;
	[dreg:$0xe] =	wrdreg s13  }
0x14: {  	s2 =	simm.s32 $0x0;
	s17 =	sadd.s32 s9, s8;
	[dreg:$0xf] =	wrdreg s15  }
0x15: {  	s10 =	sor.u32 $0x10, s12;
	s9 =	sadd.s32 s9, s6;
	[dreg:$0x3] =	wrdreg s17  }
0x16: {  	s20 =	sadd.s32 s19, s8;
	s22 =	sadd.s32 s19, s6;
	[dreg:$0x4] =	wrdreg s9  }
0x17: {  	s24 =	sadd.s32 s23, s8;
	s25 =	sadd.s32 s23, s6;
	[dreg:$0x5] =	wrdreg s20  }
0x18: {  	s26 =	sadd.s32 s5, s6;
	s19 =	simm.s32 $0x1;
	[dreg:$0x6] =	wrdreg s22  }
0x19: {  	s23 =	simm.s32 $0x18400;
	s0 =	simm.s32 $0x4;
	[dreg:$0x7] =	wrdreg s24  }
0x1a: {  	s16 =	sadd.s32 s6, s10;
	s10 =	sadd.s32 s8, s10;
	[dreg:$0x8] =	wrdreg s25  }
0x1b: {  	s8 =	sadd.s32 s5, s8;
	[dreg:$0xa] =	wrdreg s26;
	s17 =	simm.s32 $0x14080  }
0x1c: {  	s20 =	simm.s32 $0x80;
	s22 =	simm.s32 $0x2;
	[dreg:$0x10] =	wrdreg s16  }
0x1d: {  	s24 =	simm.s32 $0x5;
	s25 =	simm.s32 $0x14100;
	[dreg:$0x11] =	wrdreg s10  }
0x1e: {  	s26 =	simm.s32 $0x14300;
	[dreg:$0x9] =	wrdreg s8;
	s16 =	simm.s32 $0x14200  }
.LBB2_1:
0x1f: {  	s5 =	rddreg [dreg:$0xb]  }
0x20: {  	s6 =	rddreg [dreg:$0xc];
	s5 =	sshrl.u32 s5, $0x3  }
0x21: {  	[spmem:s5], [sflag:s7] =	dma.local [hbm:s6], $0x2800  }
0x22: {  	_ =	swait.ge [sflag:s14], $0x2800  }
0x23: {  	[sflag:s14] =	ssyncset.done $0x0  }
0x24: {  	s13 =	simm.s32 $0x14000;
	s12 =	rddreg [dreg:$0xe];
	[sflag:s14] =	ssyncadd.s32 $0xFFFFD800  }
0x25: {  	[tilespmem:s13], [sflag:$0x1] =	stream.linear.gather [hbm4b:s12+s3], $0x80, $0x38;
	[tilespmem:$0x1C400] =	vst v63  }
0x26: {  	s15 =	rddreg [dreg:$0xf]  }
0x27: {  	[tilespmem:s16], [sflag:$0x1] =	stream.linear.gather [hbm4b:s15+s3], $0x80, $0x38;
	[tilespmem:$0x1C400] =	vst v63  }
0x28: {  	s8 =	rddreg [dreg:$0x10]  }
0x29: {  	[tilespmem:s17], [sflag:$0x2] =	stream.linear.gather [hbm4b:s8+s3], $0x80, $0x38;
	[tilespmem:$0x1C400] =	vst v63  }
0x2a: {  	s9 =	rddreg [dreg:$0x11]  }
0x2b: {  	[tilespmem:s18], [sflag:$0x2] =	stream.linear.gather [hbm4b:s9+s3], $0x80, $0x38;
	[tilespmem:$0x1C400] =	vst v63  }
0x2c: {  	_ =	swait.ge [sflag:s19], $0x80  }
0x2d: {  	[sflag:s19] =	ssyncset.done $0x0  }
0x2e: {  	[sflag:s19] =	ssyncadd.s32 $0xFFFFFF80  }
0x2f: {  	_ =	swait.ge [sflag:s19], $0x80  }
0x30: {  	[sflag:s19] =	ssyncset.done $0x0  }
0x31: {  	[sflag:s19] =	ssyncadd.s32 $0xFFFFFF80  }
0x32: {  	[tilespmem:s21], [sflag:$0x5] =	stream.indirect.gather [hbm4b:s4+s20], $0x80, s13, s20, $0xb8;
	[tilespmem:$0x1C400] =	vst v63  }
0x33: {  	[bflag:$0x0] =	sbarrier.arrive $0xFFFF  }
0x34: {  	_ =	swait.ge [sflag:s22], $0x80  }
0x35: {  	[sflag:s22] =	ssyncset.done $0x0  }
0x36: {  	[sflag:s22] =	ssyncadd.s32 $0xFFFFFF80  }
0x37: {  	_ =	swait.ge [sflag:s22], $0x80  }
0x38: {  	[sflag:s22] =	ssyncset.done $0x0  }
0x39: {  	[sflag:s22] =	ssyncadd.s32 $0xFFFFFF80  }
0x3a: {  	[tilespmem:s23], [sflag:$0x6] =	stream.indirect.gather [hbm4b:s4+s20], $0x80, s17, s20, $0xb8;
	[tilespmem:$0x1C400] =	vst v63  }
0x3b: {  	_ =	swait.ge [sflag:s24], $0x4000  }
0x3c: {  	s10 =	rddreg [dreg:$0xa];
	[sflag:s24] =	ssyncset.done $0x0  }
0x3d: {  	s8 =	rddreg [dreg:$0x9];
	[sflag:s24] =	ssyncadd.s32 $0xFFFFC000;
	s6 =	sadd.s32 $0x0, s10  }
0x3e: {  	[tilespmem:s25], [sflag:$0x3] =	stream.linear.gather [hbm4b:s6+s3], $0x80, $0x38;
	[tilespmem:$0x1C400] =	vst v63  }
0x3f: {  	s11 =	sadd.s32 $0x0, s8  }
0x40: {  	[tilespmem:s26], [sflag:$0x3] =	stream.linear.gather [hbm4b:s11+s3], $0x80, $0x38;
	[tilespmem:$0x1C400] =	vst v63  }
0x41: {  	_ = 	snop  }
0x42: {  	[spmem:s1] =	stream.indirect.scatter.add.f32 [tilespmem:s21], [sflag:$0x7], $0x80, s16, s20, $0xb8;
	[tilespmem:$0x1C400] =	vst v63  }
0x43: {  	_ =	swait.ge [sflag:s14], $0x4000  }
0x44: {  	[sflag:s14] =	ssyncset.done $0x0  }
0x45: {  	[sflag:s14] =	ssyncadd.s32 $0xFFFFC000  }
0x46: {  	_ =	swait.ge [sflag:s28], $0x80  }
0x47: {  	[sflag:s28] =	ssyncset.done $0x0  }
0x48: {  	[sflag:s28] =	ssyncadd.s32 $0xFFFFFF80  }
0x49: {  	_ =	swait.ge [sflag:s28], $0x80  }
0x4a: {  	[sflag:s28] =	ssyncset.done $0x0  }
0x4b: {  	[sflag:s28] =	ssyncadd.s32 $0xFFFFFF80  }
0x4c: {  	[tilespmem:s21], [sflag:$0x5] =	stream.indirect.gather [hbm4b:s4+s20], $0x80, s25, s20, $0xb8;
	[tilespmem:$0x1C400] =	vst v63  }
0x4d: {  	_ =	swait.ge [sflag:s29], $0x4000  }
0x4e: {  	s12 =	rddreg [dreg:$0x8];
	[sflag:s29] =	ssyncset.done $0x0  }
0x4f: {  	s13 =	rddreg [dreg:$0x7];
	[sflag:s29] =	ssyncadd.s32 $0xFFFFC000;
	s6 =	sadd.s32 $0x0, s12  }
0x50: {  	[tilespmem:s30], [sflag:$0x4] =	stream.linear.gather [hbm4b:s6+s3], $0x80, $0x38;
	[tilespmem:$0x1C400] =	vst v63  }
0x51: {  	s15 =	sadd.s32 $0x0, s13  }
0x52: {  	[tilespmem:s31], [sflag:$0x4] =	stream.linear.gather [hbm4b:s15+s3], $0x80, $0x38;
	[tilespmem:$0x1C400] =	vst v63  }
0x53: {  	_ = 	snop  }
0x54: {  	[spmem:s1] =	stream.indirect.scatter.add.f32 [tilespmem:s23], [sflag:$0x7], $0x80, s18, s20, $0xb8;
	[tilespmem:$0x1C400] =	vst v63  }
0x55: {  	_ =	swait.ge [sflag:s14], $0x4000  }
0x56: {  	[sflag:s14] =	ssyncset.done $0x0  }
0x57: {  	[sflag:s14] =	ssyncadd.s32 $0xFFFFC000  }
0x58: {  	_ =	swait.ge [sflag:s0], $0x80  }
0x59: {  	[sflag:s0] =	ssyncset.done $0x0  }
0x5a: {  	[sflag:s0] =	ssyncadd.s32 $0xFFFFFF80  }
0x5b: {  	_ =	swait.ge [sflag:s0], $0x80  }
0x5c: {  	[sflag:s0] =	ssyncset.done $0x0  }
0x5d: {  	p0 =	por $0x0, $0x0;
	[sflag:s0] =	ssyncadd.s32 $0xFFFFFF80  }
0x5e: {  	[tilespmem:s23], [sflag:$0x6] =	stream.indirect.gather [hbm4b:s4+s20], $0x80, s30, s20, $0xb8;
	[tilespmem:$0x1C400] =	vst v63  }
0x5f: {  	s9 =	simm.s32 @!p0 $0x0;
	_ =	swait.ge [sflag:s24], $0x4000  }
0x60: {  	s10 =	simm.s32 @!p0 $0x14000;
	s6 =	rddreg [dreg:$0x6];
	[sflag:s24] =	ssyncset.done $0x0  }
0x61: {  	s8 =	rddreg [dreg:$0x5];
	[sflag:s24] =	ssyncadd.s32 $0xFFFFC000;
	s6 =	sadd.s32 @!p0 $0x0, s6  }
0x62: {  	[tilespmem:s10], [sflag:$0x1] =	stream.linear.gather @!p0 [hbm4b:s6+s9], $0x80, $0x38;
	[tilespmem:$0x1C400] =	vst v63  }
0x63: {  	s8 =	sadd.s32 @!p0 $0x0, s8;
	s6 =	simm.s32 @!p0 $0x14200  }
0x64: {  	[tilespmem:s6], [sflag:$0x1] =	stream.linear.gather @!p0 [hbm4b:s8+s9], $0x80, $0x38;
	[tilespmem:$0x1C400] =	vst v63  }
0x65: {  	_ = 	snop  }
0x66: {  	[spmem:s1] =	stream.indirect.scatter.add.f32 [tilespmem:s21], [sflag:$0x7], $0x80, s26, s20, $0xb8;
	[tilespmem:$0x1C400] =	vst v63  }
0x67: {  	_ =	swait.ge [sflag:s14], $0x4000  }
0x68: {  	p0 =	por $0x0, $0x0;
	[sflag:s14] =	ssyncset.done $0x0  }
0x69: {  	s6 =	simm.s32 @!p0 $0x1;
	[sflag:s14] =	ssyncadd.s32 $0xFFFFC000  }
0x6a: {  	_ =	swait.ge @!p0 [sflag:s6], $0x80  }
0x6b: {  	[sflag:s6] =	ssyncset.done @!p0 $0x0  }
0x6c: {  	[sflag:s6] =	ssyncadd.s32 @!p0 $0xFFFFFF80  }
0x6d: {  	_ =	swait.ge @!p0 [sflag:s6], $0x80  }
0x6e: {  	s8 =	simm.s32 @!p0 $0x14400;
	[sflag:s6] =	ssyncset.done @!p0 $0x0  }
0x6f: {  	s9 =	simm.s32 @!p0 $0x80;
	s10 =	simm.s32 @!p0 $0x14000;
	[sflag:s6] =	ssyncadd.s32 @!p0 $0xFFFFFF80  }
0x70: {  	[tilespmem:s8], [sflag:$0x5] =	stream.indirect.gather @!p0 [hbm4b:s4+s9], $0x80, s10, s9, $0xb8;
	[tilespmem:$0x1C400] =	vst v63  }
0x71: {  	p0 =	por $0x0, $0x0  }
0x72: {  	_ =	swait.ge [sflag:s29], $0x4000;
	s9 =	simm.s32 @!p0 $0x0  }
0x73: {  	s10 =	simm.s32 @!p0 $0x14080;
	s6 =	rddreg [dreg:$0x4];
	[sflag:s29] =	ssyncset.done $0x0  }
0x74: {  	s8 =	rddreg [dreg:$0x3];
	[sflag:s29] =	ssyncadd.s32 $0xFFFFC000;
	s6 =	sadd.s32 @!p0 $0x0, s6  }
0x75: {  	[tilespmem:s10], [sflag:$0x2] =	stream.linear.gather @!p0 [hbm4b:s6+s9], $0x80, $0x38;
	[tilespmem:$0x1C400] =	vst v63  }
0x76: {  	s6 =	sadd.s32 @!p0 $0x0, s8;
	s8 =	simm.s32 @!p0 $0x14280  }
0x77: {  	[tilespmem:s8], [sflag:$0x2] =	stream.linear.gather @!p0 [hbm4b:s6+s9], $0x80, $0x38;
	[tilespmem:$0x1C400] =	vst v63  }
0x78: {  	s6 =	simm.s32 $0x40  }
0x79: {  	[spmem:s1] =	stream.indirect.scatter.add.f32 [tilespmem:s23], [sflag:$0x7], $0x80, s31, s20, $0xb8;
	[tilespmem:$0x1C400] =	vst v63  }
0x7a: {  	s8 =	simm.s32 $0x7;
	s9 =	simm.s32 $0x0;
	_ =	swait.ge [sflag:s14], $0x4000  }
.LBB2_2:
0x7b: {  	[sflag:s14] =	ssyncset.done $0x0  }
0x7c: {  	[sflag:s14] =	ssyncadd.s32 $0xFFFFC000  }
0x7d: {  	_ =	swait.ge [sflag:s22], $0x80  }
0x7e: {  	[sflag:s22] =	ssyncset.done $0x0  }
0x7f: {  	[sflag:s22] =	ssyncadd.s32 $0xFFFFFF80  }
0x80: {  	_ =	swait.ge [sflag:s22], $0x80  }
0x81: {  	[sflag:s22] =	ssyncset.done $0x0  }
0x82: {  	[sflag:s22] =	ssyncadd.s32 $0xFFFFFF80  }
0x83: {  	[tilespmem:s23], [sflag:$0x6] =	stream.indirect.gather [hbm4b:s4+s20], $0x80, s17, s20, $0xb8;
	[tilespmem:$0x1C400] =	vst v63  }
0x84: {  	_ =	swait.ge [sflag:s24], $0x4000  }
0x85: {  	s10 =	smov.u32 s6;
	s11 =	rddreg [dreg:$0xa];
	[sflag:s24] =	ssyncset.done $0x0  }
0x86: {  	s12 =	rddreg [dreg:$0x9];
	[sflag:s24] =	ssyncadd.s32 $0xFFFFC000;
	s11 =	sadd.s32 s10, s11  }
0x87: {  	[tilespmem:s25], [sflag:$0x3] =	stream.linear.gather [hbm4b:s11+s3], $0x80, $0x38;
	[tilespmem:$0x1C400] =	vst v63  }
0x88: {  	s7 =	sadd.s32 s10, s12  }
0x89: {  	[tilespmem:s26], [sflag:$0x3] =	stream.linear.gather [hbm4b:s7+s3], $0x80, $0x38;
	[tilespmem:$0x1C400] =	vst v63  }
0x8a: {  	_ = 	snop  }
0x8b: {  	[spmem:s1] =	stream.indirect.scatter.add.f32 [tilespmem:s21], [sflag:$0x7], $0x80, s16, s20, $0xb8;
	[tilespmem:$0x1C400] =	vst v63  }
0x8c: {  	_ =	swait.ge [sflag:s14], $0x4000  }
0x8d: {  	[sflag:s14] =	ssyncset.done $0x0  }
0x8e: {  	[sflag:s14] =	ssyncadd.s32 $0xFFFFC000  }
0x8f: {  	_ =	swait.ge [sflag:s28], $0x80  }
0x90: {  	[sflag:s28] =	ssyncset.done $0x0  }
0x91: {  	[sflag:s28] =	ssyncadd.s32 $0xFFFFFF80  }
0x92: {  	_ =	swait.ge [sflag:s28], $0x80  }
0x93: {  	[sflag:s28] =	ssyncset.done $0x0  }
0x94: {  	[sflag:s28] =	ssyncadd.s32 $0xFFFFFF80  }
0x95: {  	[tilespmem:s21], [sflag:$0x5] =	stream.indirect.gather [hbm4b:s4+s20], $0x80, s25, s20, $0xb8;
	[tilespmem:$0x1C400] =	vst v63  }
0x96: {  	_ =	swait.ge [sflag:s29], $0x4000  }
0x97: {  	s12 =	rddreg [dreg:$0x8];
	[sflag:s29] =	ssyncset.done $0x0  }
0x98: {  	s13 =	rddreg [dreg:$0x7];
	[sflag:s29] =	ssyncadd.s32 $0xFFFFC000;
	s11 =	sadd.s32 s10, s12  }
0x99: {  	[tilespmem:s30], [sflag:$0x4] =	stream.linear.gather [hbm4b:s11+s3], $0x80, $0x38;
	[tilespmem:$0x1C400] =	vst v63  }
0x9a: {  	s15 =	sadd.s32 s10, s13  }
0x9b: {  	[tilespmem:s31], [sflag:$0x4] =	stream.linear.gather [hbm4b:s15+s3], $0x80, $0x38;
	[tilespmem:$0x1C400] =	vst v63  }
0x9c: {  	_ = 	snop  }
0x9d: {  	[spmem:s1] =	stream.indirect.scatter.add.f32 [tilespmem:s23], [sflag:$0x7], $0x80, s18, s20, $0xb8;
	[tilespmem:$0x1C400] =	vst v63  }
0x9e: {  	_ =	swait.ge [sflag:s14], $0x4000  }
0x9f: {  	[sflag:s14] =	ssyncset.done $0x0  }
0xa0: {  	[sflag:s14] =	ssyncadd.s32 $0xFFFFC000  }
0xa1: {  	_ =	swait.ge [sflag:s0], $0x80  }
0xa2: {  	[sflag:s0] =	ssyncset.done $0x0  }
0xa3: {  	[sflag:s0] =	ssyncadd.s32 $0xFFFFFF80  }
0xa4: {  	_ =	swait.ge [sflag:s0], $0x80  }
0xa5: {  	s9 =	sadd.s32 $0x1, s9;
	[sflag:s0] =	ssyncset.done $0x0  }
0xa6: {  	p1 =	sgt.u32 s9, $0x12;
	[sflag:s0] =	ssyncadd.s32 $0xFFFFFF80  }
0xa7: {  	[tilespmem:s23], [sflag:$0x6] =	stream.indirect.gather [hbm4b:s4+s20], $0x80, s30, s20, $0xb8;
	[tilespmem:$0x1C400] =	vst v63  }
0xa8: {  	s13 =	simm.s32 @!p1 $0x14000;
	_ =	swait.ge [sflag:s24], $0x4000  }
0xa9: {  	s15 =	simm.s32 @!p1 $0x0;
	s11 =	rddreg [dreg:$0x6];
	[sflag:s24] =	ssyncset.done $0x0  }
0xaa: {  	s12 =	rddreg [dreg:$0x5];
	[sflag:s24] =	ssyncadd.s32 $0xFFFFC000;
	s11 =	sadd.s32 @!p1 s10, s11  }
0xab: {  	[tilespmem:s13], [sflag:$0x1] =	stream.linear.gather @!p1 [hbm4b:s11+s15], $0x80, $0x38;
	[tilespmem:$0x1C400] =	vst v63  }
0xac: {  	s7 =	simm.s32 @!p1 $0x14200;
	s11 =	sadd.s32 @!p1 s10, s12  }
0xad: {  	[tilespmem:s7], [sflag:$0x1] =	stream.linear.gather @!p1 [hbm4b:s11+s15], $0x80, $0x38;
	[tilespmem:$0x1C400] =	vst v63  }
0xae: {  	_ = 	snop  }
0xaf: {  	[spmem:s1] =	stream.indirect.scatter.add.f32 [tilespmem:s21], [sflag:$0x7], $0x80, s26, s20, $0xb8;
	[tilespmem:$0x1C400] =	vst v63  }
0xb0: {  	_ =	swait.ge [sflag:s14], $0x4000  }
0xb1: {  	p1 =	sgt.u32 s8, $0x4E;
	[sflag:s14] =	ssyncset.done $0x0  }
0xb2: {  	s7 =	simm.s32 @!p1 $0x1;
	[sflag:s14] =	ssyncadd.s32 $0xFFFFC000  }
0xb3: {  	_ =	swait.ge @!p1 [sflag:s7], $0x80  }
0xb4: {  	[sflag:s7] =	ssyncset.done @!p1 $0x0  }
0xb5: {  	[sflag:s7] =	ssyncadd.s32 @!p1 $0xFFFFFF80  }
0xb6: {  	_ =	swait.ge @!p1 [sflag:s7], $0x80  }
0xb7: {  	s11 =	simm.s32 @!p1 $0x14400;
	[sflag:s7] =	ssyncset.done @!p1 $0x0  }
0xb8: {  	s12 =	simm.s32 @!p1 $0x80;
	s13 =	simm.s32 @!p1 $0x14000;
	[sflag:s7] =	ssyncadd.s32 @!p1 $0xFFFFFF80  }
0xb9: {  	[tilespmem:s11], [sflag:$0x5] =	stream.indirect.gather @!p1 [hbm4b:s4+s12], $0x80, s13, s12, $0xb8;
	[tilespmem:$0x1C400] =	vst v63  }
0xba: {  	s6 =	sadd.s32 $0x40, s6;
	p1 =	sgt.u32 s8, $0x4D  }
0xbb: {  	p0 =	sne.s32 s6, $0x500;
	_ =	swait.ge [sflag:s29], $0x4000;
	s12 =	simm.s32 @!p1 $0x0  }
0xbc: {  	s13 =	simm.s32 @!p1 $0x14080;
	s7 =	rddreg [dreg:$0x4];
	[sflag:s29] =	ssyncset.done $0x0  }
0xbd: {  	s11 =	rddreg [dreg:$0x3];
	[sflag:s29] =	ssyncadd.s32 $0xFFFFC000;
	s7 =	sadd.s32 @!p1 s10, s7  }
0xbe: {  	[tilespmem:s13], [sflag:$0x2] =	stream.linear.gather @!p1 [hbm4b:s7+s12], $0x80, $0x38;
	[tilespmem:$0x1C400] =	vst v63  }
.Ltmp0:
0xbf: {  	s7 =	sadd.s32 @!p1 s10, s11;
	s10 =	simm.s32 @!p1 $0x14280;
	(pc) =	sbr.rel @p0 .LBB2_2-.Ltmp0, $4  }
0xc0: {  	[tilespmem:s10], [sflag:$0x2] =	stream.linear.gather @!p1 [hbm4b:s7+s12], $0x80, $0x38;
	[tilespmem:$0x1C400] =	vst v63  }
0xc1: {  	_ = 	snop  }
0xc2: {  	[spmem:s1] =	stream.indirect.scatter.add.f32 [tilespmem:s23], [sflag:$0x7], $0x80, s31, s20, $0xb8;
	[tilespmem:$0x1C400] =	vst v63  }
0xc3: {  	s8 =	sadd.s32 $0x4, s8;
	_ =	swait.ge [sflag:s14], $0x4000  }
0xc4: {  	[sflag:s14] =	ssyncset.done $0x0  }
0xc5: {  	[sflag:s14] =	ssyncadd.s32 $0xFFFFC000  }
0xc6: {  	[bflag:$0x0] =	sbarrier.arrive $0xFFFF  }
0xc7: {  	s7 =	rddreg [dreg:$0xd]  }
0xc8: {  	s6 =	rddreg [dreg:$0x12]  }
0xc9: {  	[hbm:s6], [sflag:s7] =	dma.local [spmem:s5], $0x2800  }
0xca: {  	_ =	swait.ge [sflag:s14], $0x2800  }
0xcb: {  	s2 =	sadd.s32 $0x1, s2;
	s15 =	rddreg [dreg:$0x13]  }
0xcc: {  	p0 =	sne.s32 s2, s15  }
.Ltmp1:
0xcd: {  	_ = 	snop;
	(pc) =	sbr.rel @p0 .LBB2_1-.Ltmp1, $3  }
0xce: {  	_ =	sdelay $0x1  }
0xcf: {  	[sflag:s14] =	ssyncset.done $0x0  }
0xd0: {  	[sflag:s14] =	ssyncadd.s32 $0xFFFFD800  }
0xd1: {  	_ =	sfence.sel $0x180000  }
0xd2: {  	[bflag:$0x0] =	sbarrier.arrive $0xFFFF  }
0xd3: {  	_ =	strace $0x9000004D  }
0xd4: {  	s0 =	stileid.u32;
	[bflag:$0x2] =	sbarrier.arrive $0xFFFF  }
0xd5: {  	p0 =	sne.s32 s0, $0x0;
	s0 =	rddreg [dreg:$0x2]  }
0xd6: {  	s0 =	sadd.s32 @!p0 $0x100000, s0  }
0xd7: {  	[sflag:s0] =	ssyncadd.tile.s32 @!p0 $0x1;
	_ =	shalt  }
.Lfunc_end2:
_tile_overlayer_lowered:
.L_overlay_start_2:
0xd8: {  	(tag) =	ssettag $0x2  }
0xd9: {  	s0 =	rddreg [dreg:$0x0];
	s2 =	stileid.u32  }
0xda: {  	s1 =	rddreg [dreg:$0x1];
	p0 =	sne.s32 s2, $0x0  }
0xdb: {  	s3 =	rddreg [dreg:$0x2];
	[bflag:$0x3] =	sbarrier.arrive $0xFFFF;
	s2 =	simm.s32 @!p0 $0x1C07  }
0xdc: {  	[timem:s3], [sflag:s2] =	dma.local @!p0 [hbm:s0], s1  }
0xdd: {  	s0 =	simm.s32 @!p0 $0x7  }
0xde: {  	_ =	swait.ge @!p0 [sflag:s0], s1  }
0xdf: {  	s1 =	ssub.s32 @!p0 $0x0, s1;
	[sflag:s0] =	ssyncset.done @!p0 $0x0  }
0xe0: {  	[sflag:s0] =	ssyncadd.s32 @!p0 s1  }
0xe1: {  	[bflag:$0x3] =	sbarrier.arrive $0xFFFF  }
0xe2: {  	_ =	shalt  }

// kernel: kernel.8.cloned.1.call-start
scs
__scs_entry_jumppad:
0x0: {  	(pc) =	sbr.rel $0x88, $3  }
0x1: {  	(tag) =	ssettag $0x0;
	lr =	simm.s32 $0x1  }
0x2: {  	[smem:$0x3F99] =	sst lr;
	_ =	strace $0xD0000000  }
0x3: {  	_ = 	snop  }
0x4: {  	_ = 	snop  }
0x5: {  	_ = 	snop  }
0x6: {  	_ = 	snop  }
0x7: {  	_ = 	snop  }
__scs_overlays_trampoline_lowered:
0x8: {  	[smem:$0x3FA8] =	sst s0  }
0x9: {  	[smem:$0x3FA9] =	sst s1  }
0xa: {  	[smem:$0x3FAA] =	sst s2  }
0xb: {  	[smem:$0x3FAB] =	sst s3  }
0xc: {  	[smem:$0x3FAC] =	sst s4  }
0xd: {  	[smem:$0x3FAD] =	sst s5  }
0xe: {  	[smem:$0x3FAE] =	sst s6  }
0xf: {  	[smem:$0x3FAF] =	sst s7  }
0x10: {  	[smem:$0x3FB0] =	sst s8  }
0x11: {  	[smem:$0x3FB1] =	sst s9;
	s0 =	simm.s32 @!p0 $0x0  }
0x12: {  	s1 =	sld [smem:$0x3F97];
	s0 =	simm.s32 @p0 $0x1  }
0x13: {  	[smem:$0x3FB2] =	sst s0;
	s0 =	simm.s32 @!p1 $0x0  }
0x14: {  	s2 =	sld [smem:$0x3F96];
	s0 =	simm.s32 @p1 $0x1  }
0x15: {  	[smem:$0x3FB3] =	sst s0;
	s0 =	simm.s32 @!p2 $0x0  }
0x16: {  	s3 =	sld [smem:$0x3FDB];
	s0 =	simm.s32 @p2 $0x1  }
0x17: {  	s4 =	simm.s32 $0x1BF5;
	[smem:$0x3FB5] =	sst s0  }
0x18: {  	s0 =	sld [smem:$0x3F98];
	_ =	swait.ge [sflag:s4], $0x0  }
0x19: {  	s7 =	sld [smem:$0x3F99]  }
0x1a: {  	s8 =	sadd.s32 $0xFFFFE003, lr  }
0x1b: {  	s9 =	sadd.s32 $0xFFFFFEF7, lr;
	s5 =	simm.s32 $0xFFFFFFFF;
	p2 =	slt.u32 s8, $0xFFFFF086  }
0x1c: {  	p1 =	slt.u32 s9, $0xF7A;
	s5 =	simm.s32 @!p2 $0x0  }
0x1d: {  	s5 =	simm.s32 @p1 $0x1;
	p0 =	seq.s32 s7, s2  }
0x1e: {  	s7 =	smul.u32 @!p0 $0xF7A, s2;
	p2 =	seq.s32 @!p0 s5, $0x0  }
0x1f: {  	s9 =	smul.u32 $0xF7A, s1;
	s8 =	simm.s32 @!p0 $0x1BF5;
	p2 =	por !p2, p0  }
0x20: {  	[sflag:s8] =	ssyncset.s32 @!p0 $0xFFFFF086;
	s6 =	sadd.s32 @!p0 s3, s7;
	s7 =	simm.s32 @!p0 $0x108  }
0x21: {  	s3 =	sadd.s32 s3, s9;
	s6 =	sadd.s32 @!p0 $0x88, s6;
	s7 =	simm.s32 @p2 $0x1082  }
0x22: {  	[simem:s7], [sflag:s8] =	dma.local @!p0 [hbm:s6], $0xF7A  }
0x23: {  	s9 =	sor.u32 $0xD0000000, s2;
	s6 =	simm.s32 $0x108;
	_ =	swait.ge @!p0 [sflag:s8], $0x0  }
0x24: {  	s3 =	sadd.s32 $0x88, s3;
	s6 =	simm.s32 @!p1 $0x1082;
	[sflag:s4] =	ssyncset.s32 $0xFFFFF086  }
0x25: {  	[simem:s6], [sflag:s4] =	dma.local [hbm:s3], $0xF7A  }
0x26: {  	[smem:$0x3F99] =	sst s1;
	(tag) =	ssettag s2;
	_ =	strace s9  }
0x27: {  	s1 =	sld [smem:$0x3FA9]  }
0x28: {  	s2 =	sld [smem:$0x3FAA]  }
0x29: {  	s4 =	sld [smem:$0x3FAC]  }
0x2a: {  	p0 =	seq.s32 s5, $0x0;
	s5 =	sld [smem:$0x3FAD]  }
0x2b: {  	s6 =	sld [smem:$0x3FAE]  }
0x2c: {  	s7 =	sld [smem:$0x3FAF]  }
0x2d: {  	s3 =	simm.s32 $0x108;
	s8 =	sld [smem:$0x3FB0]  }
0x2e: {  	s3 =	simm.s32 @!p0 $0x1082;
	s9 =	sld [smem:$0x3FB1]  }
0x2f: {  	lr =	sadd.s32 s0, s3;
	s0 =	sld [smem:$0x3FA8]  }
0x30: {  	s3 =	sld [smem:$0x3FAB]  }
0x31: {  	[smem:$0x3FB4] =	sst s10  }
0x32: {  	s10 =	sld [smem:$0x3FB2];
	_ =	sdelay $0x3  }
0x33: {  	p0 =	seq.s32 s10, $0x1;
	s10 =	sld [smem:$0x3FB4];
	_ =	sdelay $0x3  }
0x34: {  	[smem:$0x3FB4] =	sst s10  }
0x35: {  	s10 =	sld [smem:$0x3FB3];
	_ =	sdelay $0x3  }
0x36: {  	p1 =	seq.s32 s10, $0x1;
	s10 =	sld [smem:$0x3FB4];
	_ =	sdelay $0x3  }
0x37: {  	[smem:$0x3FB4] =	sst s10  }
0x38: {  	s10 =	sld [smem:$0x3FB5]  }
0x39: {  	_ = 	snop;
	(pc) =	sbr.ind lr, $3  }
0x3a: {  	_ = 	snop  }
0x3b: {  	_ = 	snop  }
0x3c: {  	p2 =	seq.s32 s10, $0x1;
	s10 =	sld [smem:$0x3FB4]  }
0x3d: {  	_ =	shalt  }
0x3e: {  	_ =	shalt  }
0x3f: {  	_ =	shalt  }
0x40: {  	_ =	shalt  }
0x41: {  	_ =	shalt  }
0x42: {  	_ =	shalt  }
0x43: {  	_ =	shalt  }
0x44: {  	_ =	shalt  }
0x45: {  	_ =	shalt  }
0x46: {  	_ =	shalt  }
0x47: {  	_ =	shalt  }
0x48: {  	_ =	shalt  }
0x49: {  	_ =	shalt  }
0x4a: {  	_ =	shalt  }
0x4b: {  	_ =	shalt  }
0x4c: {  	_ =	shalt  }
0x4d: {  	_ =	shalt  }
0x4e: {  	_ =	shalt  }
0x4f: {  	_ =	shalt  }
0x50: {  	_ =	shalt  }
0x51: {  	_ =	shalt  }
0x52: {  	_ =	shalt  }
0x53: {  	_ =	shalt  }
0x54: {  	_ =	shalt  }
0x55: {  	_ =	shalt  }
0x56: {  	_ =	shalt  }
0x57: {  	_ =	shalt  }
0x58: {  	_ =	shalt  }
0x59: {  	_ =	shalt  }
0x5a: {  	_ =	shalt  }
0x5b: {  	_ =	shalt  }
0x5c: {  	_ =	shalt  }
0x5d: {  	_ =	shalt  }
0x5e: {  	_ =	shalt  }
0x5f: {  	_ =	shalt  }
0x60: {  	_ =	shalt  }
0x61: {  	_ =	shalt  }
0x62: {  	_ =	shalt  }
0x63: {  	_ =	shalt  }
0x64: {  	_ =	shalt  }
0x65: {  	_ =	shalt  }
0x66: {  	_ =	shalt  }
0x67: {  	_ =	shalt  }
0x68: {  	_ =	shalt  }
0x69: {  	_ =	shalt  }
0x6a: {  	_ =	shalt  }
0x6b: {  	_ =	shalt  }
0x6c: {  	_ =	shalt  }
0x6d: {  	_ =	shalt  }
0x6e: {  	_ =	shalt  }
0x6f: {  	_ =	shalt  }
0x70: {  	_ =	shalt  }
0x71: {  	_ =	shalt  }
0x72: {  	_ =	shalt  }
0x73: {  	_ =	shalt  }
0x74: {  	_ =	shalt  }
0x75: {  	_ =	shalt  }
0x76: {  	_ =	shalt  }
0x77: {  	_ =	shalt  }
0x78: {  	_ =	shalt  }
0x79: {  	_ =	shalt  }
0x7a: {  	_ =	shalt  }
0x7b: {  	_ =	shalt  }
0x7c: {  	_ =	shalt  }
0x7d: {  	_ =	shalt  }
0x7e: {  	_ =	shalt  }
0x7f: {  	_ =	shalt  }
0x80: {  	_ =	shalt  }
0x81: {  	_ =	shalt  }
0x82: {  	_ =	shalt  }
0x83: {  	_ =	shalt  }
0x84: {  	_ =	shalt  }
0x85: {  	_ =	shalt  }
0x86: {  	_ =	shalt  }
0x87: {  	_ =	shalt  }
.Lfunc_end0:
.L_simem_size_0:
called_computation_lowered:
.L_overlay_start_0:
0x88: {  	s2 =	sld [smem:$0x3FD9]  }
0x89: {  	s3 =	sld [smem:$0x3FFE];
	_ =	sdelay $0x1  }
0x8a: {  	s1 =	srdreg.scid  }
0x8b: {  	s0 =	sand.u32 $0x1, s1  }
0x8c: {  	s16 =	sshll.u32 s0, $0xA;
	s2 =	sadd.s32 s3, s2  }
0x8d: {  	s2 =	sadd.s32 s2, s16  }
0x8e: {  	[smem:$0x3FC0] =	sst s2  }
0x8f: {  	_ = 	snop  }
0x90: {  	(tm) =	ssettm $0x1  }
0x91: {  	s17 =	sld [smem:$0x3FFB];
	_ =	sdelay $0x3  }
0x92: {  	_ =	strace s17  }
0x93: {  	s2 =	sld [smem:$0x3FFC];
	_ =	sdelay $0x3  }
0x94: {  	_ =	strace s2  }
0x95: {  	s2 =	sld [smem:$0x3FFD];
	_ =	sdelay $0x3  }
0x96: {  	_ =	strace s2  }
0x97: {  	_ =	strace $0x8FFFFFFF  }
0x98: {  	s18 =	sld [smem:$0x3FDB];
	_ =	sdelay $0x1  }
0x99: {  	s19 =	simm.s32 $_scs_section_size  }
0x9a: {  	s4 =	simm.s32 $_size__tile_overlayer_lowered;
	s5 =	simm.s32 $_tile_overlayer_lowered  }
0x9b: {  	s22 =	simm.s32 $0x1BFF;
	s21 =	sshll.u32 s5, $0x1;
	s2 =	sadd.s32 s19, s18  }
0x9c: {  	s6 =	simm.s32 $0x0;
	s20 =	sshll.u32 s4, $0x1;
	s4 =	sadd.s32 s21, s2  }
0x9d: {  	[timem:s6], [sflag:s22] =	dma.local [hbm:s4], s20  }
0x9e: {  	_ =	swait.ge [sflag:s22], s20  }
0x9f: {  	s3 =	ssub.s32 $0x0, s20;
	[sflag:s22] =	ssyncset.done $0x0  }
0xa0: {  	[sflag:s22] =	ssyncadd.s32 s3;
	_ =	sdelay $0x1  }
0xa1: {  	s23 =	simm.s32 $0x1B8B  }
0xa2: {  	_ =	swait.ge [sflag:s23], $0x1  }
0xa3: {  	[sflag:s23] =	ssyncset.done $0x0  }
0xa4: {  	s25 =	simm.s32 $0x1B8E;
	s24 =	sld [smem:$0x3FFE];
	[sflag:s23] =	ssyncadd.s32 $0xFFFFFFFF  }
0xa5: {  	s26 =	simm.s32 $execute0_lowered;
	[smem:$0x3FD2] =	sst s25  }
0xa6: {  	s4 =	sshll.u32 s26, $0x1;
	_ =	strace $0x80000046;
	[dreg:$0x1] =	wrdreg $0xFFFFFFFF  }
0xa7: {  	s28 =	simm.s32 $_size_execute0_lowered;
	s2 =	sadd.s32 s2, s4;
	[dreg:$0x0] =	wrdreg $0x0  }
0xa8: {  	s4 =	sshll.u32 s28, $0x1;
	[dreg:$0x2] =	wrdreg s2  }
0xa9: {  	[dreg:$0x3] =	wrdreg s4  }
0xaa: {  	[dreg:$0x4] =	wrdreg $0xC0  }
0xab: {  	_ =	task [dreg:s6], $0x5FFFF  }
0xac: {  	[dreg:$0x1] =	wrdreg $0xFFFFFFFF  }
0xad: {  	[dreg:$0x0] =	wrdreg $0x60  }
0xae: {  	[dreg:$0x2] =	wrdreg s24  }
0xaf: {  	[dreg:$0x3] =	wrdreg $0x0  }
0xb0: {  	[dreg:$0x4] =	wrdreg $0x9  }
0xb1: {  	_ =	task.clear_ibuf [dreg:s6], $0x5FFFF;
	_ =	strace $0x90000046  }
0xb2: {  	s29 =	simm.s32 $0x9;
	_ =	strace $0x80000048  }
0xb3: {  	_ =	swait.ge [sflag:s29], $0x1  }
0xb4: {  	[sflag:s29] =	ssyncadd.s32 $0xFFFFFFFF  }
0xb5: {  	_ =	strace $0x90000048  }
0xb6: {  	_ =	sfence  }
0xb7: {  	s30 =	sld [smem:$0x0];
	_ =	sdelay $0x2  }
0xb8: {  	s31 =	sshll.u32 s1, $0xD;
	s1 =	sshrl.u32 s1, $0x2  }
0xb9: {  	s3 =	sand.u32 $0x4000, s31;
	s1 =	sadd.s32 s1, s30  }
0xba: {  	s0 =	sor.u32 s3, s0;
	s1 =	sshll.u32 s1, $0x11  }
0xbb: {  	s0 =	sor.u32 s1, s0  }
0xbc: {  	s0 =	sadd.s32 $0x8F2B, s0  }
0xbd: {  	[sflag:s0] =	ssyncadd.remote.s32 $0x1  }
0xbe: {  	_ =	sfence.sel $0xFFFF  }
0xbf: {  	[dreg:$0x0] =	wrdreg $0xFFFFFFFF;
	(pc) =	sbr.abs _section_cstart, $3  }
0xc0: {  	[dreg:$0x1] =	wrdreg $0xFFFFFFFF  }
0xc1: {  	_ =	task.clear_ibuf [dreg:s6], $0x2FFFF;
	_ =	strace $0x9FFFFFFF  }
0xc2: {  	(tm) =	ssettm $0x7FFFFFFF  }
0xc3: {  	_ =	shalt  }
tec
execute0_lowered:
.L_overlay_start_1:
0x0: {  	(tag) =	ssettag $0x1  }
0x1: {  	s0 =	rddreg [dreg:$0x0]  }
0x2: {  	s2 =	rddreg [dreg:$0x1];
	s4 =	srdreg.scid;
	s3 =	simm.s32 $0x0  }
0x3: {  	s1 =	stileid.u32;
	s18 =	simm.s32 $0x14100;
	s19 =	simm.s32 $0x3  }
0x4: {  	s20 =	simm.s32 $0x14080;
	s21 =	simm.s32 $0x14180;
	s22 =	simm.s32 $0x1  }
0x5: {  	s23 =	simm.s32 $0x80;
	s24 =	simm.s32 $0x14200;
	s28 =	simm.s32 $0x0  }
0x6: {  	s4 =	sand.u32 $0x1, s4;
	[smem:$0x7FF] =	sst s3;
	s5 =	smul.u32 $0x2800, s1  }
0x7: {  	s16 =	sadd.s32 $0xC200, s0;
	s15 =	sadd.s32 $0x2200, s0;
	s26 =	smul.u32 $0x50000, s1  }
0x8: {  	s9 =	sshll.u32 s1, $0x6;
	s6 =	sshll.u32 s4, $0x4;
	_ =	strace $0x80000047  }
0x9: {  	s7 =	smul.u32 $0x28000, s4;
	s4 =	ssub.s32 $0x2, s4;
	s6 =	sor.u32 s1, s6  }
0xa: {  	s8 =	sadd.s32 s5, s0;
	s25 =	sshrl.u32 s4, $0x1;
	s6 =	smul.u32 $0x2800, s6  }
0xb: {  	s12 =	sadd.s32 s5, s7;
	s10 =	ssub.s32 s4, s25;
	s7 =	sadd.s32 $0x16200, s8  }
0xc: {  	s8 =	sor.u32 $0x1C03, s9;
	s25 =	simm.s32 $0x18200;
	s0 =	sadd.s32 s12, s0  }
0xd: {  	s10 =	smax.u32 s10, $0x1;
	s13 =	sor.u32 $0x100, s12;
	s14 =	sor.u32 $0x80, s12  }
0xe: {  	s11 =	sshrl.u32 s6, $0x3;
	s6 =	sshrl.u32 s26, $0x2;
	s9 =	sadd.s32 $0x3E200, s0  }
0xf: {  	s31 =	sshrl.u32 s13, $0x3;
	s17 =	sshrl.u32 s14, $0x3;
	s26 =	simm.s32 $0x2  }
0x10: {  	s29 =	sadd.s32 s16, s11;
	s5 =	sadd.s32 s15, s11;
	s6 =	sadd.s32 s6, s2  }
0x11: {  	s30 =	sadd.s32 $0x4F0, s11;
	s13 =	sadd.s32 s31, s15;
	s14 =	sadd.s32 s31, s16  }
0x12: {  	[dreg:$0x3] =	wrdreg s29;
	s11 =	sadd.s32 s16, s30;
	s12 =	sadd.s32 s15, s30  }
0x13: {  	v0 =	vimm.f32 $1.000000000e+00;
	v1 =	vimm.f32 $0.0e+00;
	s15 =	sadd.s32 s17, s15;
	s16 =	sadd.s32 s17, s16;
	s17 =	simm.s32 $0x14000  }
.LBB2_1:
0x14: {  	s29 =	simm.s32 $0x0;
	s30 =	simm.s32 $0x200  }
.LBB2_2:
0x15: {  	p0 =	sne.s32 s30, $0xFE00;
	[tilespmem:s29+$0x18270] =	vst v1  }
0x16: {  	[tilespmem:s29+$0x14200] =	vst v0  }
0x17: {  	[tilespmem:s29+$0x18200] =	vst v1  }
0x18: {  	[tilespmem:s29+$0x14210] =	vst v1  }
0x19: {  	[tilespmem:s29+$0x18210] =	vst v0  }
0x1a: {  	[tilespmem:s29+$0x14220] =	vst v1  }
0x1b: {  	[tilespmem:s29+$0x18220] =	vst v1  }
0x1c: {  	[tilespmem:s29+$0x14230] =	vst v1  }
0x1d: {  	[tilespmem:s29+$0x18230] =	vst v1  }
0x1e: {  	[tilespmem:s29+$0x14240] =	vst v1  }
0x1f: {  	[tilespmem:s29+$0x18240] =	vst v1  }
.Ltmp0:
0x20: {  	[tilespmem:s29+$0x14250] =	vst v1;
	(pc) =	sbr.rel @p0 .LBB2_2-.Ltmp0, $4  }
0x21: {  	[tilespmem:s29+$0x18250] =	vst v1  }
0x22: {  	[tilespmem:s29+$0x14260] =	vst v1  }
0x23: {  	[tilespmem:s29+$0x18260] =	vst v1  }
0x24: {  	[tilespmem:s29+$0x14270] =	vst v1;
	s29 =	sshra.s32 s30, $0x2;
	s30 =	sadd.s32 $0x200, s30  }
0x25: {  	[tilespmem:s29+$0x18270] =	vst v1  }
0x26: {  	[tilespmem:s29+$0x14200] =	vst v0  }
0x27: {  	[tilespmem:s29+$0x18200] =	vst v1  }
0x28: {  	[tilespmem:s29+$0x14210] =	vst v1  }
0x29: {  	[tilespmem:s29+$0x18210] =	vst v0  }
0x2a: {  	[tilespmem:s29+$0x14220] =	vst v1  }
0x2b: {  	[tilespmem:s29+$0x18220] =	vst v1  }
0x2c: {  	[tilespmem:s29+$0x14230] =	vst v1  }
0x2d: {  	[tilespmem:s29+$0x18230] =	vst v1  }
0x2e: {  	[tilespmem:s29+$0x14240] =	vst v1  }
0x2f: {  	[tilespmem:s29+$0x18240] =	vst v1  }
0x30: {  	[tilespmem:s29+$0x14250] =	vst v1  }
0x31: {  	[tilespmem:s29+$0x18250] =	vst v1  }
0x32: {  	[tilespmem:s29+$0x14260] =	vst v1  }
0x33: {  	[tilespmem:s29+$0x18260] =	vst v1  }
0x34: {  	[tilespmem:s29+$0x14270] =	vst v1;
	s0 =	simm.s32 $0x0;
	s1 =	rddreg [dreg:$0x3]  }
0x35: {  	[tilespmem:s17], [sflag:$0x1] =	stream.linear.gather [hbm4b:s1+s0], $0x80, $0x38;
	[tilespmem:$0x1C200] =	vst v63  }
0x36: {  	s29 =	sshrl.u32 s6, $0x3  }
0x37: {  	[tilespmem:s18], [sflag:$0x1] =	stream.linear.gather [hbm4b:s5+s0], $0x80, $0x38;
	[tilespmem:$0x1C200] =	vst v63  }
0x38: {  	[spmem:s29], [sflag:s8] =	dma.local [hbm:s7], $0x2800  }
0x39: {  	_ =	swait.ge [sflag:s19], $0x2800  }
0x3a: {  	[sflag:s19] =	ssyncset.done $0x0  }
0x3b: {  	[sflag:s19] =	ssyncadd.s32 $0xFFFFD800  }
0x3c: {  	s1 =	sadd.s32 $0x0, s16;
	[bflag:$0x0] =	sbarrier.arrive $0xFFFF  }
0x3d: {  	[tilespmem:s20], [sflag:$0x2] =	stream.linear.gather [hbm4b:s1+s3], $0x80, $0x38;
	[tilespmem:$0x1C200] =	vst v63  }
0x3e: {  	s4 =	sadd.s32 $0x0, s15  }
0x3f: {  	[tilespmem:s21], [sflag:$0x2] =	stream.linear.gather [hbm4b:s4+s3], $0x80, $0x38;
	[tilespmem:$0x1C200] =	vst v63  }
0x40: {  	_ =	swait.ge [sflag:s22], $0x80  }
0x41: {  	[sflag:s22] =	ssyncset.done $0x0  }
0x42: {  	[sflag:s22] =	ssyncadd.s32 $0xFFFFFF80  }
0x43: {  	_ =	swait.ge [sflag:s22], $0x80  }
0x44: {  	[sflag:s22] =	ssyncset.done $0x0  }
0x45: {  	[sflag:s22] =	ssyncadd.s32 $0xFFFFFF80  }
0x46: {  	[spmem:s2] =	stream.indirect.scatter.add.f32 [tilespmem:s24], [sflag:$0x3], $0x80, s17, s23, $0xb8;
	[tilespmem:$0x1C200] =	vst v63  }
0x47: {  	_ =	swait.ge [sflag:s19], $0x4000  }
0x48: {  	[sflag:s19] =	ssyncset.done $0x0  }
0x49: {  	[sflag:s19] =	ssyncadd.s32 $0xFFFFC000  }
0x4a: {  	[spmem:s2] =	stream.indirect.scatter.add.f32 [tilespmem:s25], [sflag:$0x3], $0x80, s18, s23, $0xb8;
	[tilespmem:$0x1C200] =	vst v63  }
0x4b: {  	_ =	swait.ge [sflag:s19], $0x4000  }
0x4c: {  	[sflag:s19] =	ssyncset.done $0x0  }
0x4d: {  	s1 =	sadd.s32 $0x0, s14;
	[sflag:s19] =	ssyncadd.s32 $0xFFFFC000  }
0x4e: {  	[tilespmem:s17], [sflag:$0x1] =	stream.linear.gather [hbm4b:s1+s3], $0x80, $0x38;
	[tilespmem:$0x1C200] =	vst v63  }
0x4f: {  	s4 =	sadd.s32 $0x0, s13  }
0x50: {  	[tilespmem:s18], [sflag:$0x1] =	stream.linear.gather [hbm4b:s4+s3], $0x80, $0x38;
	[tilespmem:$0x1C200] =	vst v63  }
0x51: {  	_ =	swait.ge [sflag:s26], $0x80  }
0x52: {  	[sflag:s26] =	ssyncset.done $0x0  }
0x53: {  	[sflag:s26] =	ssyncadd.s32 $0xFFFFFF80  }
0x54: {  	_ =	swait.ge [sflag:s26], $0x80  }
0x55: {  	[sflag:s26] =	ssyncset.done $0x0  }
0x56: {  	[sflag:s26] =	ssyncadd.s32 $0xFFFFFF80  }
0x57: {  	[spmem:s2] =	stream.indirect.scatter.add.f32 [tilespmem:s24], [sflag:$0x3], $0x80, s20, s23, $0xb8;
	[tilespmem:$0x1C200] =	vst v63  }
0x58: {  	_ =	swait.ge [sflag:s19], $0x4000  }
0x59: {  	[sflag:s19] =	ssyncset.done $0x0  }
0x5a: {  	[sflag:s19] =	ssyncadd.s32 $0xFFFFC000  }
0x5b: {  	[spmem:s2] =	stream.indirect.scatter.add.f32 [tilespmem:s25], [sflag:$0x3], $0x80, s21, s23, $0xb8;
	[tilespmem:$0x1C200] =	vst v63  }
0x5c: {  	_ =	swait.ge [sflag:s19], $0x4000  }
0x5d: {  	s30 =	simm.s32 $0x20;
	s31 =	simm.s32 $0x40;
	[sflag:s19] =	ssyncset.done $0x0  }
.LBB2_4:
0x5e: {  	s1 =	sadd.s32 s30, s16  }
0x5f: {  	[sflag:s19] =	ssyncadd.s32 $0xFFFFC000;
	s4 =	smov.u32 s31;
	s0 =	sadd.s32 $0x20, s31  }
0x60: {  	[tilespmem:s20], [sflag:$0x2] =	stream.linear.gather [hbm4b:s1+s3], $0x80, $0x38;
	[tilespmem:$0x1C200] =	vst v63  }
0x61: {  	p0 =	sne.s32 s31, $0x4C0;
	s1 =	sadd.s32 s30, s15  }
0x62: {  	[tilespmem:s21], [sflag:$0x2] =	stream.linear.gather [hbm4b:s1+s3], $0x80, $0x38;
	[tilespmem:$0x1C200] =	vst v63  }
0x63: {  	_ =	swait.ge [sflag:s22], $0x80  }
0x64: {  	[sflag:s22] =	ssyncset.done $0x0  }
0x65: {  	[sflag:s22] =	ssyncadd.s32 $0xFFFFFF80  }
0x66: {  	_ =	swait.ge [sflag:s22], $0x80  }
0x67: {  	[sflag:s22] =	ssyncset.done $0x0  }
0x68: {  	[sflag:s22] =	ssyncadd.s32 $0xFFFFFF80  }
0x69: {  	[spmem:s2] =	stream.indirect.scatter.add.f32 [tilespmem:s24], [sflag:$0x3], $0x80, s17, s23, $0xb8;
	[tilespmem:$0x1C200] =	vst v63  }
0x6a: {  	_ =	swait.ge [sflag:s19], $0x4000  }
0x6b: {  	[sflag:s19] =	ssyncset.done $0x0  }
0x6c: {  	[sflag:s19] =	ssyncadd.s32 $0xFFFFC000  }
0x6d: {  	[spmem:s2] =	stream.indirect.scatter.add.f32 [tilespmem:s25], [sflag:$0x3], $0x80, s18, s23, $0xb8;
	[tilespmem:$0x1C200] =	vst v63  }
0x6e: {  	_ =	swait.ge [sflag:s19], $0x4000  }
0x6f: {  	[sflag:s19] =	ssyncset.done $0x0  }
0x70: {  	s1 =	sadd.s32 s30, s14;
	[sflag:s19] =	ssyncadd.s32 $0xFFFFC000  }
0x71: {  	[tilespmem:s17], [sflag:$0x1] =	stream.linear.gather [hbm4b:s1+s3], $0x80, $0x38;
	[tilespmem:$0x1C200] =	vst v63  }
0x72: {  	s1 =	sadd.s32 s30, s13;
	s30 =	smov.u32 s4  }
0x73: {  	[tilespmem:s18], [sflag:$0x1] =	stream.linear.gather [hbm4b:s1+s3], $0x80, $0x38;
	[tilespmem:$0x1C200] =	vst v63  }
0x74: {  	_ =	swait.ge [sflag:s26], $0x80  }
0x75: {  	[sflag:s26] =	ssyncset.done $0x0  }
0x76: {  	[sflag:s26] =	ssyncadd.s32 $0xFFFFFF80  }
0x77: {  	_ =	swait.ge [sflag:s26], $0x80  }
0x78: {  	[sflag:s26] =	ssyncset.done $0x0  }
0x79: {  	[sflag:s26] =	ssyncadd.s32 $0xFFFFFF80  }
0x7a: {  	[spmem:s2] =	stream.indirect.scatter.add.f32 [tilespmem:s24], [sflag:$0x3], $0x80, s20, s23, $0xb8;
	[tilespmem:$0x1C200] =	vst v63  }
0x7b: {  	_ =	swait.ge [sflag:s19], $0x4000  }
.Ltmp1:
0x7c: {  	[sflag:s19] =	ssyncset.done $0x0;
	(pc) =	sbr.rel @p0 .LBB2_4-.Ltmp1, $4  }
0x7d: {  	[sflag:s19] =	ssyncadd.s32 $0xFFFFC000  }
0x7e: {  	[spmem:s2] =	stream.indirect.scatter.add.f32 [tilespmem:s25], [sflag:$0x3], $0x80, s21, s23, $0xb8;
	[tilespmem:$0x1C200] =	vst v63  }
0x7f: {  	_ =	swait.ge [sflag:s19], $0x4000  }
0x80: {  	s31 =	smov.u32 s0;
	[sflag:s19] =	ssyncset.done $0x0  }
0x81: {  	s0 =	sadd.s32 s30, s16;
	[sflag:s19] =	ssyncadd.s32 $0xFFFFC000  }
0x82: {  	[tilespmem:s20], [sflag:$0x2] =	stream.linear.gather [hbm4b:s0+s3], $0x80, $0x38;
	[tilespmem:$0x1C200] =	vst v63  }
0x83: {  	s1 =	sadd.s32 s30, s15  }
0x84: {  	[tilespmem:s21], [sflag:$0x2] =	stream.linear.gather [hbm4b:s1+s3], $0x80, $0x38;
	[tilespmem:$0x1C200] =	vst v63  }
0x85: {  	_ =	swait.ge [sflag:s22], $0x80  }
0x86: {  	[sflag:s22] =	ssyncset.done $0x0  }
0x87: {  	[sflag:s22] =	ssyncadd.s32 $0xFFFFFF80  }
0x88: {  	_ =	swait.ge [sflag:s22], $0x80  }
0x89: {  	[sflag:s22] =	ssyncset.done $0x0  }
0x8a: {  	[sflag:s22] =	ssyncadd.s32 $0xFFFFFF80  }
0x8b: {  	[spmem:s2] =	stream.indirect.scatter.add.f32 [tilespmem:s24], [sflag:$0x3], $0x80, s17, s23, $0xb8;
	[tilespmem:$0x1C200] =	vst v63  }
0x8c: {  	_ =	swait.ge [sflag:s19], $0x4000  }
0x8d: {  	[sflag:s19] =	ssyncset.done $0x0  }
0x8e: {  	[sflag:s19] =	ssyncadd.s32 $0xFFFFC000  }
0x8f: {  	[spmem:s2] =	stream.indirect.scatter.add.f32 [tilespmem:s25], [sflag:$0x3], $0x80, s18, s23, $0xb8;
	[tilespmem:$0x1C200] =	vst v63  }
0x90: {  	_ =	swait.ge [sflag:s19], $0x4000  }
0x91: {  	[sflag:s19] =	ssyncset.done $0x0  }
0x92: {  	s4 =	sadd.s32 s30, s14;
	[sflag:s19] =	ssyncadd.s32 $0xFFFFC000  }
0x93: {  	[tilespmem:s17], [sflag:$0x1] =	stream.linear.gather [hbm4b:s4+s3], $0x80, $0x38;
	[tilespmem:$0x1C200] =	vst v63  }
0x94: {  	s31 =	sadd.s32 s30, s13  }
0x95: {  	[tilespmem:s18], [sflag:$0x1] =	stream.linear.gather [hbm4b:s31+s3], $0x80, $0x38;
	[tilespmem:$0x1C200] =	vst v63  }
0x96: {  	_ =	swait.ge [sflag:s26], $0x80  }
0x97: {  	[sflag:s26] =	ssyncset.done $0x0  }
0x98: {  	[sflag:s26] =	ssyncadd.s32 $0xFFFFFF80  }
0x99: {  	_ =	swait.ge [sflag:s26], $0x80  }
0x9a: {  	[sflag:s26] =	ssyncset.done $0x0  }
0x9b: {  	[sflag:s26] =	ssyncadd.s32 $0xFFFFFF80  }
0x9c: {  	[spmem:s2] =	stream.indirect.scatter.add.f32 [tilespmem:s24], [sflag:$0x3], $0x80, s20, s23, $0xb8;
	[tilespmem:$0x1C200] =	vst v63  }
0x9d: {  	_ =	swait.ge [sflag:s19], $0x4000  }
0x9e: {  	[sflag:s19] =	ssyncset.done $0x0  }
0x9f: {  	[sflag:s19] =	ssyncadd.s32 $0xFFFFC000  }
0xa0: {  	[spmem:s2] =	stream.indirect.scatter.add.f32 [tilespmem:s25], [sflag:$0x3], $0x80, s21, s23, $0xb8;
	[tilespmem:$0x1C200] =	vst v63  }
0xa1: {  	_ =	swait.ge [sflag:s19], $0x4000  }
0xa2: {  	[sflag:s19] =	ssyncset.done $0x0  }
0xa3: {  	[sflag:s19] =	ssyncadd.s32 $0xFFFFC000  }
0xa4: {  	[tilespmem:s20], [sflag:$0x2] =	stream.linear.gather [hbm4b:s11+s3], $0x80, $0x38;
	[tilespmem:$0x1C200] =	vst v63  }
0xa5: {  	_ = 	snop  }
0xa6: {  	[tilespmem:s21], [sflag:$0x2] =	stream.linear.gather [hbm4b:s12+s3], $0x80, $0x38;
	[tilespmem:$0x1C200] =	vst v63  }
0xa7: {  	_ =	swait.ge [sflag:s22], $0x80  }
0xa8: {  	[sflag:s22] =	ssyncset.done $0x0  }
0xa9: {  	[sflag:s22] =	ssyncadd.s32 $0xFFFFFF80  }
0xaa: {  	_ =	swait.ge [sflag:s22], $0x80  }
0xab: {  	[sflag:s22] =	ssyncset.done $0x0  }
0xac: {  	[sflag:s22] =	ssyncadd.s32 $0xFFFFFF80  }
0xad: {  	[spmem:s2] =	stream.indirect.scatter.add.f32 [tilespmem:s24], [sflag:$0x3], $0x80, s17, s23, $0xb8;
	[tilespmem:$0x1C200] =	vst v63  }
0xae: {  	_ =	swait.ge [sflag:s19], $0x4000  }
0xaf: {  	[sflag:s19] =	ssyncset.done $0x0  }
0xb0: {  	[sflag:s19] =	ssyncadd.s32 $0xFFFFC000  }
0xb1: {  	[spmem:s2] =	stream.indirect.scatter.add.f32 [tilespmem:s25], [sflag:$0x3], $0x80, s18, s23, $0xb8;
	[tilespmem:$0x1C200] =	vst v63  }
0xb2: {  	_ =	swait.ge [sflag:s19], $0x4000  }
0xb3: {  	[sflag:s19] =	ssyncset.done $0x0  }
0xb4: {  	[sflag:s19] =	ssyncadd.s32 $0xFFFFC000  }
0xb5: {  	_ =	swait.ge [sflag:s26], $0x80  }
0xb6: {  	[sflag:s26] =	ssyncset.done $0x0  }
0xb7: {  	[sflag:s26] =	ssyncadd.s32 $0xFFFFFF80  }
0xb8: {  	_ =	swait.ge [sflag:s26], $0x80  }
0xb9: {  	[sflag:s26] =	ssyncset.done $0x0  }
0xba: {  	[sflag:s26] =	ssyncadd.s32 $0xFFFFFF80  }
0xbb: {  	[spmem:s2] =	stream.indirect.scatter.add.f32 [tilespmem:s24], [sflag:$0x3], $0x80, s20, s23, $0xb8;
	[tilespmem:$0x1C200] =	vst v63  }
0xbc: {  	_ =	swait.ge [sflag:s19], $0x4000  }
0xbd: {  	[sflag:s19] =	ssyncset.done $0x0  }
0xbe: {  	[sflag:s19] =	ssyncadd.s32 $0xFFFFC000  }
0xbf: {  	[spmem:s2] =	stream.indirect.scatter.add.f32 [tilespmem:s25], [sflag:$0x3], $0x80, s21, s23, $0xb8;
	[tilespmem:$0x1C200] =	vst v63  }
0xc0: {  	_ =	swait.ge [sflag:s19], $0x4000  }
0xc1: {  	s28 =	sadd.s32 $0x1, s28;
	[sflag:s19] =	ssyncset.done $0x0  }
0xc2: {  	p0 =	sne.s32 s28, s10;
	[sflag:s19] =	ssyncadd.s32 $0xFFFFC000  }
.Ltmp2:
0xc3: {  	[bflag:$0x0] =	sbarrier.arrive $0xFFFF;
	(pc) =	sbr.rel @p0 .LBB2_1-.Ltmp2, $4  }
0xc4: {  	[hbm:s9], [sflag:s8] =	dma.local [spmem:s29], $0x2800  }
0xc5: {  	_ =	swait.ge [sflag:s19], $0x2800  }
0xc6: {  	[sflag:s19] =	ssyncset.done $0x0  }
0xc7: {  	[sflag:s19] =	ssyncadd.s32 $0xFFFFD800  }
0xc8: {  	_ =	sfence.sel $0x180000  }
0xc9: {  	[bflag:$0x0] =	sbarrier.arrive $0xFFFF  }
0xca: {  	_ =	strace $0x90000047  }
0xcb: {  	s0 =	stileid.u32;
	[bflag:$0x2] =	sbarrier.arrive $0xFFFF  }
0xcc: {  	p0 =	sne.s32 s0, $0x0;
	s0 =	rddreg [dreg:$0x2]  }
0xcd: {  	s0 =	sadd.s32 @!p0 $0x100000, s0  }
0xce: {  	[sflag:s0] =	ssyncadd.tile.s32 @!p0 $0x1;
	_ =	shalt  }
.Lfunc_end2:
_tile_overlayer_lowered:
.L_overlay_start_2:
0xcf: {  	(tag) =	ssettag $0x2  }
0xd0: {  	s0 =	rddreg [dreg:$0x0];
	s2 =	stileid.u32  }
0xd1: {  	s1 =	rddreg [dreg:$0x1];
	p0 =	sne.s32 s2, $0x0  }
0xd2: {  	s3 =	rddreg [dreg:$0x2];
	[bflag:$0x3] =	sbarrier.arrive $0xFFFF;
	s2 =	simm.s32 @!p0 $0x1C03  }
0xd3: {  	[timem:s3], [sflag:s2] =	dma.local @!p0 [hbm:s0], s1  }
0xd4: {  	s0 =	simm.s32 @!p0 $0x3  }
0xd5: {  	_ =	swait.ge @!p0 [sflag:s0], s1  }
0xd6: {  	s1 =	ssub.s32 @!p0 $0x0, s1;
	[sflag:s0] =	ssyncset.done @!p0 $0x0  }
0xd7: {  	[sflag:s0] =	ssyncadd.s32 @!p0 s1  }
0xd8: {  	[bflag:$0x3] =	sbarrier.arrive $0xFFFF  }
0xd9: {  	_ =	shalt  }

</sc_bundles>
